<compile_context>
chip_gen: v7x
topology: tpu7x:2x2x1
jax: 0.10.2.dev20260603
libtpu: 0.0.44.dev20260713+nightly
codegen_flags: <defaults>
</compile_context>

<pallas_src>
import functools

import jax
import jax.numpy as jnp
from jax import lax
from jax.experimental import pallas as pl
from jax.experimental.pallas import tpu as pltpu
from jax.experimental.pallas import tpu_sc as plsc

_BIGRAM_VOCAB = 1000000
_MULT = 1009
_DIM = 32
_NW = 32
_CHUNK = 1600
_NBUF = 2


def _hash_body(ids_ref, out_ref):
    ids = ids_ref[...]
    prev = jnp.concatenate(
        [jnp.zeros((ids.shape[0], 1), jnp.int32), ids[:, :-1]], axis=1
    )
    w = (prev * _MULT + ids) % _BIGRAM_VOCAB
    out_ref[...] = w - w % 512 + 4 * (w % 128) + (w % 512) // 128


def _bigram_ids(input_ids):
    return pl.pallas_call(
        _hash_body,
        out_shape=jax.ShapeDtypeStruct(input_ids.shape, jnp.int32),
    )(input_ids)


def _sc_gather(table, idx_flat):
    n = idx_flat.shape[0]
    per_w = n // _NW
    group = _NBUF * _CHUNK
    ngroups = per_w // group
    assert per_w % group == 0
    mesh = plsc.VectorSubcoreMesh(core_axis_name="c", subcore_axis_name="s")

    @functools.partial(
        pl.kernel,
        out_type=jax.ShapeDtypeStruct((n, _DIM), jnp.float32),
        mesh=mesh,
        scratch_types=[
            pltpu.VMEM((_NBUF, _CHUNK), jnp.int32),
            pltpu.VMEM((_NBUF, _CHUNK, _DIM), jnp.float32),
            pltpu.SemaphoreType.DMA((_NBUF,)),
            pltpu.SemaphoreType.DMA((_NBUF,)),
            pltpu.SemaphoreType.DMA((_NBUF,)),
        ],
        compiler_params=pltpu.CompilerParams(use_tc_tiling_on_sc=False),
    )
    def k(table_hbm, i_hbm, o_hbm, idx_v, rows_v, sem_i, sem_g, sem_o):
        wid = lax.axis_index("c") * 16 + lax.axis_index("s")
        w_base = wid * per_w

        @pl.loop(0, ngroups)
        def _(g):
            base = w_base + g * group
            idx_cps = []
            for b in range(_NBUF):
                idx_cps.append(
                    pltpu.async_copy(
                        i_hbm.at[pl.ds(base + b * _CHUNK, _CHUNK)],
                        idx_v.at[b],
                        sem_i.at[b],
                    )
                )
            gather_cps = []
            for b in range(_NBUF):
                idx_cps[b].wait()

                @pl.when(g > 0)
                def _wait_prev_out(b=b):
                    pltpu.make_async_copy(
                        rows_v.at[b],
                        o_hbm.at[pl.ds(w_base, _CHUNK)],
                        sem_o.at[b],
                    ).wait()

                gather_cps.append(
                    pltpu.async_copy(
                        table_hbm.at[idx_v.at[b]],
                        rows_v.at[b],
                        sem_g.at[b],
                    )
                )
            for b in range(_NBUF):
                gather_cps[b].wait()
                pltpu.async_copy(
                    rows_v.at[b],
                    o_hbm.at[pl.ds(base + b * _CHUNK, _CHUNK)],
                    sem_o.at[b],
                )

        for b in range(_NBUF):
            pltpu.make_async_copy(
                rows_v.at[b],
                o_hbm.at[pl.ds(w_base, _CHUNK)],
                sem_o.at[b],
            ).wait()

    return k(table, idx_flat)


_VB = 51200


def _ttr_body(in_ref, out_ref):
    x = in_ref[...]
    for m in range(_VB // 512):
        tile = jnp.concatenate(
            [x[:, m * 512 + u * 128 : m * 512 + (u + 1) * 128] for u in range(4)],
            axis=0,
        )
        out_ref[pl.ds(m * 128, 128), :] = tile.T


def _table_to_linear(emb_weight):
    vocab = emb_weight.shape[0]
    groups = (vocab + 511) // 512
    slots = ((groups * 128 + 127) // 128) * 512
    tt = jnp.transpose(emb_weight, (1, 0))
    steps = (vocab + _VB - 1) // _VB
    out = pl.pallas_call(
        _ttr_body,
        grid=(steps,),
        in_specs=[pl.BlockSpec((_DIM, _VB), lambda i: (0, i))],
        out_specs=pl.BlockSpec((_VB // 4, 128), lambda i: (i, 0)),
        out_shape=jax.ShapeDtypeStruct((slots // 4, 128), jnp.float32),
    )(tt)
    return out.reshape(slots, _DIM)


_BBLK = 128


def _transpose_body(in_ref, out_ref):
    x = in_ref[...]
    seq_per = in_ref.shape[0] // _BBLK
    x3 = x.reshape(_BBLK, seq_per, 128)
    for rr in range(seq_per):
        out_ref[pl.ds(rr * 128, 128), :] = x3[:, rr, :].T


def _to_final_layout(rows, batch, seq):
    n = rows.shape[0]
    xr = rows.reshape(n // 4, 128)
    rows_per_blk = _BBLK * seq // 4
    t = pl.pallas_call(
        _transpose_body,
        grid=(batch // _BBLK,),
        in_specs=[
            pl.BlockSpec((rows_per_blk, 128), lambda i: (i, 0)),
        ],
        out_specs=pl.BlockSpec((seq * _DIM, _BBLK), lambda i: (0, i)),
        out_shape=jax.ShapeDtypeStruct((seq * _DIM, batch), jnp.float32),
    )(xr)
    return jnp.transpose(t.reshape(seq, _DIM, batch), (2, 0, 1))


def kernel(input_ids, emb_weight):
    batch, seq = input_ids.shape
    ids = _bigram_ids(input_ids)
    table_lin = _table_to_linear(emb_weight)
    rows = _sc_gather(table_lin, ids.reshape(batch * seq))
    return _to_final_layout(rows, batch, seq)

# --- scband reference (transcript-rebuilt; emitter-appended) ---
"""Pipeline reference for scband-bigram-hash-58909771432835 (READ-ONLY COPY).

The authoritative reference and input builder live on the scoring server;
editing this copy changes nothing except your own understanding.
"""

import jax, jax.numpy as jnp
import numpy as np

BIGRAM_VOCAB = 1000000
DIM = 32
TOKEN_VOCAB = 100000
BATCH = 4096
SEQ = 200


def setup_inputs(seed: int = 0) -> dict:
    key = jax.random.key(seed)
    k1, k2 = jax.random.split(key)
    input_ids = jax.random.randint(k1, (BATCH, SEQ), 0, TOKEN_VOCAB, dtype=jnp.int32)
    emb_weight = jax.random.normal(k2, (BIGRAM_VOCAB, DIM), dtype=jnp.float32) * 0.005
    return {"input_ids": input_ids, "emb_weight": emb_weight}


def reference(input_ids, emb_weight):
    prev_ids = jnp.zeros_like(input_ids)
    prev_ids = prev_ids.at[:, 1:].set(input_ids[:, :-1])
    bigram_ids = (prev_ids * 1009 + input_ids) % BIGRAM_VOCAB
    return jnp.take(emb_weight, bigram_ids, axis=0)

if __name__ == "__main__":
    import jax
    _d = setup_inputs()
    print(jax.jit(kernel)(*tuple(_d.values())))

</pallas_src>

<mosaic_0001>
#map = affine_map<(d0, d1) -> (0, 0)>
#map1 = affine_map<(d0, d1) -> (0)>
module attributes {stable_mosaic.version = 14 : i64} {
  func.func @k(%arg0: i32, %arg1: i32, %arg2: memref<1000448x32xf32, #tpu.memory_space<hbm>>, %arg3: memref<819200xi32, #tpu.memory_space<hbm>>, %arg4: memref<819200x32xf32, #tpu.memory_space<hbm>>, %arg5: memref<2x1600xi32, #tpu.memory_space<vmem>>, %arg6: memref<2x1600x32xf32, #tpu.memory_space<vmem>>, %arg7: memref<2x!tpu.dma_semaphore, #tpu.memory_space<semaphore_mem>>, %arg8: memref<2x!tpu.dma_semaphore, #tpu.memory_space<semaphore_mem>>, %arg9: memref<2x!tpu.dma_semaphore, #tpu.memory_space<semaphore_mem>>) attributes {dimension_semantics = [#tpu.dimension_semantics<core_parallel>, #tpu.dimension_semantics<subcore_parallel>], iteration_bounds = array<i64: 2, 16>, scalar_prefetch = 0 : i64, scratch_operands = 5 : i64, tpu.core_type = #tpu.core_type<sc_vector_subcore>, window_params = [{transform_indices = #map}, {transform_indices = #map1}, {transform_indices = #map}]} {
    %mul3A = arith.constant 16 : i32
    %mul3A_0 = arith.muli %arg0, %mul3A : i32
    %add3A = arith.addi %mul3A_0, %arg1 : i32
    %mul3A_1 = arith.constant 25600 : i32
    %mul3A_2 = arith.muli %add3A, %mul3A_1 : i32
    %scan3A = arith.constant 0 : i32
    %scan3A_3 = arith.constant 8 : i32
    %scan3A_4 = arith.addi %scan3A, %scan3A_3 : i32
    %scan3A_5 = arith.constant 1 : i32
    scf.for %scan3A_38 = %scan3A to %scan3A_4 step %scan3A_5  : i32 {
      %mul3A_39 = arith.constant 1 : i32
      %mul3A_40 = arith.muli %scan3A_38, %mul3A_39 : i32
      %add3A_41 = arith.constant 0 : i32
      %add3A_42 = arith.addi %add3A_41, %mul3A_40 : i32
      %mul3A_43 = arith.constant 3200 : i32
      %mul3A_44 = arith.muli %add3A_42, %mul3A_43 : i32
      %add3A_45 = arith.addi %mul3A_2, %mul3A_44 : i32
      %add3A_46 = arith.constant 0 : i32
      %add3A_47 = arith.addi %add3A_45, %add3A_46 : i32
      %dma_start3A = arith.constant 0 : i32
      %dma_start3A_48 = arith.constant 0 : i32
      %dma_start3A_49 = arith.constant 0 : i32
      %dma_start3A_50 = tpu.memref_slice %arg5[%dma_start3A, %dma_start3A_49] : memref<2x1600xi32, #tpu.memory_space<vmem>> -> memref<1x1600xi32, #tpu.memory_space<vmem>>
      %dma_start3A_51 = tpu.memref_squeeze %dma_start3A_50 : memref<1x1600xi32, #tpu.memory_space<vmem>> -> memref<1600xi32, #tpu.memory_space<vmem>>
      %dma_start3A_52 = tpu.memref_slice %arg3[%add3A_47] : memref<819200xi32, #tpu.memory_space<hbm>> -> memref<1600xi32, #tpu.memory_space<hbm>>
      %dma_start3A_53 = tpu.memref_slice %arg7[%dma_start3A_48] : memref<2x!tpu.dma_semaphore, #tpu.memory_space<semaphore_mem>> -> memref<1x!tpu.dma_semaphore, #tpu.memory_space<semaphore_mem>>
      %dma_start3A_54 = tpu.memref_squeeze %dma_start3A_53 : memref<1x!tpu.dma_semaphore, #tpu.memory_space<semaphore_mem>> -> memref<!tpu.dma_semaphore, #tpu.memory_space<semaphore_mem>>
      %dma_start3A_55 = arith.constant 0 : i32
      %dma_start3A_56 = tpu.memref_slice %arg5[%dma_start3A, %dma_start3A_55] : memref<2x1600xi32, #tpu.memory_space<vmem>> -> memref<1x1600xi32, #tpu.memory_space<vmem>>
      %dma_start3A_57 = tpu.memref_squeeze %dma_start3A_56 : memref<1x1600xi32, #tpu.memory_space<vmem>> -> memref<1600xi32, #tpu.memory_space<vmem>>
      %dma_start3A_58 = tpu.memref_slice %arg3[%add3A_47] : memref<819200xi32, #tpu.memory_space<hbm>> -> memref<1600xi32, #tpu.memory_space<hbm>>
      tpu.enqueue_dma source(%dma_start3A_58 : memref<1600xi32, #tpu.memory_space<hbm>>) target(%dma_start3A_57 : memref<1600xi32, #tpu.memory_space<vmem>>) target_semaphore(%dma_start3A_54 : memref<!tpu.dma_semaphore, #tpu.memory_space<semaphore_mem>>)
      %add3A_59 = arith.constant 1600 : i32
      %add3A_60 = arith.addi %add3A_45, %add3A_59 : i32
      %dma_start3A_61 = arith.constant 1 : i32
      %dma_start3A_62 = arith.constant 1 : i32
      %dma_start3A_63 = arith.constant 0 : i32
      %dma_start3A_64 = tpu.memref_slice %arg5[%dma_start3A_61, %dma_start3A_63] : memref<2x1600xi32, #tpu.memory_space<vmem>> -> memref<1x1600xi32, #tpu.memory_space<vmem>>
      %dma_start3A_65 = tpu.memref_squeeze %dma_start3A_64 : memref<1x1600xi32, #tpu.memory_space<vmem>> -> memref<1600xi32, #tpu.memory_space<vmem>>
      %dma_start3A_66 = tpu.memref_slice %arg3[%add3A_60] : memref<819200xi32, #tpu.memory_space<hbm>> -> memref<1600xi32, #tpu.memory_space<hbm>>
      %dma_start3A_67 = tpu.memref_slice %arg7[%dma_start3A_62] : memref<2x!tpu.dma_semaphore, #tpu.memory_space<semaphore_mem>> -> memref<1x!tpu.dma_semaphore, #tpu.memory_space<semaphore_mem>>
      %dma_start3A_68 = tpu.memref_squeeze %dma_start3A_67 : memref<1x!tpu.dma_semaphore, #tpu.memory_space<semaphore_mem>> -> memref<!tpu.dma_semaphore, #tpu.memory_space<semaphore_mem>>
      %dma_start3A_69 = arith.constant 0 : i32
      %dma_start3A_70 = tpu.memref_slice %arg5[%dma_start3A_61, %dma_start3A_69] : memref<2x1600xi32, #tpu.memory_space<vmem>> -> memref<1x1600xi32, #tpu.memory_space<vmem>>
      %dma_start3A_71 = tpu.memref_squeeze %dma_start3A_70 : memref<1x1600xi32, #tpu.memory_space<vmem>> -> memref<1600xi32, #tpu.memory_space<vmem>>
      %dma_start3A_72 = tpu.memref_slice %arg3[%add3A_60] : memref<819200xi32, #tpu.memory_space<hbm>> -> memref<1600xi32, #tpu.memory_space<hbm>>
      tpu.enqueue_dma source(%dma_start3A_72 : memref<1600xi32, #tpu.memory_space<hbm>>) target(%dma_start3A_71 : memref<1600xi32, #tpu.memory_space<vmem>>) target_semaphore(%dma_start3A_68 : memref<!tpu.dma_semaphore, #tpu.memory_space<semaphore_mem>>)
      %dma_wait3A_73 = arith.constant 0 : i32
      %dma_wait3A_74 = arith.constant 0 : i32
      %dma_wait3A_75 = arith.constant 0 : i32
      %dma_wait3A_76 = tpu.memref_slice %arg5[%dma_wait3A_73, %dma_wait3A_75] : memref<2x1600xi32, #tpu.memory_space<vmem>> -> memref<1x1600xi32, #tpu.memory_space<vmem>>
      %dma_wait3A_77 = tpu.memref_squeeze %dma_wait3A_76 : memref<1x1600xi32, #tpu.memory_space<vmem>> -> memref<1600xi32, #tpu.memory_space<vmem>>
      %dma_wait3A_78 = tpu.memref_slice %arg3[%add3A_47] : memref<819200xi32, #tpu.memory_space<hbm>> -> memref<1600xi32, #tpu.memory_space<hbm>>
      %dma_wait3A_79 = tpu.memref_slice %arg7[%dma_wait3A_74] : memref<2x!tpu.dma_semaphore, #tpu.memory_space<semaphore_mem>> -> memref<1x!tpu.dma_semaphore, #tpu.memory_space<semaphore_mem>>
      %dma_wait3A_80 = tpu.memref_squeeze %dma_wait3A_79 : memref<1x!tpu.dma_semaphore, #tpu.memory_space<semaphore_mem>> -> memref<!tpu.dma_semaphore, #tpu.memory_space<semaphore_mem>>
      %dma_wait3A_81 = arith.constant 0 : i32
      %dma_wait3A_82 = tpu.memref_slice %arg5[%dma_wait3A_73, %dma_wait3A_81] : memref<2x1600xi32, #tpu.memory_space<vmem>> -> memref<1x1600xi32, #tpu.memory_space<vmem>>
      %dma_wait3A_83 = tpu.memref_squeeze %dma_wait3A_82 : memref<1x1600xi32, #tpu.memory_space<vmem>> -> memref<1600xi32, #tpu.memory_space<vmem>>
      %dma_wait3A_84 = tpu.memref_slice %arg3[%add3A_47] : memref<819200xi32, #tpu.memory_space<hbm>> -> memref<1600xi32, #tpu.memory_space<hbm>>
      tpu.wait_dma2 semaphore(%dma_wait3A_80 : memref<!tpu.dma_semaphore, #tpu.memory_space<semaphore_mem>>) src(%dma_wait3A_84 : memref<1600xi32, #tpu.memory_space<hbm>>) dst(%dma_wait3A_83 : memref<1600xi32, #tpu.memory_space<vmem>>)
      %gt3A = arith.constant 0 : i32
      %gt3A_85 = arith.cmpi sgt, %add3A_42, %gt3A : i32
      %convert_element_type3A = arith.extui %gt3A_85 : i1 to i32
      %cond3A = arith.constant 0 : i32
      %cond3A_86 = arith.cmpi ne, %convert_element_type3A, %cond3A : i32
      scf.if %cond3A_86 {
        %dma_wait3A_200 = arith.constant 0 : i32
        %dma_wait3A_201 = arith.constant 0 : i32
        %dma_wait3A_202 = arith.constant 0 : i32
        %dma_wait3A_203 = arith.constant 0 : i32
        %dma_wait3A_204 = tpu.memref_slice %arg6[%dma_wait3A_200, %dma_wait3A_202, %dma_wait3A_203] : memref<2x1600x32xf32, #tpu.memory_space<vmem>> -> memref<1x1600x32xf32, #tpu.memory_space<vmem>>
        %dma_wait3A_205 = tpu.memref_squeeze %dma_wait3A_204 : memref<1x1600x32xf32, #tpu.memory_space<vmem>> -> memref<1600x32xf32, #tpu.memory_space<vmem>>
        %dma_wait3A_206 = arith.constant 0 : i32
        %dma_wait3A_207 = tpu.memref_slice %arg4[%mul3A_2, %dma_wait3A_206] : memref<819200x32xf32, #tpu.memory_space<hbm>> -> memref<1600x32xf32, #tpu.memory_space<hbm>>
        %dma_wait3A_208 = tpu.memref_slice %arg9[%dma_wait3A_201] : memref<2x!tpu.dma_semaphore, #tpu.memory_space<semaphore_mem>> -> memref<1x!tpu.dma_semaphore, #tpu.memory_space<semaphore_mem>>
        %dma_wait3A_209 = tpu.memref_squeeze %dma_wait3A_208 : memref<1x!tpu.dma_semaphore, #tpu.memory_space<semaphore_mem>> -> memref<!tpu.dma_semaphore, #tpu.memory_space<semaphore_mem>>
        %dma_wait3A_210 = arith.constant 0 : i32
        %dma_wait3A_211 = tpu.memref_slice %arg4[%mul3A_2, %dma_wait3A_210] : memref<819200x32xf32, #tpu.memory_space<hbm>> -> memref<1600x32xf32, #tpu.memory_space<hbm>>
        %dma_wait3A_212 = arith.constant 0 : i32
        %dma_wait3A_213 = arith.constant 0 : i32
        %dma_wait3A_214 = tpu.memref_slice %arg6[%dma_wait3A_200, %dma_wait3A_212, %dma_wait3A_213] : memref<2x1600x32xf32, #tpu.memory_space<vmem>> -> memref<1x1600x32xf32, #tpu.memory_space<vmem>>
        %dma_wait3A_215 = tpu.memref_squeeze %dma_wait3A_214 : memref<1x1600x32xf32, #tpu.memory_space<vmem>> -> memref<1600x32xf32, #tpu.memory_space<vmem>>
        tpu.wait_dma2 semaphore(%dma_wait3A_209 : memref<!tpu.dma_semaphore, #tpu.memory_space<semaphore_mem>>) src(%dma_wait3A_215 : memref<1600x32xf32, #tpu.memory_space<vmem>>) dst(%dma_wait3A_211 : memref<1600x32xf32, #tpu.memory_space<hbm>>)
      } else {
      }
      %dma_start3A_87 = arith.constant 0 : i32
      %dma_start3A_88 = arith.constant 0 : i32
      %dma_start3A_89 = arith.constant 0 : i32
      %dma_start3A_90 = arith.constant 0 : i32
      %dma_start3A_91 = arith.constant 0 : i32
      %dma_start3A_92 = tpu.memref_slice %arg6[%dma_start3A_88, %dma_start3A_90, %dma_start3A_91] : memref<2x1600x32xf32, #tpu.memory_space<vmem>> -> memref<1x1600x32xf32, #tpu.memory_space<vmem>>
      %dma_start3A_93 = tpu.memref_squeeze %dma_start3A_92 : memref<1x1600x32xf32, #tpu.memory_space<vmem>> -> memref<1600x32xf32, #tpu.memory_space<vmem>>
      %dma_start3A_94 = arith.constant 0 : i32
      %dma_start3A_95 = tpu.memref_slice %arg5[%dma_start3A_87, %dma_start3A_94] : memref<2x1600xi32, #tpu.memory_space<vmem>> -> memref<1x1600xi32, #tpu.memory_space<vmem>>
      %dma_start3A_96 = tpu.memref_squeeze %dma_start3A_95 : memref<1x1600xi32, #tpu.memory_space<vmem>> -> memref<1600xi32, #tpu.memory_space<vmem>>
      %dma_start3A_97 = arith.constant 0 : i32
      %dma_start3A_98 = arith.constant 0 : i32
      %dma_start3A_99 = tpu.memref_slice %arg2[%dma_start3A_97, %dma_start3A_98] : memref<1000448x32xf32, #tpu.memory_space<hbm>> -> memref<1000448x32xf32, #tpu.memory_space<hbm>>
      %dma_start3A_100 = tpu.memref_slice %arg8[%dma_start3A_89] : memref<2x!tpu.dma_semaphore, #tpu.memory_space<semaphore_mem>> -> memref<1x!tpu.dma_semaphore, #tpu.memory_space<semaphore_mem>>
      %dma_start3A_101 = tpu.memref_squeeze %dma_start3A_100 : memref<1x!tpu.dma_semaphore, #tpu.memory_space<semaphore_mem>> -> memref<!tpu.dma_semaphore, #tpu.memory_space<semaphore_mem>>
      tpu.enqueue_indirect_dma source(%dma_start3A_99 : memref<1000448x32xf32, #tpu.memory_space<hbm>>) target(%dma_start3A_93 : memref<1600x32xf32, #tpu.memory_space<vmem>>) offsets(%dma_start3A_96 : memref<1600xi32, #tpu.memory_space<vmem>>) semaphore(%dma_start3A_101 : memref<!tpu.dma_semaphore, #tpu.memory_space<semaphore_mem>>)
      %dma_wait3A_102 = arith.constant 1 : i32
      %dma_wait3A_103 = arith.constant 1 : i32
      %dma_wait3A_104 = arith.constant 0 : i32
      %dma_wait3A_105 = tpu.memref_slice %arg5[%dma_wait3A_102, %dma_wait3A_104] : memref<2x1600xi32, #tpu.memory_space<vmem>> -> memref<1x1600xi32, #tpu.memory_space<vmem>>
      %dma_wait3A_106 = tpu.memref_squeeze %dma_wait3A_105 : memref<1x1600xi32, #tpu.memory_space<vmem>> -> memref<1600xi32, #tpu.memory_space<vmem>>
      %dma_wait3A_107 = tpu.memref_slice %arg3[%add3A_60] : memref<819200xi32, #tpu.memory_space<hbm>> -> memref<1600xi32, #tpu.memory_space<hbm>>
      %dma_wait3A_108 = tpu.memref_slice %arg7[%dma_wait3A_103] : memref<2x!tpu.dma_semaphore, #tpu.memory_space<semaphore_mem>> -> memref<1x!tpu.dma_semaphore, #tpu.memory_space<semaphore_mem>>
      %dma_wait3A_109 = tpu.memref_squeeze %dma_wait3A_108 : memref<1x!tpu.dma_semaphore, #tpu.memory_space<semaphore_mem>> -> memref<!tpu.dma_semaphore, #tpu.memory_space<semaphore_mem>>
      %dma_wait3A_110 = arith.constant 0 : i32
      %dma_wait3A_111 = tpu.memref_slice %arg5[%dma_wait3A_102, %dma_wait3A_110] : memref<2x1600xi32, #tpu.memory_space<vmem>> -> memref<1x1600xi32, #tpu.memory_space<vmem>>
      %dma_wait3A_112 = tpu.memref_squeeze %dma_wait3A_111 : memref<1x1600xi32, #tpu.memory_space<vmem>> -> memref<1600xi32, #tpu.memory_space<vmem>>
      %dma_wait3A_113 = tpu.memref_slice %arg3[%add3A_60] : memref<819200xi32, #tpu.memory_space<hbm>> -> memref<1600xi32, #tpu.memory_space<hbm>>
      tpu.wait_dma2 semaphore(%dma_wait3A_109 : memref<!tpu.dma_semaphore, #tpu.memory_space<semaphore_mem>>) src(%dma_wait3A_113 : memref<1600xi32, #tpu.memory_space<hbm>>) dst(%dma_wait3A_112 : memref<1600xi32, #tpu.memory_space<vmem>>)
      %gt3A_114 = arith.constant 0 : i32
      %gt3A_115 = arith.cmpi sgt, %add3A_42, %gt3A_114 : i32
      %convert_element_type3A_116 = arith.extui %gt3A_115 : i1 to i32
      %cond3A_117 = arith.constant 0 : i32
      %cond3A_118 = arith.cmpi ne, %convert_element_type3A_116, %cond3A_117 : i32
      scf.if %cond3A_118 {
        %dma_wait3A_200 = arith.constant 1 : i32
        %dma_wait3A_201 = arith.constant 1 : i32
        %dma_wait3A_202 = arith.constant 0 : i32
        %dma_wait3A_203 = arith.constant 0 : i32
        %dma_wait3A_204 = tpu.memref_slice %arg6[%dma_wait3A_200, %dma_wait3A_202, %dma_wait3A_203] : memref<2x1600x32xf32, #tpu.memory_space<vmem>> -> memref<1x1600x32xf32, #tpu.memory_space<vmem>>
        %dma_wait3A_205 = tpu.memref_squeeze %dma_wait3A_204 : memref<1x1600x32xf32, #tpu.memory_space<vmem>> -> memref<1600x32xf32, #tpu.memory_space<vmem>>
        %dma_wait3A_206 = arith.constant 0 : i32
        %dma_wait3A_207 = tpu.memref_slice %arg4[%mul3A_2, %dma_wait3A_206] : memref<819200x32xf32, #tpu.memory_space<hbm>> -> memref<1600x32xf32, #tpu.memory_space<hbm>>
        %dma_wait3A_208 = tpu.memref_slice %arg9[%dma_wait3A_201] : memref<2x!tpu.dma_semaphore, #tpu.memory_space<semaphore_mem>> -> memref<1x!tpu.dma_semaphore, #tpu.memory_space<semaphore_mem>>
        %dma_wait3A_209 = tpu.memref_squeeze %dma_wait3A_208 : memref<1x!tpu.dma_semaphore, #tpu.memory_space<semaphore_mem>> -> memref<!tpu.dma_semaphore, #tpu.memory_space<semaphore_mem>>
        %dma_wait3A_210 = arith.constant 0 : i32
        %dma_wait3A_211 = tpu.memref_slice %arg4[%mul3A_2, %dma_wait3A_210] : memref<819200x32xf32, #tpu.memory_space<hbm>> -> memref<1600x32xf32, #tpu.memory_space<hbm>>
        %dma_wait3A_212 = arith.constant 0 : i32
        %dma_wait3A_213 = arith.constant 0 : i32
        %dma_wait3A_214 = tpu.memref_slice %arg6[%dma_wait3A_200, %dma_wait3A_212, %dma_wait3A_213] : memref<2x1600x32xf32, #tpu.memory_space<vmem>> -> memref<1x1600x32xf32, #tpu.memory_space<vmem>>
        %dma_wait3A_215 = tpu.memref_squeeze %dma_wait3A_214 : memref<1x1600x32xf32, #tpu.memory_space<vmem>> -> memref<1600x32xf32, #tpu.memory_space<vmem>>
        tpu.wait_dma2 semaphore(%dma_wait3A_209 : memref<!tpu.dma_semaphore, #tpu.memory_space<semaphore_mem>>) src(%dma_wait3A_215 : memref<1600x32xf32, #tpu.memory_space<vmem>>) dst(%dma_wait3A_211 : memref<1600x32xf32, #tpu.memory_space<hbm>>)
      } else {
      }
      %dma_start3A_119 = arith.constant 1 : i32
      %dma_start3A_120 = arith.constant 1 : i32
      %dma_start3A_121 = arith.constant 1 : i32
      %dma_start3A_122 = arith.constant 0 : i32
      %dma_start3A_123 = arith.constant 0 : i32
      %dma_start3A_124 = tpu.memref_slice %arg6[%dma_start3A_120, %dma_start3A_122, %dma_start3A_123] : memref<2x1600x32xf32, #tpu.memory_space<vmem>> -> memref<1x1600x32xf32, #tpu.memory_space<vmem>>
      %dma_start3A_125 = tpu.memref_squeeze %dma_start3A_124 : memref<1x1600x32xf32, #tpu.memory_space<vmem>> -> memref<1600x32xf32, #tpu.memory_space<vmem>>
      %dma_start3A_126 = arith.constant 0 : i32
      %dma_start3A_127 = tpu.memref_slice %arg5[%dma_start3A_119, %dma_start3A_126] : memref<2x1600xi32, #tpu.memory_space<vmem>> -> memref<1x1600xi32, #tpu.memory_space<vmem>>
      %dma_start3A_128 = tpu.memref_squeeze %dma_start3A_127 : memref<1x1600xi32, #tpu.memory_space<vmem>> -> memref<1600xi32, #tpu.memory_space<vmem>>
      %dma_start3A_129 = arith.constant 0 : i32
      %dma_start3A_130 = arith.constant 0 : i32
      %dma_start3A_131 = tpu.memref_slice %arg2[%dma_start3A_129, %dma_start3A_130] : memref<1000448x32xf32, #tpu.memory_space<hbm>> -> memref<1000448x32xf32, #tpu.memory_space<hbm>>
      %dma_start3A_132 = tpu.memref_slice %arg8[%dma_start3A_121] : memref<2x!tpu.dma_semaphore, #tpu.memory_space<semaphore_mem>> -> memref<1x!tpu.dma_semaphore, #tpu.memory_space<semaphore_mem>>
      %dma_start3A_133 = tpu.memref_squeeze %dma_start3A_132 : memref<1x!tpu.dma_semaphore, #tpu.memory_space<semaphore_mem>> -> memref<!tpu.dma_semaphore, #tpu.memory_space<semaphore_mem>>
      tpu.enqueue_indirect_dma source(%dma_start3A_131 : memref<1000448x32xf32, #tpu.memory_space<hbm>>) target(%dma_start3A_125 : memref<1600x32xf32, #tpu.memory_space<vmem>>) offsets(%dma_start3A_128 : memref<1600xi32, #tpu.memory_space<vmem>>) semaphore(%dma_start3A_133 : memref<!tpu.dma_semaphore, #tpu.memory_space<semaphore_mem>>)
      %dma_wait3A_134 = arith.constant 0 : i32
      %dma_wait3A_135 = arith.constant 0 : i32
      %dma_wait3A_136 = arith.constant 0 : i32
      %dma_wait3A_137 = arith.constant 0 : i32
      %dma_wait3A_138 = arith.constant 0 : i32
      %dma_wait3A_139 = tpu.memref_slice %arg6[%dma_wait3A_135, %dma_wait3A_137, %dma_wait3A_138] : memref<2x1600x32xf32, #tpu.memory_space<vmem>> -> memref<1x1600x32xf32, #tpu.memory_space<vmem>>
      %dma_wait3A_140 = tpu.memref_squeeze %dma_wait3A_139 : memref<1x1600x32xf32, #tpu.memory_space<vmem>> -> memref<1600x32xf32, #tpu.memory_space<vmem>>
      %dma_wait3A_141 = arith.constant 0 : i32
      %dma_wait3A_142 = tpu.memref_slice %arg5[%dma_wait3A_134, %dma_wait3A_141] : memref<2x1600xi32, #tpu.memory_space<vmem>> -> memref<1x1600xi32, #tpu.memory_space<vmem>>
      %dma_wait3A_143 = tpu.memref_squeeze %dma_wait3A_142 : memref<1x1600xi32, #tpu.memory_space<vmem>> -> memref<1600xi32, #tpu.memory_space<vmem>>
      %dma_wait3A_144 = arith.constant 0 : i32
      %dma_wait3A_145 = arith.constant 0 : i32
      %dma_wait3A_146 = tpu.memref_slice %arg2[%dma_wait3A_144, %dma_wait3A_145] : memref<1000448x32xf32, #tpu.memory_space<hbm>> -> memref<1000448x32xf32, #tpu.memory_space<hbm>>
      %dma_wait3A_147 = tpu.memref_slice %arg8[%dma_wait3A_136] : memref<2x!tpu.dma_semaphore, #tpu.memory_space<semaphore_mem>> -> memref<1x!tpu.dma_semaphore, #tpu.memory_space<semaphore_mem>>
      %dma_wait3A_148 = tpu.memref_squeeze %dma_wait3A_147 : memref<1x!tpu.dma_semaphore, #tpu.memory_space<semaphore_mem>> -> memref<!tpu.dma_semaphore, #tpu.memory_space<semaphore_mem>>
      tpu.wait_indirect_dma semaphore(%dma_wait3A_148 : memref<!tpu.dma_semaphore, #tpu.memory_space<semaphore_mem>>) src(%dma_wait3A_146 : memref<1000448x32xf32, #tpu.memory_space<hbm>>) dst(%dma_wait3A_140 : memref<1600x32xf32, #tpu.memory_space<vmem>>)
      %add3A_149 = arith.constant 0 : i32
      %add3A_150 = arith.addi %add3A_45, %add3A_149 : i32
      %dma_start3A_151 = arith.constant 0 : i32
      %dma_start3A_152 = arith.constant 0 : i32
      %dma_start3A_153 = arith.constant 0 : i32
      %dma_start3A_154 = arith.constant 0 : i32
      %dma_start3A_155 = tpu.memref_slice %arg6[%dma_start3A_151, %dma_start3A_153, %dma_start3A_154] : memref<2x1600x32xf32, #tpu.memory_space<vmem>> -> memref<1x1600x32xf32, #tpu.memory_space<vmem>>
      %dma_start3A_156 = tpu.memref_squeeze %dma_start3A_155 : memref<1x1600x32xf32, #tpu.memory_space<vmem>> -> memref<1600x32xf32, #tpu.memory_space<vmem>>
      %dma_start3A_157 = arith.constant 0 : i32
      %dma_start3A_158 = tpu.memref_slice %arg4[%add3A_150, %dma_start3A_157] : memref<819200x32xf32, #tpu.memory_space<hbm>> -> memref<1600x32xf32, #tpu.memory_space<hbm>>
      %dma_start3A_159 = tpu.memref_slice %arg9[%dma_start3A_152] : memref<2x!tpu.dma_semaphore, #tpu.memory_space<semaphore_mem>> -> memref<1x!tpu.dma_semaphore, #tpu.memory_space<semaphore_mem>>
      %dma_start3A_160 = tpu.memref_squeeze %dma_start3A_159 : memref<1x!tpu.dma_semaphore, #tpu.memory_space<semaphore_mem>> -> memref<!tpu.dma_semaphore, #tpu.memory_space<semaphore_mem>>
      %dma_start3A_161 = arith.constant 0 : i32
      %dma_start3A_162 = tpu.memref_slice %arg4[%add3A_150, %dma_start3A_161] : memref<819200x32xf32, #tpu.memory_space<hbm>> -> memref<1600x32xf32, #tpu.memory_space<hbm>>
      %dma_start3A_163 = arith.constant 0 : i32
      %dma_start3A_164 = arith.constant 0 : i32
      %dma_start3A_165 = tpu.memref_slice %arg6[%dma_start3A_151, %dma_start3A_163, %dma_start3A_164] : memref<2x1600x32xf32, #tpu.memory_space<vmem>> -> memref<1x1600x32xf32, #tpu.memory_space<vmem>>
      %dma_start3A_166 = tpu.memref_squeeze %dma_start3A_165 : memref<1x1600x32xf32, #tpu.memory_space<vmem>> -> memref<1600x32xf32, #tpu.memory_space<vmem>>
      tpu.enqueue_dma source(%dma_start3A_166 : memref<1600x32xf32, #tpu.memory_space<vmem>>) target(%dma_start3A_162 : memref<1600x32xf32, #tpu.memory_space<hbm>>) target_semaphore(%dma_start3A_160 : memref<!tpu.dma_semaphore, #tpu.memory_space<semaphore_mem>>)
      %dma_wait3A_167 = arith.constant 1 : i32
      %dma_wait3A_168 = arith.constant 1 : i32
      %dma_wait3A_169 = arith.constant 1 : i32
      %dma_wait3A_170 = arith.constant 0 : i32
      %dma_wait3A_171 = arith.constant 0 : i32
      %dma_wait3A_172 = tpu.memref_slice %arg6[%dma_wait3A_168, %dma_wait3A_170, %dma_wait3A_171] : memref<2x1600x32xf32, #tpu.memory_space<vmem>> -> memref<1x1600x32xf32, #tpu.memory_space<vmem>>
      %dma_wait3A_173 = tpu.memref_squeeze %dma_wait3A_172 : memref<1x1600x32xf32, #tpu.memory_space<vmem>> -> memref<1600x32xf32, #tpu.memory_space<vmem>>
      %dma_wait3A_174 = arith.constant 0 : i32
      %dma_wait3A_175 = tpu.memref_slice %arg5[%dma_wait3A_167, %dma_wait3A_174] : memref<2x1600xi32, #tpu.memory_space<vmem>> -> memref<1x1600xi32, #tpu.memory_space<vmem>>
      %dma_wait3A_176 = tpu.memref_squeeze %dma_wait3A_175 : memref<1x1600xi32, #tpu.memory_space<vmem>> -> memref<1600xi32, #tpu.memory_space<vmem>>
      %dma_wait3A_177 = arith.constant 0 : i32
      %dma_wait3A_178 = arith.constant 0 : i32
      %dma_wait3A_179 = tpu.memref_slice %arg2[%dma_wait3A_177, %dma_wait3A_178] : memref<1000448x32xf32, #tpu.memory_space<hbm>> -> memref<1000448x32xf32, #tpu.memory_space<hbm>>
      %dma_wait3A_180 = tpu.memref_slice %arg8[%dma_wait3A_169] : memref<2x!tpu.dma_semaphore, #tpu.memory_space<semaphore_mem>> -> memref<1x!tpu.dma_semaphore, #tpu.memory_space<semaphore_mem>>
      %dma_wait3A_181 = tpu.memref_squeeze %dma_wait3A_180 : memref<1x!tpu.dma_semaphore, #tpu.memory_space<semaphore_mem>> -> memref<!tpu.dma_semaphore, #tpu.memory_space<semaphore_mem>>
      tpu.wait_indirect_dma semaphore(%dma_wait3A_181 : memref<!tpu.dma_semaphore, #tpu.memory_space<semaphore_mem>>) src(%dma_wait3A_179 : memref<1000448x32xf32, #tpu.memory_space<hbm>>) dst(%dma_wait3A_173 : memref<1600x32xf32, #tpu.memory_space<vmem>>)
      %add3A_182 = arith.constant 1600 : i32
      %add3A_183 = arith.addi %add3A_45, %add3A_182 : i32
      %dma_start3A_184 = arith.constant 1 : i32
      %dma_start3A_185 = arith.constant 1 : i32
      %dma_start3A_186 = arith.constant 0 : i32
      %dma_start3A_187 = arith.constant 0 : i32
      %dma_start3A_188 = tpu.memref_slice %arg6[%dma_start3A_184, %dma_start3A_186, %dma_start3A_187] : memref<2x1600x32xf32, #tpu.memory_space<vmem>> -> memref<1x1600x32xf32, #tpu.memory_space<vmem>>
      %dma_start3A_189 = tpu.memref_squeeze %dma_start3A_188 : memref<1x1600x32xf32, #tpu.memory_space<vmem>> -> memref<1600x32xf32, #tpu.memory_space<vmem>>
      %dma_start3A_190 = arith.constant 0 : i32
      %dma_start3A_191 = tpu.memref_slice %arg4[%add3A_183, %dma_start3A_190] : memref<819200x32xf32, #tpu.memory_space<hbm>> -> memref<1600x32xf32, #tpu.memory_space<hbm>>
      %dma_start3A_192 = tpu.memref_slice %arg9[%dma_start3A_185] : memref<2x!tpu.dma_semaphore, #tpu.memory_space<semaphore_mem>> -> memref<1x!tpu.dma_semaphore, #tpu.memory_space<semaphore_mem>>
      %dma_start3A_193 = tpu.memref_squeeze %dma_start3A_192 : memref<1x!tpu.dma_semaphore, #tpu.memory_space<semaphore_mem>> -> memref<!tpu.dma_semaphore, #tpu.memory_space<semaphore_mem>>
      %dma_start3A_194 = arith.constant 0 : i32
      %dma_start3A_195 = tpu.memref_slice %arg4[%add3A_183, %dma_start3A_194] : memref<819200x32xf32, #tpu.memory_space<hbm>> -> memref<1600x32xf32, #tpu.memory_space<hbm>>
      %dma_start3A_196 = arith.constant 0 : i32
      %dma_start3A_197 = arith.constant 0 : i32
      %dma_start3A_198 = tpu.memref_slice %arg6[%dma_start3A_184, %dma_start3A_196, %dma_start3A_197] : memref<2x1600x32xf32, #tpu.memory_space<vmem>> -> memref<1x1600x32xf32, #tpu.memory_space<vmem>>
      %dma_start3A_199 = tpu.memref_squeeze %dma_start3A_198 : memref<1x1600x32xf32, #tpu.memory_space<vmem>> -> memref<1600x32xf32, #tpu.memory_space<vmem>>
      tpu.enqueue_dma source(%dma_start3A_199 : memref<1600x32xf32, #tpu.memory_space<vmem>>) target(%dma_start3A_195 : memref<1600x32xf32, #tpu.memory_space<hbm>>) target_semaphore(%dma_start3A_193 : memref<!tpu.dma_semaphore, #tpu.memory_space<semaphore_mem>>)
    }
    %scan3A_6 = arith.constant 8 : i32
    %dma_wait3A = arith.constant 0 : i32
    %dma_wait3A_7 = arith.constant 0 : i32
    %dma_wait3A_8 = arith.constant 0 : i32
    %dma_wait3A_9 = arith.constant 0 : i32
    %dma_wait3A_10 = tpu.memref_slice %arg6[%dma_wait3A, %dma_wait3A_8, %dma_wait3A_9] : memref<2x1600x32xf32, #tpu.memory_space<vmem>> -> memref<1x1600x32xf32, #tpu.memory_space<vmem>>
    %dma_wait3A_11 = tpu.memref_squeeze %dma_wait3A_10 : memref<1x1600x32xf32, #tpu.memory_space<vmem>> -> memref<1600x32xf32, #tpu.memory_space<vmem>>
    %dma_wait3A_12 = arith.constant 0 : i32
    %dma_wait3A_13 = tpu.memref_slice %arg4[%mul3A_2, %dma_wait3A_12] : memref<819200x32xf32, #tpu.memory_space<hbm>> -> memref<1600x32xf32, #tpu.memory_space<hbm>>
    %dma_wait3A_14 = tpu.memref_slice %arg9[%dma_wait3A_7] : memref<2x!tpu.dma_semaphore, #tpu.memory_space<semaphore_mem>> -> memref<1x!tpu.dma_semaphore, #tpu.memory_space<semaphore_mem>>
    %dma_wait3A_15 = tpu.memref_squeeze %dma_wait3A_14 : memref<1x!tpu.dma_semaphore, #tpu.memory_space<semaphore_mem>> -> memref<!tpu.dma_semaphore, #tpu.memory_space<semaphore_mem>>
    %dma_wait3A_16 = arith.constant 0 : i32
    %dma_wait3A_17 = tpu.memref_slice %arg4[%mul3A_2, %dma_wait3A_16] : memref<819200x32xf32, #tpu.memory_space<hbm>> -> memref<1600x32xf32, #tpu.memory_space<hbm>>
    %dma_wait3A_18 = arith.constant 0 : i32
    %dma_wait3A_19 = arith.constant 0 : i32
    %dma_wait3A_20 = tpu.memref_slice %arg6[%dma_wait3A, %dma_wait3A_18, %dma_wait3A_19] : memref<2x1600x32xf32, #tpu.memory_space<vmem>> -> memref<1x1600x32xf32, #tpu.memory_space<vmem>>
    %dma_wait3A_21 = tpu.memref_squeeze %dma_wait3A_20 : memref<1x1600x32xf32, #tpu.memory_space<vmem>> -> memref<1600x32xf32, #tpu.memory_space<vmem>>
    tpu.wait_dma2 semaphore(%dma_wait3A_15 : memref<!tpu.dma_semaphore, #tpu.memory_space<semaphore_mem>>) src(%dma_wait3A_21 : memref<1600x32xf32, #tpu.memory_space<vmem>>) dst(%dma_wait3A_17 : memref<1600x32xf32, #tpu.memory_space<hbm>>)
    %dma_wait3A_22 = arith.constant 1 : i32
    %dma_wait3A_23 = arith.constant 1 : i32
    %dma_wait3A_24 = arith.constant 0 : i32
    %dma_wait3A_25 = arith.constant 0 : i32
    %dma_wait3A_26 = tpu.memref_slice %arg6[%dma_wait3A_22, %dma_wait3A_24, %dma_wait3A_25] : memref<2x1600x32xf32, #tpu.memory_space<vmem>> -> memref<1x1600x32xf32, #tpu.memory_space<vmem>>
    %dma_wait3A_27 = tpu.memref_squeeze %dma_wait3A_26 : memref<1x1600x32xf32, #tpu.memory_space<vmem>> -> memref<1600x32xf32, #tpu.memory_space<vmem>>
    %dma_wait3A_28 = arith.constant 0 : i32
    %dma_wait3A_29 = tpu.memref_slice %arg4[%mul3A_2, %dma_wait3A_28] : memref<819200x32xf32, #tpu.memory_space<hbm>> -> memref<1600x32xf32, #tpu.memory_space<hbm>>
    %dma_wait3A_30 = tpu.memref_slice %arg9[%dma_wait3A_23] : memref<2x!tpu.dma_semaphore, #tpu.memory_space<semaphore_mem>> -> memref<1x!tpu.dma_semaphore, #tpu.memory_space<semaphore_mem>>
    %dma_wait3A_31 = tpu.memref_squeeze %dma_wait3A_30 : memref<1x!tpu.dma_semaphore, #tpu.memory_space<semaphore_mem>> -> memref<!tpu.dma_semaphore, #tpu.memory_space<semaphore_mem>>
    %dma_wait3A_32 = arith.constant 0 : i32
    %dma_wait3A_33 = tpu.memref_slice %arg4[%mul3A_2, %dma_wait3A_32] : memref<819200x32xf32, #tpu.memory_space<hbm>> -> memref<1600x32xf32, #tpu.memory_space<hbm>>
    %dma_wait3A_34 = arith.constant 0 : i32
    %dma_wait3A_35 = arith.constant 0 : i32
    %dma_wait3A_36 = tpu.memref_slice %arg6[%dma_wait3A_22, %dma_wait3A_34, %dma_wait3A_35] : memref<2x1600x32xf32, #tpu.memory_space<vmem>> -> memref<1x1600x32xf32, #tpu.memory_space<vmem>>
    %dma_wait3A_37 = tpu.memref_squeeze %dma_wait3A_36 : memref<1x1600x32xf32, #tpu.memory_space<vmem>> -> memref<1600x32xf32, #tpu.memory_space<vmem>>
    tpu.wait_dma2 semaphore(%dma_wait3A_31 : memref<!tpu.dma_semaphore, #tpu.memory_space<semaphore_mem>>) src(%dma_wait3A_37 : memref<1600x32xf32, #tpu.memory_space<vmem>>) dst(%dma_wait3A_33 : memref<1600x32xf32, #tpu.memory_space<hbm>>)
    return
  }
}

module attributes {stable_mosaic.version = 14 : i64} {
  func.func @_hash_body(%arg0: memref<4096x200xi32, #tpu.memory_space<vmem>>, %arg1: memref<4096x200xi32, #tpu.memory_space<vmem>>) attributes {dimension_semantics = [], scalar_prefetch = 0 : i64, scratch_operands = 0 : i64, tpu.core_type = #tpu.core_type<tc>} {
    %get3A = arith.constant 0 : index
    %get3A_0 = arith.constant 0 : index
    %get3A_1 = vector.load %arg0[%get3A, %get3A_0] : memref<4096x200xi32, #tpu.memory_space<vmem>>, vector<4096x200xi32>
    %broadcast_in_dim3A = arith.constant 0 : i32
    %broadcast_in_dim3A_2 = vector.broadcast %broadcast_in_dim3A : i32 to vector<4096x1xi32>
    %slice3A = vector.extract_strided_slice %get3A_1 {offsets = [0, 0], sizes = [4096, 199], strides = [1, 1]} : vector<4096x200xi32> to vector<4096x199xi32>
    %concatenate3A = tpu.concatenate %broadcast_in_dim3A_2, %slice3A in 1 : vector<4096x1xi32>, vector<4096x199xi32> -> vector<4096x200xi32>
    %mul3A = arith.constant 1009 : i32
    %mul3A_3 = vector.broadcast %mul3A : i32 to vector<4096x200xi32>
    %mul3A_4 = arith.muli %concatenate3A, %mul3A_3 : vector<4096x200xi32>
    %add3A = arith.addi %mul3A_4, %get3A_1 : vector<4096x200xi32>
    %jit3A = arith.constant 1000000 : i32
    %eq3A = arith.constant 0 : i32
    %eq3A_5 = arith.cmpi eq, %jit3A, %eq3A : i32
    %jit3A_6 = arith.constant 1 : i32
    %select_n3A = arith.select %eq3A_5, %jit3A_6, %jit3A : i32
    %rem3A = vector.broadcast %select_n3A : i32 to vector<4096x200xi32>
    %rem3A_7 = arith.remsi %add3A, %rem3A : vector<4096x200xi32>
    %ne3A = arith.constant 0 : i32
    %ne3A_8 = vector.broadcast %ne3A : i32 to vector<4096x200xi32>
    %ne3A_9 = arith.cmpi ne, %rem3A_7, %ne3A_8 : vector<4096x200xi32>
    %lt3A = arith.constant 0 : i32
    %lt3A_10 = vector.broadcast %lt3A : i32 to vector<4096x200xi32>
    %lt3A_11 = arith.cmpi slt, %rem3A_7, %lt3A_10 : vector<4096x200xi32>
    %lt3A_12 = arith.constant 0 : i32
    %lt3A_13 = arith.cmpi slt, %select_n3A, %lt3A_12 : i32
    %ne3A_14 = vector.broadcast %lt3A_13 : i1 to vector<4096x200xi1>
    %ne3A_15 = vector.broadcast %ne3A_14 : vector<4096x200xi1> to vector<4096x200xi1>
    %ne3A_16 = arith.xori %lt3A_11, %ne3A_15 : vector<4096x200xi1>
    %and3A = arith.andi %ne3A_16, %ne3A_9 : vector<4096x200xi1>
    %add3A_17 = vector.broadcast %select_n3A : i32 to vector<4096x200xi32>
    %add3A_18 = arith.addi %rem3A_7, %add3A_17 : vector<4096x200xi32>
    %select_n3A_19 = arith.select %and3A, %add3A_18, %rem3A_7 : vector<4096x200xi1>, vector<4096x200xi32>
    %jit3A_20 = arith.constant 512 : i32
    %eq3A_21 = arith.constant 0 : i32
    %eq3A_22 = arith.cmpi eq, %jit3A_20, %eq3A_21 : i32
    %jit3A_23 = arith.constant 1 : i32
    %select_n3A_24 = arith.select %eq3A_22, %jit3A_23, %jit3A_20 : i32
    %rem3A_25 = vector.broadcast %select_n3A_24 : i32 to vector<4096x200xi32>
    %rem3A_26 = arith.remsi %select_n3A_19, %rem3A_25 : vector<4096x200xi32>
    %ne3A_27 = arith.constant 0 : i32
    %ne3A_28 = vector.broadcast %ne3A_27 : i32 to vector<4096x200xi32>
    %ne3A_29 = arith.cmpi ne, %rem3A_26, %ne3A_28 : vector<4096x200xi32>
    %lt3A_30 = arith.constant 0 : i32
    %lt3A_31 = vector.broadcast %lt3A_30 : i32 to vector<4096x200xi32>
    %lt3A_32 = arith.cmpi slt, %rem3A_26, %lt3A_31 : vector<4096x200xi32>
    %lt3A_33 = arith.constant 0 : i32
    %lt3A_34 = arith.cmpi slt, %select_n3A_24, %lt3A_33 : i32
    %ne3A_35 = vector.broadcast %lt3A_34 : i1 to vector<4096x200xi1>
    %ne3A_36 = vector.broadcast %ne3A_35 : vector<4096x200xi1> to vector<4096x200xi1>
    %ne3A_37 = arith.xori %lt3A_32, %ne3A_36 : vector<4096x200xi1>
    %and3A_38 = arith.andi %ne3A_37, %ne3A_29 : vector<4096x200xi1>
    %add3A_39 = vector.broadcast %select_n3A_24 : i32 to vector<4096x200xi32>
    %add3A_40 = arith.addi %rem3A_26, %add3A_39 : vector<4096x200xi32>
    %select_n3A_41 = arith.select %and3A_38, %add3A_40, %rem3A_26 : vector<4096x200xi1>, vector<4096x200xi32>
    %sub3A = arith.subi %select_n3A_19, %select_n3A_41 : vector<4096x200xi32>
    %jit3A_42 = arith.constant 128 : i32
    %eq3A_43 = arith.constant 0 : i32
    %eq3A_44 = arith.cmpi eq, %jit3A_42, %eq3A_43 : i32
    %jit3A_45 = arith.constant 1 : i32
    %select_n3A_46 = arith.select %eq3A_44, %jit3A_45, %jit3A_42 : i32
    %rem3A_47 = vector.broadcast %select_n3A_46 : i32 to vector<4096x200xi32>
    %rem3A_48 = arith.remsi %select_n3A_19, %rem3A_47 : vector<4096x200xi32>
    %ne3A_49 = arith.constant 0 : i32
    %ne3A_50 = vector.broadcast %ne3A_49 : i32 to vector<4096x200xi32>
    %ne3A_51 = arith.cmpi ne, %rem3A_48, %ne3A_50 : vector<4096x200xi32>
    %lt3A_52 = arith.constant 0 : i32
    %lt3A_53 = vector.broadcast %lt3A_52 : i32 to vector<4096x200xi32>
    %lt3A_54 = arith.cmpi slt, %rem3A_48, %lt3A_53 : vector<4096x200xi32>
    %lt3A_55 = arith.constant 0 : i32
    %lt3A_56 = arith.cmpi slt, %select_n3A_46, %lt3A_55 : i32
    %ne3A_57 = vector.broadcast %lt3A_56 : i1 to vector<4096x200xi1>
    %ne3A_58 = vector.broadcast %ne3A_57 : vector<4096x200xi1> to vector<4096x200xi1>
    %ne3A_59 = arith.xori %lt3A_54, %ne3A_58 : vector<4096x200xi1>
    %and3A_60 = arith.andi %ne3A_59, %ne3A_51 : vector<4096x200xi1>
    %add3A_61 = vector.broadcast %select_n3A_46 : i32 to vector<4096x200xi32>
    %add3A_62 = arith.addi %rem3A_48, %add3A_61 : vector<4096x200xi32>
    %select_n3A_63 = arith.select %and3A_60, %add3A_62, %rem3A_48 : vector<4096x200xi1>, vector<4096x200xi32>
    %mul3A_64 = arith.constant 4 : i32
    %mul3A_65 = vector.broadcast %mul3A_64 : i32 to vector<4096x200xi32>
    %mul3A_66 = arith.muli %mul3A_65, %select_n3A_63 : vector<4096x200xi32>
    %add3A_67 = arith.addi %sub3A, %mul3A_66 : vector<4096x200xi32>
    %jit3A_68 = arith.constant 512 : i32
    %eq3A_69 = arith.constant 0 : i32
    %eq3A_70 = arith.cmpi eq, %jit3A_68, %eq3A_69 : i32
    %jit3A_71 = arith.constant 1 : i32
    %select_n3A_72 = arith.select %eq3A_70, %jit3A_71, %jit3A_68 : i32
    %rem3A_73 = vector.broadcast %select_n3A_72 : i32 to vector<4096x200xi32>
    %rem3A_74 = arith.remsi %select_n3A_19, %rem3A_73 : vector<4096x200xi32>
    %ne3A_75 = arith.constant 0 : i32
    %ne3A_76 = vector.broadcast %ne3A_75 : i32 to vector<4096x200xi32>
    %ne3A_77 = arith.cmpi ne, %rem3A_74, %ne3A_76 : vector<4096x200xi32>
    %lt3A_78 = arith.constant 0 : i32
    %lt3A_79 = vector.broadcast %lt3A_78 : i32 to vector<4096x200xi32>
    %lt3A_80 = arith.cmpi slt, %rem3A_74, %lt3A_79 : vector<4096x200xi32>
    %lt3A_81 = arith.constant 0 : i32
    %lt3A_82 = arith.cmpi slt, %select_n3A_72, %lt3A_81 : i32
    %ne3A_83 = vector.broadcast %lt3A_82 : i1 to vector<4096x200xi1>
    %ne3A_84 = vector.broadcast %ne3A_83 : vector<4096x200xi1> to vector<4096x200xi1>
    %ne3A_85 = arith.xori %lt3A_80, %ne3A_84 : vector<4096x200xi1>
    %and3A_86 = arith.andi %ne3A_85, %ne3A_77 : vector<4096x200xi1>
    %add3A_87 = vector.broadcast %select_n3A_72 : i32 to vector<4096x200xi32>
    %add3A_88 = arith.addi %rem3A_74, %add3A_87 : vector<4096x200xi32>
    %select_n3A_89 = arith.select %and3A_86, %add3A_88, %rem3A_74 : vector<4096x200xi1>, vector<4096x200xi32>
    %jit3A_90 = arith.constant 128 : i32
    %div3A = vector.broadcast %jit3A_90 : i32 to vector<4096x200xi32>
    %div3A_91 = arith.divsi %select_n3A_89, %div3A : vector<4096x200xi32>
    %sign3A = arith.constant 0 : i32
    %sign3A_92 = vector.broadcast %sign3A : i32 to vector<4096x200xi32>
    %sign3A_93 = arith.cmpi sgt, %select_n3A_89, %sign3A_92 : vector<4096x200xi32>
    %sign3A_94 = arith.extui %sign3A_93 : vector<4096x200xi1> to vector<4096x200xi32>
    %sign3A_95 = arith.constant 0 : i32
    %sign3A_96 = vector.broadcast %sign3A_95 : i32 to vector<4096x200xi32>
    %sign3A_97 = arith.cmpi slt, %select_n3A_89, %sign3A_96 : vector<4096x200xi32>
    %sign3A_98 = arith.extui %sign3A_97 : vector<4096x200xi1> to vector<4096x200xi32>
    %sign3A_99 = arith.subi %sign3A_94, %sign3A_98 : vector<4096x200xi32>
    %sign3A_100 = arith.constant 0 : i32
    %sign3A_101 = arith.cmpi sgt, %jit3A_90, %sign3A_100 : i32
    %sign3A_102 = arith.extui %sign3A_101 : i1 to i32
    %sign3A_103 = arith.constant 0 : i32
    %sign3A_104 = arith.cmpi slt, %jit3A_90, %sign3A_103 : i32
    %sign3A_105 = arith.extui %sign3A_104 : i1 to i32
    %sign3A_106 = arith.subi %sign3A_102, %sign3A_105 : i32
    %ne3A_107 = vector.broadcast %sign3A_106 : i32 to vector<4096x200xi32>
    %ne3A_108 = arith.cmpi ne, %sign3A_99, %ne3A_107 : vector<4096x200xi32>
    %rem3A_109 = vector.broadcast %jit3A_90 : i32 to vector<4096x200xi32>
    %rem3A_110 = arith.remsi %select_n3A_89, %rem3A_109 : vector<4096x200xi32>
    %ne3A_111 = arith.constant 0 : i32
    %ne3A_112 = vector.broadcast %ne3A_111 : i32 to vector<4096x200xi32>
    %ne3A_113 = arith.cmpi ne, %rem3A_110, %ne3A_112 : vector<4096x200xi32>
    %and3A_114 = arith.andi %ne3A_108, %ne3A_113 : vector<4096x200xi1>
    %sub3A_115 = arith.constant 1 : i32
    %sub3A_116 = vector.broadcast %sub3A_115 : i32 to vector<4096x200xi32>
    %sub3A_117 = arith.subi %div3A_91, %sub3A_116 : vector<4096x200xi32>
    %select_n3A_118 = arith.select %and3A_114, %sub3A_117, %div3A_91 : vector<4096x200xi1>, vector<4096x200xi32>
    %add3A_119 = arith.addi %add3A_67, %select_n3A_118 : vector<4096x200xi32>
    %swap3A = arith.constant 0 : index
    %swap3A_120 = arith.constant 0 : index
    %swap3A_121 = vector.load %arg1[%swap3A, %swap3A_120] : memref<4096x200xi32, #tpu.memory_space<vmem>>, vector<4096x200xi32>
    tpu.vector_store %arg1[%swap3A, %swap3A_120], %add3A_119 {strides = array<i32>} : memref<4096x200xi32, #tpu.memory_space<vmem>>, vector<4096x200xi32>,
    return
  }
}

module attributes {stable_mosaic.version = 14 : i64} {
  func.func @_ttr_body(%arg0: i32, %arg1: memref<32x51200xf32, #tpu.memory_space<vmem>>, %arg2: memref<12800x128xf32, #tpu.memory_space<vmem>>) attributes {dimension_semantics = [#tpu.dimension_semantics<arbitrary>], iteration_bounds = array<i64: 20>, scalar_prefetch = 0 : i64, scratch_operands = 0 : i64, tpu.core_type = #tpu.core_type<tc>, window_params = [{transform_indices = @transform_0, window_bounds = array<i64: 32, 51200>}, {transform_indices = @transform_1, window_bounds = array<i64: 12800, 128>}]} {
    %get3A = arith.constant 0 : index
    %get3A_0 = arith.constant 0 : index
    %get3A_1 = vector.load %arg1[%get3A, %get3A_0] : memref<32x51200xf32, #tpu.memory_space<vmem>>, vector<32x51200xf32>
    %slice3A = vector.extract_strided_slice %get3A_1 {offsets = [0, 0], sizes = [32, 128], strides = [1, 1]} : vector<32x51200xf32> to vector<32x128xf32>
    %slice3A_2 = vector.extract_strided_slice %get3A_1 {offsets = [0, 128], sizes = [32, 128], strides = [1, 1]} : vector<32x51200xf32> to vector<32x128xf32>
    %slice3A_3 = vector.extract_strided_slice %get3A_1 {offsets = [0, 256], sizes = [32, 128], strides = [1, 1]} : vector<32x51200xf32> to vector<32x128xf32>
    %slice3A_4 = vector.extract_strided_slice %get3A_1 {offsets = [0, 384], sizes = [32, 128], strides = [1, 1]} : vector<32x51200xf32> to vector<32x128xf32>
    %concatenate3A = tpu.concatenate %slice3A, %slice3A_2, %slice3A_3, %slice3A_4 in 0 : vector<32x128xf32>, vector<32x128xf32>, vector<32x128xf32>, vector<32x128xf32> -> vector<128x128xf32>
    %transpose3A = tpu.transpose %concatenate3A, [1, 0] : vector<128x128xf32> -> vector<128x128xf32>
    %swap3A = arith.constant 0 : index
    %swap3A_5 = arith.constant 0 : index
    %swap3A_6 = vector.load %arg2[%swap3A, %swap3A_5] : memref<12800x128xf32, #tpu.memory_space<vmem>>, vector<128x128xf32>
    tpu.vector_store %arg2[%swap3A, %swap3A_5], %transpose3A {strides = array<i32>} : memref<12800x128xf32, #tpu.memory_space<vmem>>, vector<128x128xf32>,
    %slice3A_7 = vector.extract_strided_slice %get3A_1 {offsets = [0, 512], sizes = [32, 128], strides = [1, 1]} : vector<32x51200xf32> to vector<32x128xf32>
    %slice3A_8 = vector.extract_strided_slice %get3A_1 {offsets = [0, 640], sizes = [32, 128], strides = [1, 1]} : vector<32x51200xf32> to vector<32x128xf32>
    %slice3A_9 = vector.extract_strided_slice %get3A_1 {offsets = [0, 768], sizes = [32, 128], strides = [1, 1]} : vector<32x51200xf32> to vector<32x128xf32>
    %slice3A_10 = vector.extract_strided_slice %get3A_1 {offsets = [0, 896], sizes = [32, 128], strides = [1, 1]} : vector<32x51200xf32> to vector<32x128xf32>
    %concatenate3A_11 = tpu.concatenate %slice3A_7, %slice3A_8, %slice3A_9, %slice3A_10 in 0 : vector<32x128xf32>, vector<32x128xf32>, vector<32x128xf32>, vector<32x128xf32> -> vector<128x128xf32>
    %transpose3A_12 = tpu.transpose %concatenate3A_11, [1, 0] : vector<128x128xf32> -> vector<128x128xf32>
    %swap3A_13 = arith.constant 128 : index
    %swap3A_14 = arith.constant 0 : index
    %swap3A_15 = vector.load %arg2[%swap3A_13, %swap3A_14] : memref<12800x128xf32, #tpu.memory_space<vmem>>, vector<128x128xf32>
    tpu.vector_store %arg2[%swap3A_13, %swap3A_14], %transpose3A_12 {strides = array<i32>} : memref<12800x128xf32, #tpu.memory_space<vmem>>, vector<128x128xf32>,
    %slice3A_16 = vector.extract_strided_slice %get3A_1 {offsets = [0, 1024], sizes = [32, 128], strides = [1, 1]} : vector<32x51200xf32> to vector<32x128xf32>
    %slice3A_17 = vector.extract_strided_slice %get3A_1 {offsets = [0, 1152], sizes = [32, 128], strides = [1, 1]} : vector<32x51200xf32> to vector<32x128xf32>
    %slice3A_18 = vector.extract_strided_slice %get3A_1 {offsets = [0, 1280], sizes = [32, 128], strides = [1, 1]} : vector<32x51200xf32> to vector<32x128xf32>
    %slice3A_19 = vector.extract_strided_slice %get3A_1 {offsets = [0, 1408], sizes = [32, 128], strides = [1, 1]} : vector<32x51200xf32> to vector<32x128xf32>
    %concatenate3A_20 = tpu.concatenate %slice3A_16, %slice3A_17, %slice3A_18, %slice3A_19 in 0 : vector<32x128xf32>, vector<32x128xf32>, vector<32x128xf32>, vector<32x128xf32> -> vector<128x128xf32>
    %transpose3A_21 = tpu.transpose %concatenate3A_20, [1, 0] : vector<128x128xf32> -> vector<128x128xf32>
    %swap3A_22 = arith.constant 256 : index
    %swap3A_23 = arith.constant 0 : index
    %swap3A_24 = vector.load %arg2[%swap3A_22, %swap3A_23] : memref<12800x128xf32, #tpu.memory_space<vmem>>, vector<128x128xf32>
    tpu.vector_store %arg2[%swap3A_22, %swap3A_23], %transpose3A_21 {strides = array<i32>} : memref<12800x128xf32, #tpu.memory_space<vmem>>, vector<128x128xf32>,
    %slice3A_25 = vector.extract_strided_slice %get3A_1 {offsets = [0, 1536], sizes = [32, 128], strides = [1, 1]} : vector<32x51200xf32> to vector<32x128xf32>
    %slice3A_26 = vector.extract_strided_slice %get3A_1 {offsets = [0, 1664], sizes = [32, 128], strides = [1, 1]} : vector<32x51200xf32> to vector<32x128xf32>
    %slice3A_27 = vector.extract_strided_slice %get3A_1 {offsets = [0, 1792], sizes = [32, 128], strides = [1, 1]} : vector<32x51200xf32> to vector<32x128xf32>
    %slice3A_28 = vector.extract_strided_slice %get3A_1 {offsets = [0, 1920], sizes = [32, 128], strides = [1, 1]} : vector<32x51200xf32> to vector<32x128xf32>
    %concatenate3A_29 = tpu.concatenate %slice3A_25, %slice3A_26, %slice3A_27, %slice3A_28 in 0 : vector<32x128xf32>, vector<32x128xf32>, vector<32x128xf32>, vector<32x128xf32> -> vector<128x128xf32>
    %transpose3A_30 = tpu.transpose %concatenate3A_29, [1, 0] : vector<128x128xf32> -> vector<128x128xf32>
    %swap3A_31 = arith.constant 384 : index
    %swap3A_32 = arith.constant 0 : index
    %swap3A_33 = vector.load %arg2[%swap3A_31, %swap3A_32] : memref<12800x128xf32, #tpu.memory_space<vmem>>, vector<128x128xf32>
    tpu.vector_store %arg2[%swap3A_31, %swap3A_32], %transpose3A_30 {strides = array<i32>} : memref<12800x128xf32, #tpu.memory_space<vmem>>, vector<128x128xf32>,
    %slice3A_34 = vector.extract_strided_slice %get3A_1 {offsets = [0, 2048], sizes = [32, 128], strides = [1, 1]} : vector<32x51200xf32> to vector<32x128xf32>
    %slice3A_35 = vector.extract_strided_slice %get3A_1 {offsets = [0, 2176], sizes = [32, 128], strides = [1, 1]} : vector<32x51200xf32> to vector<32x128xf32>
    %slice3A_36 = vector.extract_strided_slice %get3A_1 {offsets = [0, 2304], sizes = [32, 128], strides = [1, 1]} : vector<32x51200xf32> to vector<32x128xf32>
    %slice3A_37 = vector.extract_strided_slice %get3A_1 {offsets = [0, 2432], sizes = [32, 128], strides = [1, 1]} : vector<32x51200xf32> to vector<32x128xf32>
    %concatenate3A_38 = tpu.concatenate %slice3A_34, %slice3A_35, %slice3A_36, %slice3A_37 in 0 : vector<32x128xf32>, vector<32x128xf32>, vector<32x128xf32>, vector<32x128xf32> -> vector<128x128xf32>
    %transpose3A_39 = tpu.transpose %concatenate3A_38, [1, 0] : vector<128x128xf32> -> vector<128x128xf32>
    %swap3A_40 = arith.constant 512 : index
    %swap3A_41 = arith.constant 0 : index
    %swap3A_42 = vector.load %arg2[%swap3A_40, %swap3A_41] : memref<12800x128xf32, #tpu.memory_space<vmem>>, vector<128x128xf32>
    tpu.vector_store %arg2[%swap3A_40, %swap3A_41], %transpose3A_39 {strides = array<i32>} : memref<12800x128xf32, #tpu.memory_space<vmem>>, vector<128x128xf32>,
    %slice3A_43 = vector.extract_strided_slice %get3A_1 {offsets = [0, 2560], sizes = [32, 128], strides = [1, 1]} : vector<32x51200xf32> to vector<32x128xf32>
    %slice3A_44 = vector.extract_strided_slice %get3A_1 {offsets = [0, 2688], sizes = [32, 128], strides = [1, 1]} : vector<32x51200xf32> to vector<32x128xf32>
    %slice3A_45 = vector.extract_strided_slice %get3A_1 {offsets = [0, 2816], sizes = [32, 128], strides = [1, 1]} : vector<32x51200xf32> to vector<32x128xf32>
    %slice3A_46 = vector.extract_strided_slice %get3A_1 {offsets = [0, 2944], sizes = [32, 128], strides = [1, 1]} : vector<32x51200xf32> to vector<32x128xf32>
    %concatenate3A_47 = tpu.concatenate %slice3A_43, %slice3A_44, %slice3A_45, %slice3A_46 in 0 : vector<32x128xf32>, vector<32x128xf32>, vector<32x128xf32>, vector<32x128xf32> -> vector<128x128xf32>
    %transpose3A_48 = tpu.transpose %concatenate3A_47, [1, 0] : vector<128x128xf32> -> vector<128x128xf32>
    %swap3A_49 = arith.constant 640 : index
    %swap3A_50 = arith.constant 0 : index
    %swap3A_51 = vector.load %arg2[%swap3A_49, %swap3A_50] : memref<12800x128xf32, #tpu.memory_space<vmem>>, vector<128x128xf32>
    tpu.vector_store %arg2[%swap3A_49, %swap3A_50], %transpose3A_48 {strides = array<i32>} : memref<12800x128xf32, #tpu.memory_space<vmem>>, vector<128x128xf32>,
    %slice3A_52 = vector.extract_strided_slice %get3A_1 {offsets = [0, 3072], sizes = [32, 128], strides = [1, 1]} : vector<32x51200xf32> to vector<32x128xf32>
    %slice3A_53 = vector.extract_strided_slice %get3A_1 {offsets = [0, 3200], sizes = [32, 128], strides = [1, 1]} : vector<32x51200xf32> to vector<32x128xf32>
    %slice3A_54 = vector.extract_strided_slice %get3A_1 {offsets = [0, 3328], sizes = [32, 128], strides = [1, 1]} : vector<32x51200xf32> to vector<32x128xf32>
    %slice3A_55 = vector.extract_strided_slice %get3A_1 {offsets = [0, 3456], sizes = [32, 128], strides = [1, 1]} : vector<32x51200xf32> to vector<32x128xf32>
    %concatenate3A_56 = tpu.concatenate %slice3A_52, %slice3A_53, %slice3A_54, %slice3A_55 in 0 : vector<32x128xf32>, vector<32x128xf32>, vector<32x128xf32>, vector<32x128xf32> -> vector<128x128xf32>
    %transpose3A_57 = tpu.transpose %concatenate3A_56, [1, 0] : vector<128x128xf32> -> vector<128x128xf32>
    %swap3A_58 = arith.constant 768 : index
    %swap3A_59 = arith.constant 0 : index
    %swap3A_60 = vector.load %arg2[%swap3A_58, %swap3A_59] : memref<12800x128xf32, #tpu.memory_space<vmem>>, vector<128x128xf32>
    tpu.vector_store %arg2[%swap3A_58, %swap3A_59], %transpose3A_57 {strides = array<i32>} : memref<12800x128xf32, #tpu.memory_space<vmem>>, vector<128x128xf32>,
    %slice3A_61 = vector.extract_strided_slice %get3A_1 {offsets = [0, 3584], sizes = [32, 128], strides = [1, 1]} : vector<32x51200xf32> to vector<32x128xf32>
    %slice3A_62 = vector.extract_strided_slice %get3A_1 {offsets = [0, 3712], sizes = [32, 128], strides = [1, 1]} : vector<32x51200xf32> to vector<32x128xf32>
    %slice3A_63 = vector.extract_strided_slice %get3A_1 {offsets = [0, 3840], sizes = [32, 128], strides = [1, 1]} : vector<32x51200xf32> to vector<32x128xf32>
    %slice3A_64 = vector.extract_strided_slice %get3A_1 {offsets = [0, 3968], sizes = [32, 128], strides = [1, 1]} : vector<32x51200xf32> to vector<32x128xf32>
    %concatenate3A_65 = tpu.concatenate %slice3A_61, %slice3A_62, %slice3A_63, %slice3A_64 in 0 : vector<32x128xf32>, vector<32x128xf32>, vector<32x128xf32>, vector<32x128xf32> -> vector<128x128xf32>
    %transpose3A_66 = tpu.transpose %concatenate3A_65, [1, 0] : vector<128x128xf32> -> vector<128x128xf32>
    %swap3A_67 = arith.constant 896 : index
    %swap3A_68 = arith.constant 0 : index
    %swap3A_69 = vector.load %arg2[%swap3A_67, %swap3A_68] : memref<12800x128xf32, #tpu.memory_space<vmem>>, vector<128x128xf32>
    tpu.vector_store %arg2[%swap3A_67, %swap3A_68], %transpose3A_66 {strides = array<i32>} : memref<12800x128xf32, #tpu.memory_space<vmem>>, vector<128x128xf32>,
    %slice3A_70 = vector.extract_strided_slice %get3A_1 {offsets = [0, 4096], sizes = [32, 128], strides = [1, 1]} : vector<32x51200xf32> to vector<32x128xf32>
    %slice3A_71 = vector.extract_strided_slice %get3A_1 {offsets = [0, 4224], sizes = [32, 128], strides = [1, 1]} : vector<32x51200xf32> to vector<32x128xf32>
    %slice3A_72 = vector.extract_strided_slice %get3A_1 {offsets = [0, 4352], sizes = [32, 128], strides = [1, 1]} : vector<32x51200xf32> to vector<32x128xf32>
    %slice3A_73 = vector.extract_strided_slice %get3A_1 {offsets = [0, 4480], sizes = [32, 128], strides = [1, 1]} : vector<32x51200xf32> to vector<32x128xf32>
    %concatenate3A_74 = tpu.concatenate %slice3A_70, %slice3A_71, %slice3A_72, %slice3A_73 in 0 : vector<32x128xf32>, vector<32x128xf32>, vector<32x128xf32>, vector<32x128xf32> -> vector<128x128xf32>
    %transpose3A_75 = tpu.transpose %concatenate3A_74, [1, 0] : vector<128x128xf32> -> vector<128x128xf32>
    %swap3A_76 = arith.constant 1024 : index
    %swap3A_77 = arith.constant 0 : index
    %swap3A_78 = vector.load %arg2[%swap3A_76, %swap3A_77] : memref<12800x128xf32, #tpu.memory_space<vmem>>, vector<128x128xf32>
    tpu.vector_store %arg2[%swap3A_76, %swap3A_77], %transpose3A_75 {strides = array<i32>} : memref<12800x128xf32, #tpu.memory_space<vmem>>, vector<128x128xf32>,
    %slice3A_79 = vector.extract_strided_slice %get3A_1 {offsets = [0, 4608], sizes = [32, 128], strides = [1, 1]} : vector<32x51200xf32> to vector<32x128xf32>
    %slice3A_80 = vector.extract_strided_slice %get3A_1 {offsets = [0, 4736], sizes = [32, 128], strides = [1, 1]} : vector<32x51200xf32> to vector<32x128xf32>
    %slice3A_81 = vector.extract_strided_slice %get3A_1 {offsets = [0, 4864], sizes = [32, 128], strides = [1, 1]} : vector<32x51200xf32> to vector<32x128xf32>
    %slice3A_82 = vector.extract_strided_slice %get3A_1 {offsets = [0, 4992], sizes = [32, 128], strides = [1, 1]} : vector<32x51200xf32> to vector<32x128xf32>
    %concatenate3A_83 = tpu.concatenate %slice3A_79, %slice3A_80, %slice3A_81, %slice3A_82 in 0 : vector<32x128xf32>, vector<32x128xf32>, vector<32x128xf32>, vector<32x128xf32> -> vector<128x128xf32>
    %transpose3A_84 = tpu.transpose %concatenate3A_83, [1, 0] : vector<128x128xf32> -> vector<128x128xf32>
    %swap3A_85 = arith.constant 1152 : index
    %swap3A_86 = arith.constant 0 : index
    %swap3A_87 = vector.load %arg2[%swap3A_85, %swap3A_86] : memref<12800x128xf32, #tpu.memory_space<vmem>>, vector<128x128xf32>
    tpu.vector_store %arg2[%swap3A_85, %swap3A_86], %transpose3A_84 {strides = array<i32>} : memref<12800x128xf32, #tpu.memory_space<vmem>>, vector<128x128xf32>,
    %slice3A_88 = vector.extract_strided_slice %get3A_1 {offsets = [0, 5120], sizes = [32, 128], strides = [1, 1]} : vector<32x51200xf32> to vector<32x128xf32>
    %slice3A_89 = vector.extract_strided_slice %get3A_1 {offsets = [0, 5248], sizes = [32, 128], strides = [1, 1]} : vector<32x51200xf32> to vector<32x128xf32>
    %slice3A_90 = vector.extract_strided_slice %get3A_1 {offsets = [0, 5376], sizes = [32, 128], strides = [1, 1]} : vector<32x51200xf32> to vector<32x128xf32>
    %slice3A_91 = vector.extract_strided_slice %get3A_1 {offsets = [0, 5504], sizes = [32, 128], strides = [1, 1]} : vector<32x51200xf32> to vector<32x128xf32>
    %concatenate3A_92 = tpu.concatenate %slice3A_88, %slice3A_89, %slice3A_90, %slice3A_91 in 0 : vector<32x128xf32>, vector<32x128xf32>, vector<32x128xf32>, vector<32x128xf32> -> vector<128x128xf32>
    %transpose3A_93 = tpu.transpose %concatenate3A_92, [1, 0] : vector<128x128xf32> -> vector<128x128xf32>
    %swap3A_94 = arith.constant 1280 : index
    %swap3A_95 = arith.constant 0 : index
    %swap3A_96 = vector.load %arg2[%swap3A_94, %swap3A_95] : memref<12800x128xf32, #tpu.memory_space<vmem>>, vector<128x128xf32>
    tpu.vector_store %arg2[%swap3A_94, %swap3A_95], %transpose3A_93 {strides = array<i32>} : memref<12800x128xf32, #tpu.memory_space<vmem>>, vector<128x128xf32>,
    %slice3A_97 = vector.extract_strided_slice %get3A_1 {offsets = [0, 5632], sizes = [32, 128], strides = [1, 1]} : vector<32x51200xf32> to vector<32x128xf32>
    %slice3A_98 = vector.extract_strided_slice %get3A_1 {offsets = [0, 5760], sizes = [32, 128], strides = [1, 1]} : vector<32x51200xf32> to vector<32x128xf32>
    %slice3A_99 = vector.extract_strided_slice %get3A_1 {offsets = [0, 5888], sizes = [32, 128], strides = [1, 1]} : vector<32x51200xf32> to vector<32x128xf32>
    %slice3A_100 = vector.extract_strided_slice %get3A_1 {offsets = [0, 6016], sizes = [32, 128], strides = [1, 1]} : vector<32x51200xf32> to vector<32x128xf32>
    %concatenate3A_101 = tpu.concatenate %slice3A_97, %slice3A_98, %slice3A_99, %slice3A_100 in 0 : vector<32x128xf32>, vector<32x128xf32>, vector<32x128xf32>, vector<32x128xf32> -> vector<128x128xf32>
    %transpose3A_102 = tpu.transpose %concatenate3A_101, [1, 0] : vector<128x128xf32> -> vector<128x128xf32>
    %swap3A_103 = arith.constant 1408 : index
    %swap3A_104 = arith.constant 0 : index
    %swap3A_105 = vector.load %arg2[%swap3A_103, %swap3A_104] : memref<12800x128xf32, #tpu.memory_space<vmem>>, vector<128x128xf32>
    tpu.vector_store %arg2[%swap3A_103, %swap3A_104], %transpose3A_102 {strides = array<i32>} : memref<12800x128xf32, #tpu.memory_space<vmem>>, vector<128x128xf32>,
    %slice3A_106 = vector.extract_strided_slice %get3A_1 {offsets = [0, 6144], sizes = [32, 128], strides = [1, 1]} : vector<32x51200xf32> to vector<32x128xf32>
    %slice3A_107 = vector.extract_strided_slice %get3A_1 {offsets = [0, 6272], sizes = [32, 128], strides = [1, 1]} : vector<32x51200xf32> to vector<32x128xf32>
    %slice3A_108 = vector.extract_strided_slice %get3A_1 {offsets = [0, 6400], sizes = [32, 128], strides = [1, 1]} : vector<32x51200xf32> to vector<32x128xf32>
    %slice3A_109 = vector.extract_strided_slice %get3A_1 {offsets = [0, 6528], sizes = [32, 128], strides = [1, 1]} : vector<32x51200xf32> to vector<32x128xf32>
    %concatenate3A_110 = tpu.concatenate %slice3A_106, %slice3A_107, %slice3A_108, %slice3A_109 in 0 : vector<32x128xf32>, vector<32x128xf32>, vector<32x128xf32>, vector<32x128xf32> -> vector<128x128xf32>
    %transpose3A_111 = tpu.transpose %concatenate3A_110, [1, 0] : vector<128x128xf32> -> vector<128x128xf32>
    %swap3A_112 = arith.constant 1536 : index
    %swap3A_113 = arith.constant 0 : index
    %swap3A_114 = vector.load %arg2[%swap3A_112, %swap3A_113] : memref<12800x128xf32, #tpu.memory_space<vmem>>, vector<128x128xf32>
    tpu.vector_store %arg2[%swap3A_112, %swap3A_113], %transpose3A_111 {strides = array<i32>} : memref<12800x128xf32, #tpu.memory_space<vmem>>, vector<128x128xf32>,
    %slice3A_115 = vector.extract_strided_slice %get3A_1 {offsets = [0, 6656], sizes = [32, 128], strides = [1, 1]} : vector<32x51200xf32> to vector<32x128xf32>
    %slice3A_116 = vector.extract_strided_slice %get3A_1 {offsets = [0, 6784], sizes = [32, 128], strides = [1, 1]} : vector<32x51200xf32> to vector<32x128xf32>
    %slice3A_117 = vector.extract_strided_slice %get3A_1 {offsets = [0, 6912], sizes = [32, 128], strides = [1, 1]} : vector<32x51200xf32> to vector<32x128xf32>
    %slice3A_118 = vector.extract_strided_slice %get3A_1 {offsets = [0, 7040], sizes = [32, 128], strides = [1, 1]} : vector<32x51200xf32> to vector<32x128xf32>
    %concatenate3A_119 = tpu.concatenate %slice3A_115, %slice3A_116, %slice3A_117, %slice3A_118 in 0 : vector<32x128xf32>, vector<32x128xf32>, vector<32x128xf32>, vector<32x128xf32> -> vector<128x128xf32>
    %transpose3A_120 = tpu.transpose %concatenate3A_119, [1, 0] : vector<128x128xf32> -> vector<128x128xf32>
    %swap3A_121 = arith.constant 1664 : index
    %swap3A_122 = arith.constant 0 : index
    %swap3A_123 = vector.load %arg2[%swap3A_121, %swap3A_122] : memref<12800x128xf32, #tpu.memory_space<vmem>>, vector<128x128xf32>
    tpu.vector_store %arg2[%swap3A_121, %swap3A_122], %transpose3A_120 {strides = array<i32>} : memref<12800x128xf32, #tpu.memory_space<vmem>>, vector<128x128xf32>,
    %slice3A_124 = vector.extract_strided_slice %get3A_1 {offsets = [0, 7168], sizes = [32, 128], strides = [1, 1]} : vector<32x51200xf32> to vector<32x128xf32>
    %slice3A_125 = vector.extract_strided_slice %get3A_1 {offsets = [0, 7296], sizes = [32, 128], strides = [1, 1]} : vector<32x51200xf32> to vector<32x128xf32>
    %slice3A_126 = vector.extract_strided_slice %get3A_1 {offsets = [0, 7424], sizes = [32, 128], strides = [1, 1]} : vector<32x51200xf32> to vector<32x128xf32>
    %slice3A_127 = vector.extract_strided_slice %get3A_1 {offsets = [0, 7552], sizes = [32, 128], strides = [1, 1]} : vector<32x51200xf32> to vector<32x128xf32>
    %concatenate3A_128 = tpu.concatenate %slice3A_124, %slice3A_125, %slice3A_126, %slice3A_127 in 0 : vector<32x128xf32>, vector<32x128xf32>, vector<32x128xf32>, vector<32x128xf32> -> vector<128x128xf32>
    %transpose3A_129 = tpu.transpose %concatenate3A_128, [1, 0] : vector<128x128xf32> -> vector<128x128xf32>
    %swap3A_130 = arith.constant 1792 : index
    %swap3A_131 = arith.constant 0 : index
    %swap3A_132 = vector.load %arg2[%swap3A_130, %swap3A_131] : memref<12800x128xf32, #tpu.memory_space<vmem>>, vector<128x128xf32>
    tpu.vector_store %arg2[%swap3A_130, %swap3A_131], %transpose3A_129 {strides = array<i32>} : memref<12800x128xf32, #tpu.memory_space<vmem>>, vector<128x128xf32>,
    %slice3A_133 = vector.extract_strided_slice %get3A_1 {offsets = [0, 7680], sizes = [32, 128], strides = [1, 1]} : vector<32x51200xf32> to vector<32x128xf32>
    %slice3A_134 = vector.extract_strided_slice %get3A_1 {offsets = [0, 7808], sizes = [32, 128], strides = [1, 1]} : vector<32x51200xf32> to vector<32x128xf32>
    %slice3A_135 = vector.extract_strided_slice %get3A_1 {offsets = [0, 7936], sizes = [32, 128], strides = [1, 1]} : vector<32x51200xf32> to vector<32x128xf32>
    %slice3A_136 = vector.extract_strided_slice %get3A_1 {offsets = [0, 8064], sizes = [32, 128], strides = [1, 1]} : vector<32x51200xf32> to vector<32x128xf32>
    %concatenate3A_137 = tpu.concatenate %slice3A_133, %slice3A_134, %slice3A_135, %slice3A_136 in 0 : vector<32x128xf32>, vector<32x128xf32>, vector<32x128xf32>, vector<32x128xf32> -> vector<128x128xf32>
    %transpose3A_138 = tpu.transpose %concatenate3A_137, [1, 0] : vector<128x128xf32> -> vector<128x128xf32>
    %swap3A_139 = arith.constant 1920 : index
    %swap3A_140 = arith.constant 0 : index
    %swap3A_141 = vector.load %arg2[%swap3A_139, %swap3A_140] : memref<12800x128xf32, #tpu.memory_space<vmem>>, vector<128x128xf32>
    tpu.vector_store %arg2[%swap3A_139, %swap3A_140], %transpose3A_138 {strides = array<i32>} : memref<12800x128xf32, #tpu.memory_space<vmem>>, vector<128x128xf32>,
    %slice3A_142 = vector.extract_strided_slice %get3A_1 {offsets = [0, 8192], sizes = [32, 128], strides = [1, 1]} : vector<32x51200xf32> to vector<32x128xf32>
    %slice3A_143 = vector.extract_strided_slice %get3A_1 {offsets = [0, 8320], sizes = [32, 128], strides = [1, 1]} : vector<32x51200xf32> to vector<32x128xf32>
    %slice3A_144 = vector.extract_strided_slice %get3A_1 {offsets = [0, 8448], sizes = [32, 128], strides = [1, 1]} : vector<32x51200xf32> to vector<32x128xf32>
    %slice3A_145 = vector.extract_strided_slice %get3A_1 {offsets = [0, 8576], sizes = [32, 128], strides = [1, 1]} : vector<32x51200xf32> to vector<32x128xf32>
    %concatenate3A_146 = tpu.concatenate %slice3A_142, %slice3A_143, %slice3A_144, %slice3A_145 in 0 : vector<32x128xf32>, vector<32x128xf32>, vector<32x128xf32>, vector<32x128xf32> -> vector<128x128xf32>
    %transpose3A_147 = tpu.transpose %concatenate3A_146, [1, 0] : vector<128x128xf32> -> vector<128x128xf32>
    %swap3A_148 = arith.constant 2048 : index
    %swap3A_149 = arith.constant 0 : index
    %swap3A_150 = vector.load %arg2[%swap3A_148, %swap3A_149] : memref<12800x128xf32, #tpu.memory_space<vmem>>, vector<128x128xf32>
    tpu.vector_store %arg2[%swap3A_148, %swap3A_149], %transpose3A_147 {strides = array<i32>} : memref<12800x128xf32, #tpu.memory_space<vmem>>, vector<128x128xf32>,
    %slice3A_151 = vector.extract_strided_slice %get3A_1 {offsets = [0, 8704], sizes = [32, 128], strides = [1, 1]} : vector<32x51200xf32> to vector<32x128xf32>
    %slice3A_152 = vector.extract_strided_slice %get3A_1 {offsets = [0, 8832], sizes = [32, 128], strides = [1, 1]} : vector<32x51200xf32> to vector<32x128xf32>
    %slice3A_153 = vector.extract_strided_slice %get3A_1 {offsets = [0, 8960], sizes = [32, 128], strides = [1, 1]} : vector<32x51200xf32> to vector<32x128xf32>
    %slice3A_154 = vector.extract_strided_slice %get3A_1 {offsets = [0, 9088], sizes = [32, 128], strides = [1, 1]} : vector<32x51200xf32> to vector<32x128xf32>
    %concatenate3A_155 = tpu.concatenate %slice3A_151, %slice3A_152, %slice3A_153, %slice3A_154 in 0 : vector<32x128xf32>, vector<32x128xf32>, vector<32x128xf32>, vector<32x128xf32> -> vector<128x128xf32>
    %transpose3A_156 = tpu.transpose %concatenate3A_155, [1, 0] : vector<128x128xf32> -> vector<128x128xf32>
    %swap3A_157 = arith.constant 2176 : index
    %swap3A_158 = arith.constant 0 : index
    %swap3A_159 = vector.load %arg2[%swap3A_157, %swap3A_158] : memref<12800x128xf32, #tpu.memory_space<vmem>>, vector<128x128xf32>
    tpu.vector_store %arg2[%swap3A_157, %swap3A_158], %transpose3A_156 {strides = array<i32>} : memref<12800x128xf32, #tpu.memory_space<vmem>>, vector<128x128xf32>,
    %slice3A_160 = vector.extract_strided_slice %get3A_1 {offsets = [0, 9216], sizes = [32, 128], strides = [1, 1]} : vector<32x51200xf32> to vector<32x128xf32>
    %slice3A_161 = vector.extract_strided_slice %get3A_1 {offsets = [0, 9344], sizes = [32, 128], strides = [1, 1]} : vector<32x51200xf32> to vector<32x128xf32>
    %slice3A_162 = vector.extract_strided_slice %get3A_1 {offsets = [0, 9472], sizes = [32, 128], strides = [1, 1]} : vector<32x51200xf32> to vector<32x128xf32>
    %slice3A_163 = vector.extract_strided_slice %get3A_1 {offsets = [0, 9600], sizes = [32, 128], strides = [1, 1]} : vector<32x51200xf32> to vector<32x128xf32>
    %concatenate3A_164 = tpu.concatenate %slice3A_160, %slice3A_161, %slice3A_162, %slice3A_163 in 0 : vector<32x128xf32>, vector<32x128xf32>, vector<32x128xf32>, vector<32x128xf32> -> vector<128x128xf32>
    %transpose3A_165 = tpu.transpose %concatenate3A_164, [1, 0] : vector<128x128xf32> -> vector<128x128xf32>
    %swap3A_166 = arith.constant 2304 : index
    %swap3A_167 = arith.constant 0 : index
    %swap3A_168 = vector.load %arg2[%swap3A_166, %swap3A_167] : memref<12800x128xf32, #tpu.memory_space<vmem>>, vector<128x128xf32>
    tpu.vector_store %arg2[%swap3A_166, %swap3A_167], %transpose3A_165 {strides = array<i32>} : memref<12800x128xf32, #tpu.memory_space<vmem>>, vector<128x128xf32>,
    %slice3A_169 = vector.extract_strided_slice %get3A_1 {offsets = [0, 9728], sizes = [32, 128], strides = [1, 1]} : vector<32x51200xf32> to vector<32x128xf32>
    %slice3A_170 = vector.extract_strided_slice %get3A_1 {offsets = [0, 9856], sizes = [32, 128], strides = [1, 1]} : vector<32x51200xf32> to vector<32x128xf32>
    %slice3A_171 = vector.extract_strided_slice %get3A_1 {offsets = [0, 9984], sizes = [32, 128], strides = [1, 1]} : vector<32x51200xf32> to vector<32x128xf32>
    %slice3A_172 = vector.extract_strided_slice %get3A_1 {offsets = [0, 10112], sizes = [32, 128], strides = [1, 1]} : vector<32x51200xf32> to vector<32x128xf32>
    %concatenate3A_173 = tpu.concatenate %slice3A_169, %slice3A_170, %slice3A_171, %slice3A_172 in 0 : vector<32x128xf32>, vector<32x128xf32>, vector<32x128xf32>, vector<32x128xf32> -> vector<128x128xf32>
    %transpose3A_174 = tpu.transpose %concatenate3A_173, [1, 0] : vector<128x128xf32> -> vector<128x128xf32>
    %swap3A_175 = arith.constant 2432 : index
    %swap3A_176 = arith.constant 0 : index
    %swap3A_177 = vector.load %arg2[%swap3A_175, %swap3A_176] : memref<12800x128xf32, #tpu.memory_space<vmem>>, vector<128x128xf32>
    tpu.vector_store %arg2[%swap3A_175, %swap3A_176], %transpose3A_174 {strides = array<i32>} : memref<12800x128xf32, #tpu.memory_space<vmem>>, vector<128x128xf32>,
    %slice3A_178 = vector.extract_strided_slice %get3A_1 {offsets = [0, 10240], sizes = [32, 128], strides = [1, 1]} : vector<32x51200xf32> to vector<32x128xf32>
    %slice3A_179 = vector.extract_strided_slice %get3A_1 {offsets = [0, 10368], sizes = [32, 128], strides = [1, 1]} : vector<32x51200xf32> to vector<32x128xf32>
    %slice3A_180 = vector.extract_strided_slice %get3A_1 {offsets = [0, 10496], sizes = [32, 128], strides = [1, 1]} : vector<32x51200xf32> to vector<32x128xf32>
    %slice3A_181 = vector.extract_strided_slice %get3A_1 {offsets = [0, 10624], sizes = [32, 128], strides = [1, 1]} : vector<32x51200xf32> to vector<32x128xf32>
    %concatenate3A_182 = tpu.concatenate %slice3A_178, %slice3A_179, %slice3A_180, %slice3A_181 in 0 : vector<32x128xf32>, vector<32x128xf32>, vector<32x128xf32>, vector<32x128xf32> -> vector<128x128xf32>
    %transpose3A_183 = tpu.transpose %concatenate3A_182, [1, 0] : vector<128x128xf32> -> vector<128x128xf32>
    %swap3A_184 = arith.constant 2560 : index
    %swap3A_185 = arith.constant 0 : index
    %swap3A_186 = vector.load %arg2[%swap3A_184, %swap3A_185] : memref<12800x128xf32, #tpu.memory_space<vmem>>, vector<128x128xf32>
    tpu.vector_store %arg2[%swap3A_184, %swap3A_185], %transpose3A_183 {strides = array<i32>} : memref<12800x128xf32, #tpu.memory_space<vmem>>, vector<128x128xf32>,
    %slice3A_187 = vector.extract_strided_slice %get3A_1 {offsets = [0, 10752], sizes = [32, 128], strides = [1, 1]} : vector<32x51200xf32> to vector<32x128xf32>
    %slice3A_188 = vector.extract_strided_slice %get3A_1 {offsets = [0, 10880], sizes = [32, 128], strides = [1, 1]} : vector<32x51200xf32> to vector<32x128xf32>
    %slice3A_189 = vector.extract_strided_slice %get3A_1 {offsets = [0, 11008], sizes = [32, 128], strides = [1, 1]} : vector<32x51200xf32> to vector<32x128xf32>
    %slice3A_190 = vector.extract_strided_slice %get3A_1 {offsets = [0, 11136], sizes = [32, 128], strides = [1, 1]} : vector<32x51200xf32> to vector<32x128xf32>
    %concatenate3A_191 = tpu.concatenate %slice3A_187, %slice3A_188, %slice3A_189, %slice3A_190 in 0 : vector<32x128xf32>, vector<32x128xf32>, vector<32x128xf32>, vector<32x128xf32> -> vector<128x128xf32>
    %transpose3A_192 = tpu.transpose %concatenate3A_191, [1, 0] : vector<128x128xf32> -> vector<128x128xf32>
    %swap3A_193 = arith.constant 2688 : index
    %swap3A_194 = arith.constant 0 : index
    %swap3A_195 = vector.load %arg2[%swap3A_193, %swap3A_194] : memref<12800x128xf32, #tpu.memory_space<vmem>>, vector<128x128xf32>
    tpu.vector_store %arg2[%swap3A_193, %swap3A_194], %transpose3A_192 {strides = array<i32>} : memref<12800x128xf32, #tpu.memory_space<vmem>>, vector<128x128xf32>,
    %slice3A_196 = vector.extract_strided_slice %get3A_1 {offsets = [0, 11264], sizes = [32, 128], strides = [1, 1]} : vector<32x51200xf32> to vector<32x128xf32>
    %slice3A_197 = vector.extract_strided_slice %get3A_1 {offsets = [0, 11392], sizes = [32, 128], strides = [1, 1]} : vector<32x51200xf32> to vector<32x128xf32>
    %slice3A_198 = vector.extract_strided_slice %get3A_1 {offsets = [0, 11520], sizes = [32, 128], strides = [1, 1]} : vector<32x51200xf32> to vector<32x128xf32>
    %slice3A_199 = vector.extract_strided_slice %get3A_1 {offsets = [0, 11648], sizes = [32, 128], strides = [1, 1]} : vector<32x51200xf32> to vector<32x128xf32>
    %concatenate3A_200 = tpu.concatenate %slice3A_196, %slice3A_197, %slice3A_198, %slice3A_199 in 0 : vector<32x128xf32>, vector<32x128xf32>, vector<32x128xf32>, vector<32x128xf32> -> vector<128x128xf32>
    %transpose3A_201 = tpu.transpose %concatenate3A_200, [1, 0] : vector<128x128xf32> -> vector<128x128xf32>
    %swap3A_202 = arith.constant 2816 : index
    %swap3A_203 = arith.constant 0 : index
    %swap3A_204 = vector.load %arg2[%swap3A_202, %swap3A_203] : memref<12800x128xf32, #tpu.memory_space<vmem>>, vector<128x128xf32>
    tpu.vector_store %arg2[%swap3A_202, %swap3A_203], %transpose3A_201 {strides = array<i32>} : memref<12800x128xf32, #tpu.memory_space<vmem>>, vector<128x128xf32>,
    %slice3A_205 = vector.extract_strided_slice %get3A_1 {offsets = [0, 11776], sizes = [32, 128], strides = [1, 1]} : vector<32x51200xf32> to vector<32x128xf32>
    %slice3A_206 = vector.extract_strided_slice %get3A_1 {offsets = [0, 11904], sizes = [32, 128], strides = [1, 1]} : vector<32x51200xf32> to vector<32x128xf32>
    %slice3A_207 = vector.extract_strided_slice %get3A_1 {offsets = [0, 12032], sizes = [32, 128], strides = [1, 1]} : vector<32x51200xf32> to vector<32x128xf32>
    %slice3A_208 = vector.extract_strided_slice %get3A_1 {offsets = [0, 12160], sizes = [32, 128], strides = [1, 1]} : vector<32x51200xf32> to vector<32x128xf32>
    %concatenate3A_209 = tpu.concatenate %slice3A_205, %slice3A_206, %slice3A_207, %slice3A_208 in 0 : vector<32x128xf32>, vector<32x128xf32>, vector<32x128xf32>, vector<32x128xf32> -> vector<128x128xf32>
    %transpose3A_210 = tpu.transpose %concatenate3A_209, [1, 0] : vector<128x128xf32> -> vector<128x128xf32>
    %swap3A_211 = arith.constant 2944 : index
    %swap3A_212 = arith.constant 0 : index
    %swap3A_213 = vector.load %arg2[%swap3A_211, %swap3A_212] : memref<12800x128xf32, #tpu.memory_space<vmem>>, vector<128x128xf32>
    tpu.vector_store %arg2[%swap3A_211, %swap3A_212], %transpose3A_210 {strides = array<i32>} : memref<12800x128xf32, #tpu.memory_space<vmem>>, vector<128x128xf32>,
    %slice3A_214 = vector.extract_strided_slice %get3A_1 {offsets = [0, 12288], sizes = [32, 128], strides = [1, 1]} : vector<32x51200xf32> to vector<32x128xf32>
    %slice3A_215 = vector.extract_strided_slice %get3A_1 {offsets = [0, 12416], sizes = [32, 128], strides = [1, 1]} : vector<32x51200xf32> to vector<32x128xf32>
    %slice3A_216 = vector.extract_strided_slice %get3A_1 {offsets = [0, 12544], sizes = [32, 128], strides = [1, 1]} : vector<32x51200xf32> to vector<32x128xf32>
    %slice3A_217 = vector.extract_strided_slice %get3A_1 {offsets = [0, 12672], sizes = [32, 128], strides = [1, 1]} : vector<32x51200xf32> to vector<32x128xf32>
    %concatenate3A_218 = tpu.concatenate %slice3A_214, %slice3A_215, %slice3A_216, %slice3A_217 in 0 : vector<32x128xf32>, vector<32x128xf32>, vector<32x128xf32>, vector<32x128xf32> -> vector<128x128xf32>
    %transpose3A_219 = tpu.transpose %concatenate3A_218, [1, 0] : vector<128x128xf32> -> vector<128x128xf32>
    %swap3A_220 = arith.constant 3072 : index
    %swap3A_221 = arith.constant 0 : index
    %swap3A_222 = vector.load %arg2[%swap3A_220, %swap3A_221] : memref<12800x128xf32, #tpu.memory_space<vmem>>, vector<128x128xf32>
    tpu.vector_store %arg2[%swap3A_220, %swap3A_221], %transpose3A_219 {strides = array<i32>} : memref<12800x128xf32, #tpu.memory_space<vmem>>, vector<128x128xf32>,
    %slice3A_223 = vector.extract_strided_slice %get3A_1 {offsets = [0, 12800], sizes = [32, 128], strides = [1, 1]} : vector<32x51200xf32> to vector<32x128xf32>
    %slice3A_224 = vector.extract_strided_slice %get3A_1 {offsets = [0, 12928], sizes = [32, 128], strides = [1, 1]} : vector<32x51200xf32> to vector<32x128xf32>
    %slice3A_225 = vector.extract_strided_slice %get3A_1 {offsets = [0, 13056], sizes = [32, 128], strides = [1, 1]} : vector<32x51200xf32> to vector<32x128xf32>
    %slice3A_226 = vector.extract_strided_slice %get3A_1 {offsets = [0, 13184], sizes = [32, 128], strides = [1, 1]} : vector<32x51200xf32> to vector<32x128xf32>
    %concatenate3A_227 = tpu.concatenate %slice3A_223, %slice3A_224, %slice3A_225, %slice3A_226 in 0 : vector<32x128xf32>, vector<32x128xf32>, vector<32x128xf32>, vector<32x128xf32> -> vector<128x128xf32>
    %transpose3A_228 = tpu.transpose %concatenate3A_227, [1, 0] : vector<128x128xf32> -> vector<128x128xf32>
    %swap3A_229 = arith.constant 3200 : index
    %swap3A_230 = arith.constant 0 : index
    %swap3A_231 = vector.load %arg2[%swap3A_229, %swap3A_230] : memref<12800x128xf32, #tpu.memory_space<vmem>>, vector<128x128xf32>
    tpu.vector_store %arg2[%swap3A_229, %swap3A_230], %transpose3A_228 {strides = array<i32>} : memref<12800x128xf32, #tpu.memory_space<vmem>>, vector<128x128xf32>,
    %slice3A_232 = vector.extract_strided_slice %get3A_1 {offsets = [0, 13312], sizes = [32, 128], strides = [1, 1]} : vector<32x51200xf32> to vector<32x128xf32>
    %slice3A_233 = vector.extract_strided_slice %get3A_1 {offsets = [0, 13440], sizes = [32, 128], strides = [1, 1]} : vector<32x51200xf32> to vector<32x128xf32>
    %slice3A_234 = vector.extract_strided_slice %get3A_1 {offsets = [0, 13568], sizes = [32, 128], strides = [1, 1]} : vector<32x51200xf32> to vector<32x128xf32>
    %slice3A_235 = vector.extract_strided_slice %get3A_1 {offsets = [0, 13696], sizes = [32, 128], strides = [1, 1]} : vector<32x51200xf32> to vector<32x128xf32>
    %concatenate3A_236 = tpu.concatenate %slice3A_232, %slice3A_233, %slice3A_234, %slice3A_235 in 0 : vector<32x128xf32>, vector<32x128xf32>, vector<32x128xf32>, vector<32x128xf32> -> vector<128x128xf32>
    %transpose3A_237 = tpu.transpose %concatenate3A_236, [1, 0] : vector<128x128xf32> -> vector<128x128xf32>
    %swap3A_238 = arith.constant 3328 : index
    %swap3A_239 = arith.constant 0 : index
    %swap3A_240 = vector.load %arg2[%swap3A_238, %swap3A_239] : memref<12800x128xf32, #tpu.memory_space<vmem>>, vector<128x128xf32>
    tpu.vector_store %arg2[%swap3A_238, %swap3A_239], %transpose3A_237 {strides = array<i32>} : memref<12800x128xf32, #tpu.memory_space<vmem>>, vector<128x128xf32>,
    %slice3A_241 = vector.extract_strided_slice %get3A_1 {offsets = [0, 13824], sizes = [32, 128], strides = [1, 1]} : vector<32x51200xf32> to vector<32x128xf32>
    %slice3A_242 = vector.extract_strided_slice %get3A_1 {offsets = [0, 13952], sizes = [32, 128], strides = [1, 1]} : vector<32x51200xf32> to vector<32x128xf32>
    %slice3A_243 = vector.extract_strided_slice %get3A_1 {offsets = [0, 14080], sizes = [32, 128], strides = [1, 1]} : vector<32x51200xf32> to vector<32x128xf32>
    %slice3A_244 = vector.extract_strided_slice %get3A_1 {offsets = [0, 14208], sizes = [32, 128], strides = [1, 1]} : vector<32x51200xf32> to vector<32x128xf32>
    %concatenate3A_245 = tpu.concatenate %slice3A_241, %slice3A_242, %slice3A_243, %slice3A_244 in 0 : vector<32x128xf32>, vector<32x128xf32>, vector<32x128xf32>, vector<32x128xf32> -> vector<128x128xf32>
    %transpose3A_246 = tpu.transpose %concatenate3A_245, [1, 0] : vector<128x128xf32> -> vector<128x128xf32>
    %swap3A_247 = arith.constant 3456 : index
    %swap3A_248 = arith.constant 0 : index
    %swap3A_249 = vector.load %arg2[%swap3A_247, %swap3A_248] : memref<12800x128xf32, #tpu.memory_space<vmem>>, vector<128x128xf32>
    tpu.vector_store %arg2[%swap3A_247, %swap3A_248], %transpose3A_246 {strides = array<i32>} : memref<12800x128xf32, #tpu.memory_space<vmem>>, vector<128x128xf32>,
    %slice3A_250 = vector.extract_strided_slice %get3A_1 {offsets = [0, 14336], sizes = [32, 128], strides = [1, 1]} : vector<32x51200xf32> to vector<32x128xf32>
    %slice3A_251 = vector.extract_strided_slice %get3A_1 {offsets = [0, 14464], sizes = [32, 128], strides = [1, 1]} : vector<32x51200xf32> to vector<32x128xf32>
    %slice3A_252 = vector.extract_strided_slice %get3A_1 {offsets = [0, 14592], sizes = [32, 128], strides = [1, 1]} : vector<32x51200xf32> to vector<32x128xf32>
    %slice3A_253 = vector.extract_strided_slice %get3A_1 {offsets = [0, 14720], sizes = [32, 128], strides = [1, 1]} : vector<32x51200xf32> to vector<32x128xf32>
    %concatenate3A_254 = tpu.concatenate %slice3A_250, %slice3A_251, %slice3A_252, %slice3A_253 in 0 : vector<32x128xf32>, vector<32x128xf32>, vector<32x128xf32>, vector<32x128xf32> -> vector<128x128xf32>
    %transpose3A_255 = tpu.transpose %concatenate3A_254, [1, 0] : vector<128x128xf32> -> vector<128x128xf32>
    %swap3A_256 = arith.constant 3584 : index
    %swap3A_257 = arith.constant 0 : index
    %swap3A_258 = vector.load %arg2[%swap3A_256, %swap3A_257] : memref<12800x128xf32, #tpu.memory_space<vmem>>, vector<128x128xf32>
    tpu.vector_store %arg2[%swap3A_256, %swap3A_257], %transpose3A_255 {strides = array<i32>} : memref<12800x128xf32, #tpu.memory_space<vmem>>, vector<128x128xf32>,
    %slice3A_259 = vector.extract_strided_slice %get3A_1 {offsets = [0, 14848], sizes = [32, 128], strides = [1, 1]} : vector<32x51200xf32> to vector<32x128xf32>
    %slice3A_260 = vector.extract_strided_slice %get3A_1 {offsets = [0, 14976], sizes = [32, 128], strides = [1, 1]} : vector<32x51200xf32> to vector<32x128xf32>
    %slice3A_261 = vector.extract_strided_slice %get3A_1 {offsets = [0, 15104], sizes = [32, 128], strides = [1, 1]} : vector<32x51200xf32> to vector<32x128xf32>
    %slice3A_262 = vector.extract_strided_slice %get3A_1 {offsets = [0, 15232], sizes = [32, 128], strides = [1, 1]} : vector<32x51200xf32> to vector<32x128xf32>
    %concatenate3A_263 = tpu.concatenate %slice3A_259, %slice3A_260, %slice3A_261, %slice3A_262 in 0 : vector<32x128xf32>, vector<32x128xf32>, vector<32x128xf32>, vector<32x128xf32> -> vector<128x128xf32>
    %transpose3A_264 = tpu.transpose %concatenate3A_263, [1, 0] : vector<128x128xf32> -> vector<128x128xf32>
    %swap3A_265 = arith.constant 3712 : index
    %swap3A_266 = arith.constant 0 : index
    %swap3A_267 = vector.load %arg2[%swap3A_265, %swap3A_266] : memref<12800x128xf32, #tpu.memory_space<vmem>>, vector<128x128xf32>
    tpu.vector_store %arg2[%swap3A_265, %swap3A_266], %transpose3A_264 {strides = array<i32>} : memref<12800x128xf32, #tpu.memory_space<vmem>>, vector<128x128xf32>,
    %slice3A_268 = vector.extract_strided_slice %get3A_1 {offsets = [0, 15360], sizes = [32, 128], strides = [1, 1]} : vector<32x51200xf32> to vector<32x128xf32>
    %slice3A_269 = vector.extract_strided_slice %get3A_1 {offsets = [0, 15488], sizes = [32, 128], strides = [1, 1]} : vector<32x51200xf32> to vector<32x128xf32>
    %slice3A_270 = vector.extract_strided_slice %get3A_1 {offsets = [0, 15616], sizes = [32, 128], strides = [1, 1]} : vector<32x51200xf32> to vector<32x128xf32>
    %slice3A_271 = vector.extract_strided_slice %get3A_1 {offsets = [0, 15744], sizes = [32, 128], strides = [1, 1]} : vector<32x51200xf32> to vector<32x128xf32>
    %concatenate3A_272 = tpu.concatenate %slice3A_268, %slice3A_269, %slice3A_270, %slice3A_271 in 0 : vector<32x128xf32>, vector<32x128xf32>, vector<32x128xf32>, vector<32x128xf32> -> vector<128x128xf32>
    %transpose3A_273 = tpu.transpose %concatenate3A_272, [1, 0] : vector<128x128xf32> -> vector<128x128xf32>
    %swap3A_274 = arith.constant 3840 : index
    %swap3A_275 = arith.constant 0 : index
    %swap3A_276 = vector.load %arg2[%swap3A_274, %swap3A_275] : memref<12800x128xf32, #tpu.memory_space<vmem>>, vector<128x128xf32>
    tpu.vector_store %arg2[%swap3A_274, %swap3A_275], %transpose3A_273 {strides = array<i32>} : memref<12800x128xf32, #tpu.memory_space<vmem>>, vector<128x128xf32>,
    %slice3A_277 = vector.extract_strided_slice %get3A_1 {offsets = [0, 15872], sizes = [32, 128], strides = [1, 1]} : vector<32x51200xf32> to vector<32x128xf32>
    %slice3A_278 = vector.extract_strided_slice %get3A_1 {offsets = [0, 16000], sizes = [32, 128], strides = [1, 1]} : vector<32x51200xf32> to vector<32x128xf32>
    %slice3A_279 = vector.extract_strided_slice %get3A_1 {offsets = [0, 16128], sizes = [32, 128], strides = [1, 1]} : vector<32x51200xf32> to vector<32x128xf32>
    %slice3A_280 = vector.extract_strided_slice %get3A_1 {offsets = [0, 16256], sizes = [32, 128], strides = [1, 1]} : vector<32x51200xf32> to vector<32x128xf32>
    %concatenate3A_281 = tpu.concatenate %slice3A_277, %slice3A_278, %slice3A_279, %slice3A_280 in 0 : vector<32x128xf32>, vector<32x128xf32>, vector<32x128xf32>, vector<32x128xf32> -> vector<128x128xf32>
    %transpose3A_282 = tpu.transpose %concatenate3A_281, [1, 0] : vector<128x128xf32> -> vector<128x128xf32>
    %swap3A_283 = arith.constant 3968 : index
    %swap3A_284 = arith.constant 0 : index
    %swap3A_285 = vector.load %arg2[%swap3A_283, %swap3A_284] : memref<12800x128xf32, #tpu.memory_space<vmem>>, vector<128x128xf32>
    tpu.vector_store %arg2[%swap3A_283, %swap3A_284], %transpose3A_282 {strides = array<i32>} : memref<12800x128xf32, #tpu.memory_space<vmem>>, vector<128x128xf32>,
    %slice3A_286 = vector.extract_strided_slice %get3A_1 {offsets = [0, 16384], sizes = [32, 128], strides = [1, 1]} : vector<32x51200xf32> to vector<32x128xf32>
    %slice3A_287 = vector.extract_strided_slice %get3A_1 {offsets = [0, 16512], sizes = [32, 128], strides = [1, 1]} : vector<32x51200xf32> to vector<32x128xf32>
    %slice3A_288 = vector.extract_strided_slice %get3A_1 {offsets = [0, 16640], sizes = [32, 128], strides = [1, 1]} : vector<32x51200xf32> to vector<32x128xf32>
    %slice3A_289 = vector.extract_strided_slice %get3A_1 {offsets = [0, 16768], sizes = [32, 128], strides = [1, 1]} : vector<32x51200xf32> to vector<32x128xf32>
    %concatenate3A_290 = tpu.concatenate %slice3A_286, %slice3A_287, %slice3A_288, %slice3A_289 in 0 : vector<32x128xf32>, vector<32x128xf32>, vector<32x128xf32>, vector<32x128xf32> -> vector<128x128xf32>
    %transpose3A_291 = tpu.transpose %concatenate3A_290, [1, 0] : vector<128x128xf32> -> vector<128x128xf32>
    %swap3A_292 = arith.constant 4096 : index
    %swap3A_293 = arith.constant 0 : index
    %swap3A_294 = vector.load %arg2[%swap3A_292, %swap3A_293] : memref<12800x128xf32, #tpu.memory_space<vmem>>, vector<128x128xf32>
    tpu.vector_store %arg2[%swap3A_292, %swap3A_293], %transpose3A_291 {strides = array<i32>} : memref<12800x128xf32, #tpu.memory_space<vmem>>, vector<128x128xf32>,
    %slice3A_295 = vector.extract_strided_slice %get3A_1 {offsets = [0, 16896], sizes = [32, 128], strides = [1, 1]} : vector<32x51200xf32> to vector<32x128xf32>
    %slice3A_296 = vector.extract_strided_slice %get3A_1 {offsets = [0, 17024], sizes = [32, 128], strides = [1, 1]} : vector<32x51200xf32> to vector<32x128xf32>
    %slice3A_297 = vector.extract_strided_slice %get3A_1 {offsets = [0, 17152], sizes = [32, 128], strides = [1, 1]} : vector<32x51200xf32> to vector<32x128xf32>
    %slice3A_298 = vector.extract_strided_slice %get3A_1 {offsets = [0, 17280], sizes = [32, 128], strides = [1, 1]} : vector<32x51200xf32> to vector<32x128xf32>
    %concatenate3A_299 = tpu.concatenate %slice3A_295, %slice3A_296, %slice3A_297, %slice3A_298 in 0 : vector<32x128xf32>, vector<32x128xf32>, vector<32x128xf32>, vector<32x128xf32> -> vector<128x128xf32>
    %transpose3A_300 = tpu.transpose %concatenate3A_299, [1, 0] : vector<128x128xf32> -> vector<128x128xf32>
    %swap3A_301 = arith.constant 4224 : index
    %swap3A_302 = arith.constant 0 : index
    %swap3A_303 = vector.load %arg2[%swap3A_301, %swap3A_302] : memref<12800x128xf32, #tpu.memory_space<vmem>>, vector<128x128xf32>
    tpu.vector_store %arg2[%swap3A_301, %swap3A_302], %transpose3A_300 {strides = array<i32>} : memref<12800x128xf32, #tpu.memory_space<vmem>>, vector<128x128xf32>,
    %slice3A_304 = vector.extract_strided_slice %get3A_1 {offsets = [0, 17408], sizes = [32, 128], strides = [1, 1]} : vector<32x51200xf32> to vector<32x128xf32>
    %slice3A_305 = vector.extract_strided_slice %get3A_1 {offsets = [0, 17536], sizes = [32, 128], strides = [1, 1]} : vector<32x51200xf32> to vector<32x128xf32>
    %slice3A_306 = vector.extract_strided_slice %get3A_1 {offsets = [0, 17664], sizes = [32, 128], strides = [1, 1]} : vector<32x51200xf32> to vector<32x128xf32>
    %slice3A_307 = vector.extract_strided_slice %get3A_1 {offsets = [0, 17792], sizes = [32, 128], strides = [1, 1]} : vector<32x51200xf32> to vector<32x128xf32>
    %concatenate3A_308 = tpu.concatenate %slice3A_304, %slice3A_305, %slice3A_306, %slice3A_307 in 0 : vector<32x128xf32>, vector<32x128xf32>, vector<32x128xf32>, vector<32x128xf32> -> vector<128x128xf32>
    %transpose3A_309 = tpu.transpose %concatenate3A_308, [1, 0] : vector<128x128xf32> -> vector<128x128xf32>
    %swap3A_310 = arith.constant 4352 : index
    %swap3A_311 = arith.constant 0 : index
    %swap3A_312 = vector.load %arg2[%swap3A_310, %swap3A_311] : memref<12800x128xf32, #tpu.memory_space<vmem>>, vector<128x128xf32>
    tpu.vector_store %arg2[%swap3A_310, %swap3A_311], %transpose3A_309 {strides = array<i32>} : memref<12800x128xf32, #tpu.memory_space<vmem>>, vector<128x128xf32>,
    %slice3A_313 = vector.extract_strided_slice %get3A_1 {offsets = [0, 17920], sizes = [32, 128], strides = [1, 1]} : vector<32x51200xf32> to vector<32x128xf32>
    %slice3A_314 = vector.extract_strided_slice %get3A_1 {offsets = [0, 18048], sizes = [32, 128], strides = [1, 1]} : vector<32x51200xf32> to vector<32x128xf32>
    %slice3A_315 = vector.extract_strided_slice %get3A_1 {offsets = [0, 18176], sizes = [32, 128], strides = [1, 1]} : vector<32x51200xf32> to vector<32x128xf32>
    %slice3A_316 = vector.extract_strided_slice %get3A_1 {offsets = [0, 18304], sizes = [32, 128], strides = [1, 1]} : vector<32x51200xf32> to vector<32x128xf32>
    %concatenate3A_317 = tpu.concatenate %slice3A_313, %slice3A_314, %slice3A_315, %slice3A_316 in 0 : vector<32x128xf32>, vector<32x128xf32>, vector<32x128xf32>, vector<32x128xf32> -> vector<128x128xf32>
    %transpose3A_318 = tpu.transpose %concatenate3A_317, [1, 0] : vector<128x128xf32> -> vector<128x128xf32>
    %swap3A_319 = arith.constant 4480 : index
    %swap3A_320 = arith.constant 0 : index
    %swap3A_321 = vector.load %arg2[%swap3A_319, %swap3A_320] : memref<12800x128xf32, #tpu.memory_space<vmem>>, vector<128x128xf32>
    tpu.vector_store %arg2[%swap3A_319, %swap3A_320], %transpose3A_318 {strides = array<i32>} : memref<12800x128xf32, #tpu.memory_space<vmem>>, vector<128x128xf32>,
    %slice3A_322 = vector.extract_strided_slice %get3A_1 {offsets = [0, 18432], sizes = [32, 128], strides = [1, 1]} : vector<32x51200xf32> to vector<32x128xf32>
    %slice3A_323 = vector.extract_strided_slice %get3A_1 {offsets = [0, 18560], sizes = [32, 128], strides = [1, 1]} : vector<32x51200xf32> to vector<32x128xf32>
    %slice3A_324 = vector.extract_strided_slice %get3A_1 {offsets = [0, 18688], sizes = [32, 128], strides = [1, 1]} : vector<32x51200xf32> to vector<32x128xf32>
    %slice3A_325 = vector.extract_strided_slice %get3A_1 {offsets = [0, 18816], sizes = [32, 128], strides = [1, 1]} : vector<32x51200xf32> to vector<32x128xf32>
    %concatenate3A_326 = tpu.concatenate %slice3A_322, %slice3A_323, %slice3A_324, %slice3A_325 in 0 : vector<32x128xf32>, vector<32x128xf32>, vector<32x128xf32>, vector<32x128xf32> -> vector<128x128xf32>
    %transpose3A_327 = tpu.transpose %concatenate3A_326, [1, 0] : vector<128x128xf32> -> vector<128x128xf32>
    %swap3A_328 = arith.constant 4608 : index
    %swap3A_329 = arith.constant 0 : index
    %swap3A_330 = vector.load %arg2[%swap3A_328, %swap3A_329] : memref<12800x128xf32, #tpu.memory_space<vmem>>, vector<128x128xf32>
    tpu.vector_store %arg2[%swap3A_328, %swap3A_329], %transpose3A_327 {strides = array<i32>} : memref<12800x128xf32, #tpu.memory_space<vmem>>, vector<128x128xf32>,
    %slice3A_331 = vector.extract_strided_slice %get3A_1 {offsets = [0, 18944], sizes = [32, 128], strides = [1, 1]} : vector<32x51200xf32> to vector<32x128xf32>
    %slice3A_332 = vector.extract_strided_slice %get3A_1 {offsets = [0, 19072], sizes = [32, 128], strides = [1, 1]} : vector<32x51200xf32> to vector<32x128xf32>
    %slice3A_333 = vector.extract_strided_slice %get3A_1 {offsets = [0, 19200], sizes = [32, 128], strides = [1, 1]} : vector<32x51200xf32> to vector<32x128xf32>
    %slice3A_334 = vector.extract_strided_slice %get3A_1 {offsets = [0, 19328], sizes = [32, 128], strides = [1, 1]} : vector<32x51200xf32> to vector<32x128xf32>
    %concatenate3A_335 = tpu.concatenate %slice3A_331, %slice3A_332, %slice3A_333, %slice3A_334 in 0 : vector<32x128xf32>, vector<32x128xf32>, vector<32x128xf32>, vector<32x128xf32> -> vector<128x128xf32>
    %transpose3A_336 = tpu.transpose %concatenate3A_335, [1, 0] : vector<128x128xf32> -> vector<128x128xf32>
    %swap3A_337 = arith.constant 4736 : index
    %swap3A_338 = arith.constant 0 : index
    %swap3A_339 = vector.load %arg2[%swap3A_337, %swap3A_338] : memref<12800x128xf32, #tpu.memory_space<vmem>>, vector<128x128xf32>
    tpu.vector_store %arg2[%swap3A_337, %swap3A_338], %transpose3A_336 {strides = array<i32>} : memref<12800x128xf32, #tpu.memory_space<vmem>>, vector<128x128xf32>,
    %slice3A_340 = vector.extract_strided_slice %get3A_1 {offsets = [0, 19456], sizes = [32, 128], strides = [1, 1]} : vector<32x51200xf32> to vector<32x128xf32>
    %slice3A_341 = vector.extract_strided_slice %get3A_1 {offsets = [0, 19584], sizes = [32, 128], strides = [1, 1]} : vector<32x51200xf32> to vector<32x128xf32>
    %slice3A_342 = vector.extract_strided_slice %get3A_1 {offsets = [0, 19712], sizes = [32, 128], strides = [1, 1]} : vector<32x51200xf32> to vector<32x128xf32>
    %slice3A_343 = vector.extract_strided_slice %get3A_1 {offsets = [0, 19840], sizes = [32, 128], strides = [1, 1]} : vector<32x51200xf32> to vector<32x128xf32>
    %concatenate3A_344 = tpu.concatenate %slice3A_340, %slice3A_341, %slice3A_342, %slice3A_343 in 0 : vector<32x128xf32>, vector<32x128xf32>, vector<32x128xf32>, vector<32x128xf32> -> vector<128x128xf32>
    %transpose3A_345 = tpu.transpose %concatenate3A_344, [1, 0] : vector<128x128xf32> -> vector<128x128xf32>
    %swap3A_346 = arith.constant 4864 : index
    %swap3A_347 = arith.constant 0 : index
    %swap3A_348 = vector.load %arg2[%swap3A_346, %swap3A_347] : memref<12800x128xf32, #tpu.memory_space<vmem>>, vector<128x128xf32>
    tpu.vector_store %arg2[%swap3A_346, %swap3A_347], %transpose3A_345 {strides = array<i32>} : memref<12800x128xf32, #tpu.memory_space<vmem>>, vector<128x128xf32>,
    %slice3A_349 = vector.extract_strided_slice %get3A_1 {offsets = [0, 19968], sizes = [32, 128], strides = [1, 1]} : vector<32x51200xf32> to vector<32x128xf32>
    %slice3A_350 = vector.extract_strided_slice %get3A_1 {offsets = [0, 20096], sizes = [32, 128], strides = [1, 1]} : vector<32x51200xf32> to vector<32x128xf32>
    %slice3A_351 = vector.extract_strided_slice %get3A_1 {offsets = [0, 20224], sizes = [32, 128], strides = [1, 1]} : vector<32x51200xf32> to vector<32x128xf32>
    %slice3A_352 = vector.extract_strided_slice %get3A_1 {offsets = [0, 20352], sizes = [32, 128], strides = [1, 1]} : vector<32x51200xf32> to vector<32x128xf32>
    %concatenate3A_353 = tpu.concatenate %slice3A_349, %slice3A_350, %slice3A_351, %slice3A_352 in 0 : vector<32x128xf32>, vector<32x128xf32>, vector<32x128xf32>, vector<32x128xf32> -> vector<128x128xf32>
    %transpose3A_354 = tpu.transpose %concatenate3A_353, [1, 0] : vector<128x128xf32> -> vector<128x128xf32>
    %swap3A_355 = arith.constant 4992 : index
    %swap3A_356 = arith.constant 0 : index
    %swap3A_357 = vector.load %arg2[%swap3A_355, %swap3A_356] : memref<12800x128xf32, #tpu.memory_space<vmem>>, vector<128x128xf32>
    tpu.vector_store %arg2[%swap3A_355, %swap3A_356], %transpose3A_354 {strides = array<i32>} : memref<12800x128xf32, #tpu.memory_space<vmem>>, vector<128x128xf32>,
    %slice3A_358 = vector.extract_strided_slice %get3A_1 {offsets = [0, 20480], sizes = [32, 128], strides = [1, 1]} : vector<32x51200xf32> to vector<32x128xf32>
    %slice3A_359 = vector.extract_strided_slice %get3A_1 {offsets = [0, 20608], sizes = [32, 128], strides = [1, 1]} : vector<32x51200xf32> to vector<32x128xf32>
    %slice3A_360 = vector.extract_strided_slice %get3A_1 {offsets = [0, 20736], sizes = [32, 128], strides = [1, 1]} : vector<32x51200xf32> to vector<32x128xf32>
    %slice3A_361 = vector.extract_strided_slice %get3A_1 {offsets = [0, 20864], sizes = [32, 128], strides = [1, 1]} : vector<32x51200xf32> to vector<32x128xf32>
    %concatenate3A_362 = tpu.concatenate %slice3A_358, %slice3A_359, %slice3A_360, %slice3A_361 in 0 : vector<32x128xf32>, vector<32x128xf32>, vector<32x128xf32>, vector<32x128xf32> -> vector<128x128xf32>
    %transpose3A_363 = tpu.transpose %concatenate3A_362, [1, 0] : vector<128x128xf32> -> vector<128x128xf32>
    %swap3A_364 = arith.constant 5120 : index
    %swap3A_365 = arith.constant 0 : index
    %swap3A_366 = vector.load %arg2[%swap3A_364, %swap3A_365] : memref<12800x128xf32, #tpu.memory_space<vmem>>, vector<128x128xf32>
    tpu.vector_store %arg2[%swap3A_364, %swap3A_365], %transpose3A_363 {strides = array<i32>} : memref<12800x128xf32, #tpu.memory_space<vmem>>, vector<128x128xf32>,
    %slice3A_367 = vector.extract_strided_slice %get3A_1 {offsets = [0, 20992], sizes = [32, 128], strides = [1, 1]} : vector<32x51200xf32> to vector<32x128xf32>
    %slice3A_368 = vector.extract_strided_slice %get3A_1 {offsets = [0, 21120], sizes = [32, 128], strides = [1, 1]} : vector<32x51200xf32> to vector<32x128xf32>
    %slice3A_369 = vector.extract_strided_slice %get3A_1 {offsets = [0, 21248], sizes = [32, 128], strides = [1, 1]} : vector<32x51200xf32> to vector<32x128xf32>
    %slice3A_370 = vector.extract_strided_slice %get3A_1 {offsets = [0, 21376], sizes = [32, 128], strides = [1, 1]} : vector<32x51200xf32> to vector<32x128xf32>
    %concatenate3A_371 = tpu.concatenate %slice3A_367, %slice3A_368, %slice3A_369, %slice3A_370 in 0 : vector<32x128xf32>, vector<32x128xf32>, vector<32x128xf32>, vector<32x128xf32> -> vector<128x128xf32>
    %transpose3A_372 = tpu.transpose %concatenate3A_371, [1, 0] : vector<128x128xf32> -> vector<128x128xf32>
    %swap3A_373 = arith.constant 5248 : index
    %swap3A_374 = arith.constant 0 : index
    %swap3A_375 = vector.load %arg2[%swap3A_373, %swap3A_374] : memref<12800x128xf32, #tpu.memory_space<vmem>>, vector<128x128xf32>
    tpu.vector_store %arg2[%swap3A_373, %swap3A_374], %transpose3A_372 {strides = array<i32>} : memref<12800x128xf32, #tpu.memory_space<vmem>>, vector<128x128xf32>,
    %slice3A_376 = vector.extract_strided_slice %get3A_1 {offsets = [0, 21504], sizes = [32, 128], strides = [1, 1]} : vector<32x51200xf32> to vector<32x128xf32>
    %slice3A_377 = vector.extract_strided_slice %get3A_1 {offsets = [0, 21632], sizes = [32, 128], strides = [1, 1]} : vector<32x51200xf32> to vector<32x128xf32>
    %slice3A_378 = vector.extract_strided_slice %get3A_1 {offsets = [0, 21760], sizes = [32, 128], strides = [1, 1]} : vector<32x51200xf32> to vector<32x128xf32>
    %slice3A_379 = vector.extract_strided_slice %get3A_1 {offsets = [0, 21888], sizes = [32, 128], strides = [1, 1]} : vector<32x51200xf32> to vector<32x128xf32>
    %concatenate3A_380 = tpu.concatenate %slice3A_376, %slice3A_377, %slice3A_378, %slice3A_379 in 0 : vector<32x128xf32>, vector<32x128xf32>, vector<32x128xf32>, vector<32x128xf32> -> vector<128x128xf32>
    %transpose3A_381 = tpu.transpose %concatenate3A_380, [1, 0] : vector<128x128xf32> -> vector<128x128xf32>
    %swap3A_382 = arith.constant 5376 : index
    %swap3A_383 = arith.constant 0 : index
    %swap3A_384 = vector.load %arg2[%swap3A_382, %swap3A_383] : memref<12800x128xf32, #tpu.memory_space<vmem>>, vector<128x128xf32>
    tpu.vector_store %arg2[%swap3A_382, %swap3A_383], %transpose3A_381 {strides = array<i32>} : memref<12800x128xf32, #tpu.memory_space<vmem>>, vector<128x128xf32>,
    %slice3A_385 = vector.extract_strided_slice %get3A_1 {offsets = [0, 22016], sizes = [32, 128], strides = [1, 1]} : vector<32x51200xf32> to vector<32x128xf32>
    %slice3A_386 = vector.extract_strided_slice %get3A_1 {offsets = [0, 22144], sizes = [32, 128], strides = [1, 1]} : vector<32x51200xf32> to vector<32x128xf32>
    %slice3A_387 = vector.extract_strided_slice %get3A_1 {offsets = [0, 22272], sizes = [32, 128], strides = [1, 1]} : vector<32x51200xf32> to vector<32x128xf32>
    %slice3A_388 = vector.extract_strided_slice %get3A_1 {offsets = [0, 22400], sizes = [32, 128], strides = [1, 1]} : vector<32x51200xf32> to vector<32x128xf32>
    %concatenate3A_389 = tpu.concatenate %slice3A_385, %slice3A_386, %slice3A_387, %slice3A_388 in 0 : vector<32x128xf32>, vector<32x128xf32>, vector<32x128xf32>, vector<32x128xf32> -> vector<128x128xf32>
    %transpose3A_390 = tpu.transpose %concatenate3A_389, [1, 0] : vector<128x128xf32> -> vector<128x128xf32>
    %swap3A_391 = arith.constant 5504 : index
    %swap3A_392 = arith.constant 0 : index
    %swap3A_393 = vector.load %arg2[%swap3A_391, %swap3A_392] : memref<12800x128xf32, #tpu.memory_space<vmem>>, vector<128x128xf32>
    tpu.vector_store %arg2[%swap3A_391, %swap3A_392], %transpose3A_390 {strides = array<i32>} : memref<12800x128xf32, #tpu.memory_space<vmem>>, vector<128x128xf32>,
    %slice3A_394 = vector.extract_strided_slice %get3A_1 {offsets = [0, 22528], sizes = [32, 128], strides = [1, 1]} : vector<32x51200xf32> to vector<32x128xf32>
    %slice3A_395 = vector.extract_strided_slice %get3A_1 {offsets = [0, 22656], sizes = [32, 128], strides = [1, 1]} : vector<32x51200xf32> to vector<32x128xf32>
    %slice3A_396 = vector.extract_strided_slice %get3A_1 {offsets = [0, 22784], sizes = [32, 128], strides = [1, 1]} : vector<32x51200xf32> to vector<32x128xf32>
    %slice3A_397 = vector.extract_strided_slice %get3A_1 {offsets = [0, 22912], sizes = [32, 128], strides = [1, 1]} : vector<32x51200xf32> to vector<32x128xf32>
    %concatenate3A_398 = tpu.concatenate %slice3A_394, %slice3A_395, %slice3A_396, %slice3A_397 in 0 : vector<32x128xf32>, vector<32x128xf32>, vector<32x128xf32>, vector<32x128xf32> -> vector<128x128xf32>
    %transpose3A_399 = tpu.transpose %concatenate3A_398, [1, 0] : vector<128x128xf32> -> vector<128x128xf32>
    %swap3A_400 = arith.constant 5632 : index
    %swap3A_401 = arith.constant 0 : index
    %swap3A_402 = vector.load %arg2[%swap3A_400, %swap3A_401] : memref<12800x128xf32, #tpu.memory_space<vmem>>, vector<128x128xf32>
    tpu.vector_store %arg2[%swap3A_400, %swap3A_401], %transpose3A_399 {strides = array<i32>} : memref<12800x128xf32, #tpu.memory_space<vmem>>, vector<128x128xf32>,
    %slice3A_403 = vector.extract_strided_slice %get3A_1 {offsets = [0, 23040], sizes = [32, 128], strides = [1, 1]} : vector<32x51200xf32> to vector<32x128xf32>
    %slice3A_404 = vector.extract_strided_slice %get3A_1 {offsets = [0, 23168], sizes = [32, 128], strides = [1, 1]} : vector<32x51200xf32> to vector<32x128xf32>
    %slice3A_405 = vector.extract_strided_slice %get3A_1 {offsets = [0, 23296], sizes = [32, 128], strides = [1, 1]} : vector<32x51200xf32> to vector<32x128xf32>
    %slice3A_406 = vector.extract_strided_slice %get3A_1 {offsets = [0, 23424], sizes = [32, 128], strides = [1, 1]} : vector<32x51200xf32> to vector<32x128xf32>
    %concatenate3A_407 = tpu.concatenate %slice3A_403, %slice3A_404, %slice3A_405, %slice3A_406 in 0 : vector<32x128xf32>, vector<32x128xf32>, vector<32x128xf32>, vector<32x128xf32> -> vector<128x128xf32>
    %transpose3A_408 = tpu.transpose %concatenate3A_407, [1, 0] : vector<128x128xf32> -> vector<128x128xf32>
    %swap3A_409 = arith.constant 5760 : index
    %swap3A_410 = arith.constant 0 : index
    %swap3A_411 = vector.load %arg2[%swap3A_409, %swap3A_410] : memref<12800x128xf32, #tpu.memory_space<vmem>>, vector<128x128xf32>
    tpu.vector_store %arg2[%swap3A_409, %swap3A_410], %transpose3A_408 {strides = array<i32>} : memref<12800x128xf32, #tpu.memory_space<vmem>>, vector<128x128xf32>,
    %slice3A_412 = vector.extract_strided_slice %get3A_1 {offsets = [0, 23552], sizes = [32, 128], strides = [1, 1]} : vector<32x51200xf32> to vector<32x128xf32>
    %slice3A_413 = vector.extract_strided_slice %get3A_1 {offsets = [0, 23680], sizes = [32, 128], strides = [1, 1]} : vector<32x51200xf32> to vector<32x128xf32>
    %slice3A_414 = vector.extract_strided_slice %get3A_1 {offsets = [0, 23808], sizes = [32, 128], strides = [1, 1]} : vector<32x51200xf32> to vector<32x128xf32>
    %slice3A_415 = vector.extract_strided_slice %get3A_1 {offsets = [0, 23936], sizes = [32, 128], strides = [1, 1]} : vector<32x51200xf32> to vector<32x128xf32>
    %concatenate3A_416 = tpu.concatenate %slice3A_412, %slice3A_413, %slice3A_414, %slice3A_415 in 0 : vector<32x128xf32>, vector<32x128xf32>, vector<32x128xf32>, vector<32x128xf32> -> vector<128x128xf32>
    %transpose3A_417 = tpu.transpose %concatenate3A_416, [1, 0] : vector<128x128xf32> -> vector<128x128xf32>
    %swap3A_418 = arith.constant 5888 : index
    %swap3A_419 = arith.constant 0 : index
    %swap3A_420 = vector.load %arg2[%swap3A_418, %swap3A_419] : memref<12800x128xf32, #tpu.memory_space<vmem>>, vector<128x128xf32>
    tpu.vector_store %arg2[%swap3A_418, %swap3A_419], %transpose3A_417 {strides = array<i32>} : memref<12800x128xf32, #tpu.memory_space<vmem>>, vector<128x128xf32>,
    %slice3A_421 = vector.extract_strided_slice %get3A_1 {offsets = [0, 24064], sizes = [32, 128], strides = [1, 1]} : vector<32x51200xf32> to vector<32x128xf32>
    %slice3A_422 = vector.extract_strided_slice %get3A_1 {offsets = [0, 24192], sizes = [32, 128], strides = [1, 1]} : vector<32x51200xf32> to vector<32x128xf32>
    %slice3A_423 = vector.extract_strided_slice %get3A_1 {offsets = [0, 24320], sizes = [32, 128], strides = [1, 1]} : vector<32x51200xf32> to vector<32x128xf32>
    %slice3A_424 = vector.extract_strided_slice %get3A_1 {offsets = [0, 24448], sizes = [32, 128], strides = [1, 1]} : vector<32x51200xf32> to vector<32x128xf32>
    %concatenate3A_425 = tpu.concatenate %slice3A_421, %slice3A_422, %slice3A_423, %slice3A_424 in 0 : vector<32x128xf32>, vector<32x128xf32>, vector<32x128xf32>, vector<32x128xf32> -> vector<128x128xf32>
    %transpose3A_426 = tpu.transpose %concatenate3A_425, [1, 0] : vector<128x128xf32> -> vector<128x128xf32>
    %swap3A_427 = arith.constant 6016 : index
    %swap3A_428 = arith.constant 0 : index
    %swap3A_429 = vector.load %arg2[%swap3A_427, %swap3A_428] : memref<12800x128xf32, #tpu.memory_space<vmem>>, vector<128x128xf32>
    tpu.vector_store %arg2[%swap3A_427, %swap3A_428], %transpose3A_426 {strides = array<i32>} : memref<12800x128xf32, #tpu.memory_space<vmem>>, vector<128x128xf32>,
    %slice3A_430 = vector.extract_strided_slice %get3A_1 {offsets = [0, 24576], sizes = [32, 128], strides = [1, 1]} : vector<32x51200xf32> to vector<32x128xf32>
    %slice3A_431 = vector.extract_strided_slice %get3A_1 {offsets = [0, 24704], sizes = [32, 128], strides = [1, 1]} : vector<32x51200xf32> to vector<32x128xf32>
    %slice3A_432 = vector.extract_strided_slice %get3A_1 {offsets = [0, 24832], sizes = [32, 128], strides = [1, 1]} : vector<32x51200xf32> to vector<32x128xf32>
    %slice3A_433 = vector.extract_strided_slice %get3A_1 {offsets = [0, 24960], sizes = [32, 128], strides = [1, 1]} : vector<32x51200xf32> to vector<32x128xf32>
    %concatenate3A_434 = tpu.concatenate %slice3A_430, %slice3A_431, %slice3A_432, %slice3A_433 in 0 : vector<32x128xf32>, vector<32x128xf32>, vector<32x128xf32>, vector<32x128xf32> -> vector<128x128xf32>
    %transpose3A_435 = tpu.transpose %concatenate3A_434, [1, 0] : vector<128x128xf32> -> vector<128x128xf32>
    %swap3A_436 = arith.constant 6144 : index
    %swap3A_437 = arith.constant 0 : index
    %swap3A_438 = vector.load %arg2[%swap3A_436, %swap3A_437] : memref<12800x128xf32, #tpu.memory_space<vmem>>, vector<128x128xf32>
    tpu.vector_store %arg2[%swap3A_436, %swap3A_437], %transpose3A_435 {strides = array<i32>} : memref<12800x128xf32, #tpu.memory_space<vmem>>, vector<128x128xf32>,
    %slice3A_439 = vector.extract_strided_slice %get3A_1 {offsets = [0, 25088], sizes = [32, 128], strides = [1, 1]} : vector<32x51200xf32> to vector<32x128xf32>
    %slice3A_440 = vector.extract_strided_slice %get3A_1 {offsets = [0, 25216], sizes = [32, 128], strides = [1, 1]} : vector<32x51200xf32> to vector<32x128xf32>
    %slice3A_441 = vector.extract_strided_slice %get3A_1 {offsets = [0, 25344], sizes = [32, 128], strides = [1, 1]} : vector<32x51200xf32> to vector<32x128xf32>
    %slice3A_442 = vector.extract_strided_slice %get3A_1 {offsets = [0, 25472], sizes = [32, 128], strides = [1, 1]} : vector<32x51200xf32> to vector<32x128xf32>
    %concatenate3A_443 = tpu.concatenate %slice3A_439, %slice3A_440, %slice3A_441, %slice3A_442 in 0 : vector<32x128xf32>, vector<32x128xf32>, vector<32x128xf32>, vector<32x128xf32> -> vector<128x128xf32>
    %transpose3A_444 = tpu.transpose %concatenate3A_443, [1, 0] : vector<128x128xf32> -> vector<128x128xf32>
    %swap3A_445 = arith.constant 6272 : index
    %swap3A_446 = arith.constant 0 : index
    %swap3A_447 = vector.load %arg2[%swap3A_445, %swap3A_446] : memref<12800x128xf32, #tpu.memory_space<vmem>>, vector<128x128xf32>
    tpu.vector_store %arg2[%swap3A_445, %swap3A_446], %transpose3A_444 {strides = array<i32>} : memref<12800x128xf32, #tpu.memory_space<vmem>>, vector<128x128xf32>,
    %slice3A_448 = vector.extract_strided_slice %get3A_1 {offsets = [0, 25600], sizes = [32, 128], strides = [1, 1]} : vector<32x51200xf32> to vector<32x128xf32>
    %slice3A_449 = vector.extract_strided_slice %get3A_1 {offsets = [0, 25728], sizes = [32, 128], strides = [1, 1]} : vector<32x51200xf32> to vector<32x128xf32>
    %slice3A_450 = vector.extract_strided_slice %get3A_1 {offsets = [0, 25856], sizes = [32, 128], strides = [1, 1]} : vector<32x51200xf32> to vector<32x128xf32>
    %slice3A_451 = vector.extract_strided_slice %get3A_1 {offsets = [0, 25984], sizes = [32, 128], strides = [1, 1]} : vector<32x51200xf32> to vector<32x128xf32>
    %concatenate3A_452 = tpu.concatenate %slice3A_448, %slice3A_449, %slice3A_450, %slice3A_451 in 0 : vector<32x128xf32>, vector<32x128xf32>, vector<32x128xf32>, vector<32x128xf32> -> vector<128x128xf32>
    %transpose3A_453 = tpu.transpose %concatenate3A_452, [1, 0] : vector<128x128xf32> -> vector<128x128xf32>
    %swap3A_454 = arith.constant 6400 : index
    %swap3A_455 = arith.constant 0 : index
    %swap3A_456 = vector.load %arg2[%swap3A_454, %swap3A_455] : memref<12800x128xf32, #tpu.memory_space<vmem>>, vector<128x128xf32>
    tpu.vector_store %arg2[%swap3A_454, %swap3A_455], %transpose3A_453 {strides = array<i32>} : memref<12800x128xf32, #tpu.memory_space<vmem>>, vector<128x128xf32>,
    %slice3A_457 = vector.extract_strided_slice %get3A_1 {offsets = [0, 26112], sizes = [32, 128], strides = [1, 1]} : vector<32x51200xf32> to vector<32x128xf32>
    %slice3A_458 = vector.extract_strided_slice %get3A_1 {offsets = [0, 26240], sizes = [32, 128], strides = [1, 1]} : vector<32x51200xf32> to vector<32x128xf32>
    %slice3A_459 = vector.extract_strided_slice %get3A_1 {offsets = [0, 26368], sizes = [32, 128], strides = [1, 1]} : vector<32x51200xf32> to vector<32x128xf32>
    %slice3A_460 = vector.extract_strided_slice %get3A_1 {offsets = [0, 26496], sizes = [32, 128], strides = [1, 1]} : vector<32x51200xf32> to vector<32x128xf32>
    %concatenate3A_461 = tpu.concatenate %slice3A_457, %slice3A_458, %slice3A_459, %slice3A_460 in 0 : vector<32x128xf32>, vector<32x128xf32>, vector<32x128xf32>, vector<32x128xf32> -> vector<128x128xf32>
    %transpose3A_462 = tpu.transpose %concatenate3A_461, [1, 0] : vector<128x128xf32> -> vector<128x128xf32>
    %swap3A_463 = arith.constant 6528 : index
    %swap3A_464 = arith.constant 0 : index
    %swap3A_465 = vector.load %arg2[%swap3A_463, %swap3A_464] : memref<12800x128xf32, #tpu.memory_space<vmem>>, vector<128x128xf32>
    tpu.vector_store %arg2[%swap3A_463, %swap3A_464], %transpose3A_462 {strides = array<i32>} : memref<12800x128xf32, #tpu.memory_space<vmem>>, vector<128x128xf32>,
    %slice3A_466 = vector.extract_strided_slice %get3A_1 {offsets = [0, 26624], sizes = [32, 128], strides = [1, 1]} : vector<32x51200xf32> to vector<32x128xf32>
    %slice3A_467 = vector.extract_strided_slice %get3A_1 {offsets = [0, 26752], sizes = [32, 128], strides = [1, 1]} : vector<32x51200xf32> to vector<32x128xf32>
    %slice3A_468 = vector.extract_strided_slice %get3A_1 {offsets = [0, 26880], sizes = [32, 128], strides = [1, 1]} : vector<32x51200xf32> to vector<32x128xf32>
    %slice3A_469 = vector.extract_strided_slice %get3A_1 {offsets = [0, 27008], sizes = [32, 128], strides = [1, 1]} : vector<32x51200xf32> to vector<32x128xf32>
    %concatenate3A_470 = tpu.concatenate %slice3A_466, %slice3A_467, %slice3A_468, %slice3A_469 in 0 : vector<32x128xf32>, vector<32x128xf32>, vector<32x128xf32>, vector<32x128xf32> -> vector<128x128xf32>
    %transpose3A_471 = tpu.transpose %concatenate3A_470, [1, 0] : vector<128x128xf32> -> vector<128x128xf32>
    %swap3A_472 = arith.constant 6656 : index
    %swap3A_473 = arith.constant 0 : index
    %swap3A_474 = vector.load %arg2[%swap3A_472, %swap3A_473] : memref<12800x128xf32, #tpu.memory_space<vmem>>, vector<128x128xf32>
    tpu.vector_store %arg2[%swap3A_472, %swap3A_473], %transpose3A_471 {strides = array<i32>} : memref<12800x128xf32, #tpu.memory_space<vmem>>, vector<128x128xf32>,
    %slice3A_475 = vector.extract_strided_slice %get3A_1 {offsets = [0, 27136], sizes = [32, 128], strides = [1, 1]} : vector<32x51200xf32> to vector<32x128xf32>
    %slice3A_476 = vector.extract_strided_slice %get3A_1 {offsets = [0, 27264], sizes = [32, 128], strides = [1, 1]} : vector<32x51200xf32> to vector<32x128xf32>
    %slice3A_477 = vector.extract_strided_slice %get3A_1 {offsets = [0, 27392], sizes = [32, 128], strides = [1, 1]} : vector<32x51200xf32> to vector<32x128xf32>
    %slice3A_478 = vector.extract_strided_slice %get3A_1 {offsets = [0, 27520], sizes = [32, 128], strides = [1, 1]} : vector<32x51200xf32> to vector<32x128xf32>
    %concatenate3A_479 = tpu.concatenate %slice3A_475, %slice3A_476, %slice3A_477, %slice3A_478 in 0 : vector<32x128xf32>, vector<32x128xf32>, vector<32x128xf32>, vector<32x128xf32> -> vector<128x128xf32>
    %transpose3A_480 = tpu.transpose %concatenate3A_479, [1, 0] : vector<128x128xf32> -> vector<128x128xf32>
    %swap3A_481 = arith.constant 6784 : index
    %swap3A_482 = arith.constant 0 : index
    %swap3A_483 = vector.load %arg2[%swap3A_481, %swap3A_482] : memref<12800x128xf32, #tpu.memory_space<vmem>>, vector<128x128xf32>
    tpu.vector_store %arg2[%swap3A_481, %swap3A_482], %transpose3A_480 {strides = array<i32>} : memref<12800x128xf32, #tpu.memory_space<vmem>>, vector<128x128xf32>,
    %slice3A_484 = vector.extract_strided_slice %get3A_1 {offsets = [0, 27648], sizes = [32, 128], strides = [1, 1]} : vector<32x51200xf32> to vector<32x128xf32>
    %slice3A_485 = vector.extract_strided_slice %get3A_1 {offsets = [0, 27776], sizes = [32, 128], strides = [1, 1]} : vector<32x51200xf32> to vector<32x128xf32>
    %slice3A_486 = vector.extract_strided_slice %get3A_1 {offsets = [0, 27904], sizes = [32, 128], strides = [1, 1]} : vector<32x51200xf32> to vector<32x128xf32>
    %slice3A_487 = vector.extract_strided_slice %get3A_1 {offsets = [0, 28032], sizes = [32, 128], strides = [1, 1]} : vector<32x51200xf32> to vector<32x128xf32>
    %concatenate3A_488 = tpu.concatenate %slice3A_484, %slice3A_485, %slice3A_486, %slice3A_487 in 0 : vector<32x128xf32>, vector<32x128xf32>, vector<32x128xf32>, vector<32x128xf32> -> vector<128x128xf32>
    %transpose3A_489 = tpu.transpose %concatenate3A_488, [1, 0] : vector<128x128xf32> -> vector<128x128xf32>
    %swap3A_490 = arith.constant 6912 : index
    %swap3A_491 = arith.constant 0 : index
    %swap3A_492 = vector.load %arg2[%swap3A_490, %swap3A_491] : memref<12800x128xf32, #tpu.memory_space<vmem>>, vector<128x128xf32>
    tpu.vector_store %arg2[%swap3A_490, %swap3A_491], %transpose3A_489 {strides = array<i32>} : memref<12800x128xf32, #tpu.memory_space<vmem>>, vector<128x128xf32>,
    %slice3A_493 = vector.extract_strided_slice %get3A_1 {offsets = [0, 28160], sizes = [32, 128], strides = [1, 1]} : vector<32x51200xf32> to vector<32x128xf32>
    %slice3A_494 = vector.extract_strided_slice %get3A_1 {offsets = [0, 28288], sizes = [32, 128], strides = [1, 1]} : vector<32x51200xf32> to vector<32x128xf32>
    %slice3A_495 = vector.extract_strided_slice %get3A_1 {offsets = [0, 28416], sizes = [32, 128], strides = [1, 1]} : vector<32x51200xf32> to vector<32x128xf32>
    %slice3A_496 = vector.extract_strided_slice %get3A_1 {offsets = [0, 28544], sizes = [32, 128], strides = [1, 1]} : vector<32x51200xf32> to vector<32x128xf32>
    %concatenate3A_497 = tpu.concatenate %slice3A_493, %slice3A_494, %slice3A_495, %slice3A_496 in 0 : vector<32x128xf32>, vector<32x128xf32>, vector<32x128xf32>, vector<32x128xf32> -> vector<128x128xf32>
    %transpose3A_498 = tpu.transpose %concatenate3A_497, [1, 0] : vector<128x128xf32> -> vector<128x128xf32>
    %swap3A_499 = arith.constant 7040 : index
    %swap3A_500 = arith.constant 0 : index
    %swap3A_501 = vector.load %arg2[%swap3A_499, %swap3A_500] : memref<12800x128xf32, #tpu.memory_space<vmem>>, vector<128x128xf32>
    tpu.vector_store %arg2[%swap3A_499, %swap3A_500], %transpose3A_498 {strides = array<i32>} : memref<12800x128xf32, #tpu.memory_space<vmem>>, vector<128x128xf32>,
    %slice3A_502 = vector.extract_strided_slice %get3A_1 {offsets = [0, 28672], sizes = [32, 128], strides = [1, 1]} : vector<32x51200xf32> to vector<32x128xf32>
    %slice3A_503 = vector.extract_strided_slice %get3A_1 {offsets = [0, 28800], sizes = [32, 128], strides = [1, 1]} : vector<32x51200xf32> to vector<32x128xf32>
    %slice3A_504 = vector.extract_strided_slice %get3A_1 {offsets = [0, 28928], sizes = [32, 128], strides = [1, 1]} : vector<32x51200xf32> to vector<32x128xf32>
    %slice3A_505 = vector.extract_strided_slice %get3A_1 {offsets = [0, 29056], sizes = [32, 128], strides = [1, 1]} : vector<32x51200xf32> to vector<32x128xf32>
    %concatenate3A_506 = tpu.concatenate %slice3A_502, %slice3A_503, %slice3A_504, %slice3A_505 in 0 : vector<32x128xf32>, vector<32x128xf32>, vector<32x128xf32>, vector<32x128xf32> -> vector<128x128xf32>
    %transpose3A_507 = tpu.transpose %concatenate3A_506, [1, 0] : vector<128x128xf32> -> vector<128x128xf32>
    %swap3A_508 = arith.constant 7168 : index
    %swap3A_509 = arith.constant 0 : index
    %swap3A_510 = vector.load %arg2[%swap3A_508, %swap3A_509] : memref<12800x128xf32, #tpu.memory_space<vmem>>, vector<128x128xf32>
    tpu.vector_store %arg2[%swap3A_508, %swap3A_509], %transpose3A_507 {strides = array<i32>} : memref<12800x128xf32, #tpu.memory_space<vmem>>, vector<128x128xf32>,
    %slice3A_511 = vector.extract_strided_slice %get3A_1 {offsets = [0, 29184], sizes = [32, 128], strides = [1, 1]} : vector<32x51200xf32> to vector<32x128xf32>
    %slice3A_512 = vector.extract_strided_slice %get3A_1 {offsets = [0, 29312], sizes = [32, 128], strides = [1, 1]} : vector<32x51200xf32> to vector<32x128xf32>
    %slice3A_513 = vector.extract_strided_slice %get3A_1 {offsets = [0, 29440], sizes = [32, 128], strides = [1, 1]} : vector<32x51200xf32> to vector<32x128xf32>
    %slice3A_514 = vector.extract_strided_slice %get3A_1 {offsets = [0, 29568], sizes = [32, 128], strides = [1, 1]} : vector<32x51200xf32> to vector<32x128xf32>
    %concatenate3A_515 = tpu.concatenate %slice3A_511, %slice3A_512, %slice3A_513, %slice3A_514 in 0 : vector<32x128xf32>, vector<32x128xf32>, vector<32x128xf32>, vector<32x128xf32> -> vector<128x128xf32>
    %transpose3A_516 = tpu.transpose %concatenate3A_515, [1, 0] : vector<128x128xf32> -> vector<128x128xf32>
    %swap3A_517 = arith.constant 7296 : index
    %swap3A_518 = arith.constant 0 : index
    %swap3A_519 = vector.load %arg2[%swap3A_517, %swap3A_518] : memref<12800x128xf32, #tpu.memory_space<vmem>>, vector<128x128xf32>
    tpu.vector_store %arg2[%swap3A_517, %swap3A_518], %transpose3A_516 {strides = array<i32>} : memref<12800x128xf32, #tpu.memory_space<vmem>>, vector<128x128xf32>,
    %slice3A_520 = vector.extract_strided_slice %get3A_1 {offsets = [0, 29696], sizes = [32, 128], strides = [1, 1]} : vector<32x51200xf32> to vector<32x128xf32>
    %slice3A_521 = vector.extract_strided_slice %get3A_1 {offsets = [0, 29824], sizes = [32, 128], strides = [1, 1]} : vector<32x51200xf32> to vector<32x128xf32>
    %slice3A_522 = vector.extract_strided_slice %get3A_1 {offsets = [0, 29952], sizes = [32, 128], strides = [1, 1]} : vector<32x51200xf32> to vector<32x128xf32>
    %slice3A_523 = vector.extract_strided_slice %get3A_1 {offsets = [0, 30080], sizes = [32, 128], strides = [1, 1]} : vector<32x51200xf32> to vector<32x128xf32>
    %concatenate3A_524 = tpu.concatenate %slice3A_520, %slice3A_521, %slice3A_522, %slice3A_523 in 0 : vector<32x128xf32>, vector<32x128xf32>, vector<32x128xf32>, vector<32x128xf32> -> vector<128x128xf32>
    %transpose3A_525 = tpu.transpose %concatenate3A_524, [1, 0] : vector<128x128xf32> -> vector<128x128xf32>
    %swap3A_526 = arith.constant 7424 : index
    %swap3A_527 = arith.constant 0 : index
    %swap3A_528 = vector.load %arg2[%swap3A_526, %swap3A_527] : memref<12800x128xf32, #tpu.memory_space<vmem>>, vector<128x128xf32>
    tpu.vector_store %arg2[%swap3A_526, %swap3A_527], %transpose3A_525 {strides = array<i32>} : memref<12800x128xf32, #tpu.memory_space<vmem>>, vector<128x128xf32>,
    %slice3A_529 = vector.extract_strided_slice %get3A_1 {offsets = [0, 30208], sizes = [32, 128], strides = [1, 1]} : vector<32x51200xf32> to vector<32x128xf32>
    %slice3A_530 = vector.extract_strided_slice %get3A_1 {offsets = [0, 30336], sizes = [32, 128], strides = [1, 1]} : vector<32x51200xf32> to vector<32x128xf32>
    %slice3A_531 = vector.extract_strided_slice %get3A_1 {offsets = [0, 30464], sizes = [32, 128], strides = [1, 1]} : vector<32x51200xf32> to vector<32x128xf32>
    %slice3A_532 = vector.extract_strided_slice %get3A_1 {offsets = [0, 30592], sizes = [32, 128], strides = [1, 1]} : vector<32x51200xf32> to vector<32x128xf32>
    %concatenate3A_533 = tpu.concatenate %slice3A_529, %slice3A_530, %slice3A_531, %slice3A_532 in 0 : vector<32x128xf32>, vector<32x128xf32>, vector<32x128xf32>, vector<32x128xf32> -> vector<128x128xf32>
    %transpose3A_534 = tpu.transpose %concatenate3A_533, [1, 0] : vector<128x128xf32> -> vector<128x128xf32>
    %swap3A_535 = arith.constant 7552 : index
    %swap3A_536 = arith.constant 0 : index
    %swap3A_537 = vector.load %arg2[%swap3A_535, %swap3A_536] : memref<12800x128xf32, #tpu.memory_space<vmem>>, vector<128x128xf32>
    tpu.vector_store %arg2[%swap3A_535, %swap3A_536], %transpose3A_534 {strides = array<i32>} : memref<12800x128xf32, #tpu.memory_space<vmem>>, vector<128x128xf32>,
    %slice3A_538 = vector.extract_strided_slice %get3A_1 {offsets = [0, 30720], sizes = [32, 128], strides = [1, 1]} : vector<32x51200xf32> to vector<32x128xf32>
    %slice3A_539 = vector.extract_strided_slice %get3A_1 {offsets = [0, 30848], sizes = [32, 128], strides = [1, 1]} : vector<32x51200xf32> to vector<32x128xf32>
    %slice3A_540 = vector.extract_strided_slice %get3A_1 {offsets = [0, 30976], sizes = [32, 128], strides = [1, 1]} : vector<32x51200xf32> to vector<32x128xf32>
    %slice3A_541 = vector.extract_strided_slice %get3A_1 {offsets = [0, 31104], sizes = [32, 128], strides = [1, 1]} : vector<32x51200xf32> to vector<32x128xf32>
    %concatenate3A_542 = tpu.concatenate %slice3A_538, %slice3A_539, %slice3A_540, %slice3A_541 in 0 : vector<32x128xf32>, vector<32x128xf32>, vector<32x128xf32>, vector<32x128xf32> -> vector<128x128xf32>
    %transpose3A_543 = tpu.transpose %concatenate3A_542, [1, 0] : vector<128x128xf32> -> vector<128x128xf32>
    %swap3A_544 = arith.constant 7680 : index
    %swap3A_545 = arith.constant 0 : index
    %swap3A_546 = vector.load %arg2[%swap3A_544, %swap3A_545] : memref<12800x128xf32, #tpu.memory_space<vmem>>, vector<128x128xf32>
    tpu.vector_store %arg2[%swap3A_544, %swap3A_545], %transpose3A_543 {strides = array<i32>} : memref<12800x128xf32, #tpu.memory_space<vmem>>, vector<128x128xf32>,
    %slice3A_547 = vector.extract_strided_slice %get3A_1 {offsets = [0, 31232], sizes = [32, 128], strides = [1, 1]} : vector<32x51200xf32> to vector<32x128xf32>
    %slice3A_548 = vector.extract_strided_slice %get3A_1 {offsets = [0, 31360], sizes = [32, 128], strides = [1, 1]} : vector<32x51200xf32> to vector<32x128xf32>
    %slice3A_549 = vector.extract_strided_slice %get3A_1 {offsets = [0, 31488], sizes = [32, 128], strides = [1, 1]} : vector<32x51200xf32> to vector<32x128xf32>
    %slice3A_550 = vector.extract_strided_slice %get3A_1 {offsets = [0, 31616], sizes = [32, 128], strides = [1, 1]} : vector<32x51200xf32> to vector<32x128xf32>
    %concatenate3A_551 = tpu.concatenate %slice3A_547, %slice3A_548, %slice3A_549, %slice3A_550 in 0 : vector<32x128xf32>, vector<32x128xf32>, vector<32x128xf32>, vector<32x128xf32> -> vector<128x128xf32>
    %transpose3A_552 = tpu.transpose %concatenate3A_551, [1, 0] : vector<128x128xf32> -> vector<128x128xf32>
    %swap3A_553 = arith.constant 7808 : index
    %swap3A_554 = arith.constant 0 : index
    %swap3A_555 = vector.load %arg2[%swap3A_553, %swap3A_554] : memref<12800x128xf32, #tpu.memory_space<vmem>>, vector<128x128xf32>
    tpu.vector_store %arg2[%swap3A_553, %swap3A_554], %transpose3A_552 {strides = array<i32>} : memref<12800x128xf32, #tpu.memory_space<vmem>>, vector<128x128xf32>,
    %slice3A_556 = vector.extract_strided_slice %get3A_1 {offsets = [0, 31744], sizes = [32, 128], strides = [1, 1]} : vector<32x51200xf32> to vector<32x128xf32>
    %slice3A_557 = vector.extract_strided_slice %get3A_1 {offsets = [0, 31872], sizes = [32, 128], strides = [1, 1]} : vector<32x51200xf32> to vector<32x128xf32>
    %slice3A_558 = vector.extract_strided_slice %get3A_1 {offsets = [0, 32000], sizes = [32, 128], strides = [1, 1]} : vector<32x51200xf32> to vector<32x128xf32>
    %slice3A_559 = vector.extract_strided_slice %get3A_1 {offsets = [0, 32128], sizes = [32, 128], strides = [1, 1]} : vector<32x51200xf32> to vector<32x128xf32>
    %concatenate3A_560 = tpu.concatenate %slice3A_556, %slice3A_557, %slice3A_558, %slice3A_559 in 0 : vector<32x128xf32>, vector<32x128xf32>, vector<32x128xf32>, vector<32x128xf32> -> vector<128x128xf32>
    %transpose3A_561 = tpu.transpose %concatenate3A_560, [1, 0] : vector<128x128xf32> -> vector<128x128xf32>
    %swap3A_562 = arith.constant 7936 : index
    %swap3A_563 = arith.constant 0 : index
    %swap3A_564 = vector.load %arg2[%swap3A_562, %swap3A_563] : memref<12800x128xf32, #tpu.memory_space<vmem>>, vector<128x128xf32>
    tpu.vector_store %arg2[%swap3A_562, %swap3A_563], %transpose3A_561 {strides = array<i32>} : memref<12800x128xf32, #tpu.memory_space<vmem>>, vector<128x128xf32>,
    %slice3A_565 = vector.extract_strided_slice %get3A_1 {offsets = [0, 32256], sizes = [32, 128], strides = [1, 1]} : vector<32x51200xf32> to vector<32x128xf32>
    %slice3A_566 = vector.extract_strided_slice %get3A_1 {offsets = [0, 32384], sizes = [32, 128], strides = [1, 1]} : vector<32x51200xf32> to vector<32x128xf32>
    %slice3A_567 = vector.extract_strided_slice %get3A_1 {offsets = [0, 32512], sizes = [32, 128], strides = [1, 1]} : vector<32x51200xf32> to vector<32x128xf32>
    %slice3A_568 = vector.extract_strided_slice %get3A_1 {offsets = [0, 32640], sizes = [32, 128], strides = [1, 1]} : vector<32x51200xf32> to vector<32x128xf32>
    %concatenate3A_569 = tpu.concatenate %slice3A_565, %slice3A_566, %slice3A_567, %slice3A_568 in 0 : vector<32x128xf32>, vector<32x128xf32>, vector<32x128xf32>, vector<32x128xf32> -> vector<128x128xf32>
    %transpose3A_570 = tpu.transpose %concatenate3A_569, [1, 0] : vector<128x128xf32> -> vector<128x128xf32>
    %swap3A_571 = arith.constant 8064 : index
    %swap3A_572 = arith.constant 0 : index
    %swap3A_573 = vector.load %arg2[%swap3A_571, %swap3A_572] : memref<12800x128xf32, #tpu.memory_space<vmem>>, vector<128x128xf32>
    tpu.vector_store %arg2[%swap3A_571, %swap3A_572], %transpose3A_570 {strides = array<i32>} : memref<12800x128xf32, #tpu.memory_space<vmem>>, vector<128x128xf32>,
    %slice3A_574 = vector.extract_strided_slice %get3A_1 {offsets = [0, 32768], sizes = [32, 128], strides = [1, 1]} : vector<32x51200xf32> to vector<32x128xf32>
    %slice3A_575 = vector.extract_strided_slice %get3A_1 {offsets = [0, 32896], sizes = [32, 128], strides = [1, 1]} : vector<32x51200xf32> to vector<32x128xf32>
    %slice3A_576 = vector.extract_strided_slice %get3A_1 {offsets = [0, 33024], sizes = [32, 128], strides = [1, 1]} : vector<32x51200xf32> to vector<32x128xf32>
    %slice3A_577 = vector.extract_strided_slice %get3A_1 {offsets = [0, 33152], sizes = [32, 128], strides = [1, 1]} : vector<32x51200xf32> to vector<32x128xf32>
    %concatenate3A_578 = tpu.concatenate %slice3A_574, %slice3A_575, %slice3A_576, %slice3A_577 in 0 : vector<32x128xf32>, vector<32x128xf32>, vector<32x128xf32>, vector<32x128xf32> -> vector<128x128xf32>
    %transpose3A_579 = tpu.transpose %concatenate3A_578, [1, 0] : vector<128x128xf32> -> vector<128x128xf32>
    %swap3A_580 = arith.constant 8192 : index
    %swap3A_581 = arith.constant 0 : index
    %swap3A_582 = vector.load %arg2[%swap3A_580, %swap3A_581] : memref<12800x128xf32, #tpu.memory_space<vmem>>, vector<128x128xf32>
    tpu.vector_store %arg2[%swap3A_580, %swap3A_581], %transpose3A_579 {strides = array<i32>} : memref<12800x128xf32, #tpu.memory_space<vmem>>, vector<128x128xf32>,
    %slice3A_583 = vector.extract_strided_slice %get3A_1 {offsets = [0, 33280], sizes = [32, 128], strides = [1, 1]} : vector<32x51200xf32> to vector<32x128xf32>
    %slice3A_584 = vector.extract_strided_slice %get3A_1 {offsets = [0, 33408], sizes = [32, 128], strides = [1, 1]} : vector<32x51200xf32> to vector<32x128xf32>
    %slice3A_585 = vector.extract_strided_slice %get3A_1 {offsets = [0, 33536], sizes = [32, 128], strides = [1, 1]} : vector<32x51200xf32> to vector<32x128xf32>
    %slice3A_586 = vector.extract_strided_slice %get3A_1 {offsets = [0, 33664], sizes = [32, 128], strides = [1, 1]} : vector<32x51200xf32> to vector<32x128xf32>
    %concatenate3A_587 = tpu.concatenate %slice3A_583, %slice3A_584, %slice3A_585, %slice3A_586 in 0 : vector<32x128xf32>, vector<32x128xf32>, vector<32x128xf32>, vector<32x128xf32> -> vector<128x128xf32>
    %transpose3A_588 = tpu.transpose %concatenate3A_587, [1, 0] : vector<128x128xf32> -> vector<128x128xf32>
    %swap3A_589 = arith.constant 8320 : index
    %swap3A_590 = arith.constant 0 : index
    %swap3A_591 = vector.load %arg2[%swap3A_589, %swap3A_590] : memref<12800x128xf32, #tpu.memory_space<vmem>>, vector<128x128xf32>
    tpu.vector_store %arg2[%swap3A_589, %swap3A_590], %transpose3A_588 {strides = array<i32>} : memref<12800x128xf32, #tpu.memory_space<vmem>>, vector<128x128xf32>,
    %slice3A_592 = vector.extract_strided_slice %get3A_1 {offsets = [0, 33792], sizes = [32, 128], strides = [1, 1]} : vector<32x51200xf32> to vector<32x128xf32>
    %slice3A_593 = vector.extract_strided_slice %get3A_1 {offsets = [0, 33920], sizes = [32, 128], strides = [1, 1]} : vector<32x51200xf32> to vector<32x128xf32>
    %slice3A_594 = vector.extract_strided_slice %get3A_1 {offsets = [0, 34048], sizes = [32, 128], strides = [1, 1]} : vector<32x51200xf32> to vector<32x128xf32>
    %slice3A_595 = vector.extract_strided_slice %get3A_1 {offsets = [0, 34176], sizes = [32, 128], strides = [1, 1]} : vector<32x51200xf32> to vector<32x128xf32>
    %concatenate3A_596 = tpu.concatenate %slice3A_592, %slice3A_593, %slice3A_594, %slice3A_595 in 0 : vector<32x128xf32>, vector<32x128xf32>, vector<32x128xf32>, vector<32x128xf32> -> vector<128x128xf32>
    %transpose3A_597 = tpu.transpose %concatenate3A_596, [1, 0] : vector<128x128xf32> -> vector<128x128xf32>
    %swap3A_598 = arith.constant 8448 : index
    %swap3A_599 = arith.constant 0 : index
    %swap3A_600 = vector.load %arg2[%swap3A_598, %swap3A_599] : memref<12800x128xf32, #tpu.memory_space<vmem>>, vector<128x128xf32>
    tpu.vector_store %arg2[%swap3A_598, %swap3A_599], %transpose3A_597 {strides = array<i32>} : memref<12800x128xf32, #tpu.memory_space<vmem>>, vector<128x128xf32>,
    %slice3A_601 = vector.extract_strided_slice %get3A_1 {offsets = [0, 34304], sizes = [32, 128], strides = [1, 1]} : vector<32x51200xf32> to vector<32x128xf32>
    %slice3A_602 = vector.extract_strided_slice %get3A_1 {offsets = [0, 34432], sizes = [32, 128], strides = [1, 1]} : vector<32x51200xf32> to vector<32x128xf32>
    %slice3A_603 = vector.extract_strided_slice %get3A_1 {offsets = [0, 34560], sizes = [32, 128], strides = [1, 1]} : vector<32x51200xf32> to vector<32x128xf32>
    %slice3A_604 = vector.extract_strided_slice %get3A_1 {offsets = [0, 34688], sizes = [32, 128], strides = [1, 1]} : vector<32x51200xf32> to vector<32x128xf32>
    %concatenate3A_605 = tpu.concatenate %slice3A_601, %slice3A_602, %slice3A_603, %slice3A_604 in 0 : vector<32x128xf32>, vector<32x128xf32>, vector<32x128xf32>, vector<32x128xf32> -> vector<128x128xf32>
    %transpose3A_606 = tpu.transpose %concatenate3A_605, [1, 0] : vector<128x128xf32> -> vector<128x128xf32>
    %swap3A_607 = arith.constant 8576 : index
    %swap3A_608 = arith.constant 0 : index
    %swap3A_609 = vector.load %arg2[%swap3A_607, %swap3A_608] : memref<12800x128xf32, #tpu.memory_space<vmem>>, vector<128x128xf32>
    tpu.vector_store %arg2[%swap3A_607, %swap3A_608], %transpose3A_606 {strides = array<i32>} : memref<12800x128xf32, #tpu.memory_space<vmem>>, vector<128x128xf32>,
    %slice3A_610 = vector.extract_strided_slice %get3A_1 {offsets = [0, 34816], sizes = [32, 128], strides = [1, 1]} : vector<32x51200xf32> to vector<32x128xf32>
    %slice3A_611 = vector.extract_strided_slice %get3A_1 {offsets = [0, 34944], sizes = [32, 128], strides = [1, 1]} : vector<32x51200xf32> to vector<32x128xf32>
    %slice3A_612 = vector.extract_strided_slice %get3A_1 {offsets = [0, 35072], sizes = [32, 128], strides = [1, 1]} : vector<32x51200xf32> to vector<32x128xf32>
    %slice3A_613 = vector.extract_strided_slice %get3A_1 {offsets = [0, 35200], sizes = [32, 128], strides = [1, 1]} : vector<32x51200xf32> to vector<32x128xf32>
    %concatenate3A_614 = tpu.concatenate %slice3A_610, %slice3A_611, %slice3A_612, %slice3A_613 in 0 : vector<32x128xf32>, vector<32x128xf32>, vector<32x128xf32>, vector<32x128xf32> -> vector<128x128xf32>
    %transpose3A_615 = tpu.transpose %concatenate3A_614, [1, 0] : vector<128x128xf32> -> vector<128x128xf32>
    %swap3A_616 = arith.constant 8704 : index
    %swap3A_617 = arith.constant 0 : index
    %swap3A_618 = vector.load %arg2[%swap3A_616, %swap3A_617] : memref<12800x128xf32, #tpu.memory_space<vmem>>, vector<128x128xf32>
    tpu.vector_store %arg2[%swap3A_616, %swap3A_617], %transpose3A_615 {strides = array<i32>} : memref<12800x128xf32, #tpu.memory_space<vmem>>, vector<128x128xf32>,
    %slice3A_619 = vector.extract_strided_slice %get3A_1 {offsets = [0, 35328], sizes = [32, 128], strides = [1, 1]} : vector<32x51200xf32> to vector<32x128xf32>
    %slice3A_620 = vector.extract_strided_slice %get3A_1 {offsets = [0, 35456], sizes = [32, 128], strides = [1, 1]} : vector<32x51200xf32> to vector<32x128xf32>
    %slice3A_621 = vector.extract_strided_slice %get3A_1 {offsets = [0, 35584], sizes = [32, 128], strides = [1, 1]} : vector<32x51200xf32> to vector<32x128xf32>
    %slice3A_622 = vector.extract_strided_slice %get3A_1 {offsets = [0, 35712], sizes = [32, 128], strides = [1, 1]} : vector<32x51200xf32> to vector<32x128xf32>
    %concatenate3A_623 = tpu.concatenate %slice3A_619, %slice3A_620, %slice3A_621, %slice3A_622 in 0 : vector<32x128xf32>, vector<32x128xf32>, vector<32x128xf32>, vector<32x128xf32> -> vector<128x128xf32>
    %transpose3A_624 = tpu.transpose %concatenate3A_623, [1, 0] : vector<128x128xf32> -> vector<128x128xf32>
    %swap3A_625 = arith.constant 8832 : index
    %swap3A_626 = arith.constant 0 : index
    %swap3A_627 = vector.load %arg2[%swap3A_625, %swap3A_626] : memref<12800x128xf32, #tpu.memory_space<vmem>>, vector<128x128xf32>
    tpu.vector_store %arg2[%swap3A_625, %swap3A_626], %transpose3A_624 {strides = array<i32>} : memref<12800x128xf32, #tpu.memory_space<vmem>>, vector<128x128xf32>,
    %slice3A_628 = vector.extract_strided_slice %get3A_1 {offsets = [0, 35840], sizes = [32, 128], strides = [1, 1]} : vector<32x51200xf32> to vector<32x128xf32>
    %slice3A_629 = vector.extract_strided_slice %get3A_1 {offsets = [0, 35968], sizes = [32, 128], strides = [1, 1]} : vector<32x51200xf32> to vector<32x128xf32>
    %slice3A_630 = vector.extract_strided_slice %get3A_1 {offsets = [0, 36096], sizes = [32, 128], strides = [1, 1]} : vector<32x51200xf32> to vector<32x128xf32>
    %slice3A_631 = vector.extract_strided_slice %get3A_1 {offsets = [0, 36224], sizes = [32, 128], strides = [1, 1]} : vector<32x51200xf32> to vector<32x128xf32>
    %concatenate3A_632 = tpu.concatenate %slice3A_628, %slice3A_629, %slice3A_630, %slice3A_631 in 0 : vector<32x128xf32>, vector<32x128xf32>, vector<32x128xf32>, vector<32x128xf32> -> vector<128x128xf32>
    %transpose3A_633 = tpu.transpose %concatenate3A_632, [1, 0] : vector<128x128xf32> -> vector<128x128xf32>
    %swap3A_634 = arith.constant 8960 : index
    %swap3A_635 = arith.constant 0 : index
    %swap3A_636 = vector.load %arg2[%swap3A_634, %swap3A_635] : memref<12800x128xf32, #tpu.memory_space<vmem>>, vector<128x128xf32>
    tpu.vector_store %arg2[%swap3A_634, %swap3A_635], %transpose3A_633 {strides = array<i32>} : memref<12800x128xf32, #tpu.memory_space<vmem>>, vector<128x128xf32>,
    %slice3A_637 = vector.extract_strided_slice %get3A_1 {offsets = [0, 36352], sizes = [32, 128], strides = [1, 1]} : vector<32x51200xf32> to vector<32x128xf32>
    %slice3A_638 = vector.extract_strided_slice %get3A_1 {offsets = [0, 36480], sizes = [32, 128], strides = [1, 1]} : vector<32x51200xf32> to vector<32x128xf32>
    %slice3A_639 = vector.extract_strided_slice %get3A_1 {offsets = [0, 36608], sizes = [32, 128], strides = [1, 1]} : vector<32x51200xf32> to vector<32x128xf32>
    %slice3A_640 = vector.extract_strided_slice %get3A_1 {offsets = [0, 36736], sizes = [32, 128], strides = [1, 1]} : vector<32x51200xf32> to vector<32x128xf32>
    %concatenate3A_641 = tpu.concatenate %slice3A_637, %slice3A_638, %slice3A_639, %slice3A_640 in 0 : vector<32x128xf32>, vector<32x128xf32>, vector<32x128xf32>, vector<32x128xf32> -> vector<128x128xf32>
    %transpose3A_642 = tpu.transpose %concatenate3A_641, [1, 0] : vector<128x128xf32> -> vector<128x128xf32>
    %swap3A_643 = arith.constant 9088 : index
    %swap3A_644 = arith.constant 0 : index
    %swap3A_645 = vector.load %arg2[%swap3A_643, %swap3A_644] : memref<12800x128xf32, #tpu.memory_space<vmem>>, vector<128x128xf32>
    tpu.vector_store %arg2[%swap3A_643, %swap3A_644], %transpose3A_642 {strides = array<i32>} : memref<12800x128xf32, #tpu.memory_space<vmem>>, vector<128x128xf32>,
    %slice3A_646 = vector.extract_strided_slice %get3A_1 {offsets = [0, 36864], sizes = [32, 128], strides = [1, 1]} : vector<32x51200xf32> to vector<32x128xf32>
    %slice3A_647 = vector.extract_strided_slice %get3A_1 {offsets = [0, 36992], sizes = [32, 128], strides = [1, 1]} : vector<32x51200xf32> to vector<32x128xf32>
    %slice3A_648 = vector.extract_strided_slice %get3A_1 {offsets = [0, 37120], sizes = [32, 128], strides = [1, 1]} : vector<32x51200xf32> to vector<32x128xf32>
    %slice3A_649 = vector.extract_strided_slice %get3A_1 {offsets = [0, 37248], sizes = [32, 128], strides = [1, 1]} : vector<32x51200xf32> to vector<32x128xf32>
    %concatenate3A_650 = tpu.concatenate %slice3A_646, %slice3A_647, %slice3A_648, %slice3A_649 in 0 : vector<32x128xf32>, vector<32x128xf32>, vector<32x128xf32>, vector<32x128xf32> -> vector<128x128xf32>
    %transpose3A_651 = tpu.transpose %concatenate3A_650, [1, 0] : vector<128x128xf32> -> vector<128x128xf32>
    %swap3A_652 = arith.constant 9216 : index
    %swap3A_653 = arith.constant 0 : index
    %swap3A_654 = vector.load %arg2[%swap3A_652, %swap3A_653] : memref<12800x128xf32, #tpu.memory_space<vmem>>, vector<128x128xf32>
    tpu.vector_store %arg2[%swap3A_652, %swap3A_653], %transpose3A_651 {strides = array<i32>} : memref<12800x128xf32, #tpu.memory_space<vmem>>, vector<128x128xf32>,
    %slice3A_655 = vector.extract_strided_slice %get3A_1 {offsets = [0, 37376], sizes = [32, 128], strides = [1, 1]} : vector<32x51200xf32> to vector<32x128xf32>
    %slice3A_656 = vector.extract_strided_slice %get3A_1 {offsets = [0, 37504], sizes = [32, 128], strides = [1, 1]} : vector<32x51200xf32> to vector<32x128xf32>
    %slice3A_657 = vector.extract_strided_slice %get3A_1 {offsets = [0, 37632], sizes = [32, 128], strides = [1, 1]} : vector<32x51200xf32> to vector<32x128xf32>
    %slice3A_658 = vector.extract_strided_slice %get3A_1 {offsets = [0, 37760], sizes = [32, 128], strides = [1, 1]} : vector<32x51200xf32> to vector<32x128xf32>
    %concatenate3A_659 = tpu.concatenate %slice3A_655, %slice3A_656, %slice3A_657, %slice3A_658 in 0 : vector<32x128xf32>, vector<32x128xf32>, vector<32x128xf32>, vector<32x128xf32> -> vector<128x128xf32>
    %transpose3A_660 = tpu.transpose %concatenate3A_659, [1, 0] : vector<128x128xf32> -> vector<128x128xf32>
    %swap3A_661 = arith.constant 9344 : index
    %swap3A_662 = arith.constant 0 : index
    %swap3A_663 = vector.load %arg2[%swap3A_661, %swap3A_662] : memref<12800x128xf32, #tpu.memory_space<vmem>>, vector<128x128xf32>
    tpu.vector_store %arg2[%swap3A_661, %swap3A_662], %transpose3A_660 {strides = array<i32>} : memref<12800x128xf32, #tpu.memory_space<vmem>>, vector<128x128xf32>,
    %slice3A_664 = vector.extract_strided_slice %get3A_1 {offsets = [0, 37888], sizes = [32, 128], strides = [1, 1]} : vector<32x51200xf32> to vector<32x128xf32>
    %slice3A_665 = vector.extract_strided_slice %get3A_1 {offsets = [0, 38016], sizes = [32, 128], strides = [1, 1]} : vector<32x51200xf32> to vector<32x128xf32>
    %slice3A_666 = vector.extract_strided_slice %get3A_1 {offsets = [0, 38144], sizes = [32, 128], strides = [1, 1]} : vector<32x51200xf32> to vector<32x128xf32>
    %slice3A_667 = vector.extract_strided_slice %get3A_1 {offsets = [0, 38272], sizes = [32, 128], strides = [1, 1]} : vector<32x51200xf32> to vector<32x128xf32>
    %concatenate3A_668 = tpu.concatenate %slice3A_664, %slice3A_665, %slice3A_666, %slice3A_667 in 0 : vector<32x128xf32>, vector<32x128xf32>, vector<32x128xf32>, vector<32x128xf32> -> vector<128x128xf32>
    %transpose3A_669 = tpu.transpose %concatenate3A_668, [1, 0] : vector<128x128xf32> -> vector<128x128xf32>
    %swap3A_670 = arith.constant 9472 : index
    %swap3A_671 = arith.constant 0 : index
    %swap3A_672 = vector.load %arg2[%swap3A_670, %swap3A_671] : memref<12800x128xf32, #tpu.memory_space<vmem>>, vector<128x128xf32>
    tpu.vector_store %arg2[%swap3A_670, %swap3A_671], %transpose3A_669 {strides = array<i32>} : memref<12800x128xf32, #tpu.memory_space<vmem>>, vector<128x128xf32>,
    %slice3A_673 = vector.extract_strided_slice %get3A_1 {offsets = [0, 38400], sizes = [32, 128], strides = [1, 1]} : vector<32x51200xf32> to vector<32x128xf32>
    %slice3A_674 = vector.extract_strided_slice %get3A_1 {offsets = [0, 38528], sizes = [32, 128], strides = [1, 1]} : vector<32x51200xf32> to vector<32x128xf32>
    %slice3A_675 = vector.extract_strided_slice %get3A_1 {offsets = [0, 38656], sizes = [32, 128], strides = [1, 1]} : vector<32x51200xf32> to vector<32x128xf32>
    %slice3A_676 = vector.extract_strided_slice %get3A_1 {offsets = [0, 38784], sizes = [32, 128], strides = [1, 1]} : vector<32x51200xf32> to vector<32x128xf32>
    %concatenate3A_677 = tpu.concatenate %slice3A_673, %slice3A_674, %slice3A_675, %slice3A_676 in 0 : vector<32x128xf32>, vector<32x128xf32>, vector<32x128xf32>, vector<32x128xf32> -> vector<128x128xf32>
    %transpose3A_678 = tpu.transpose %concatenate3A_677, [1, 0] : vector<128x128xf32> -> vector<128x128xf32>
    %swap3A_679 = arith.constant 9600 : index
    %swap3A_680 = arith.constant 0 : index
    %swap3A_681 = vector.load %arg2[%swap3A_679, %swap3A_680] : memref<12800x128xf32, #tpu.memory_space<vmem>>, vector<128x128xf32>
    tpu.vector_store %arg2[%swap3A_679, %swap3A_680], %transpose3A_678 {strides = array<i32>} : memref<12800x128xf32, #tpu.memory_space<vmem>>, vector<128x128xf32>,
    %slice3A_682 = vector.extract_strided_slice %get3A_1 {offsets = [0, 38912], sizes = [32, 128], strides = [1, 1]} : vector<32x51200xf32> to vector<32x128xf32>
    %slice3A_683 = vector.extract_strided_slice %get3A_1 {offsets = [0, 39040], sizes = [32, 128], strides = [1, 1]} : vector<32x51200xf32> to vector<32x128xf32>
    %slice3A_684 = vector.extract_strided_slice %get3A_1 {offsets = [0, 39168], sizes = [32, 128], strides = [1, 1]} : vector<32x51200xf32> to vector<32x128xf32>
    %slice3A_685 = vector.extract_strided_slice %get3A_1 {offsets = [0, 39296], sizes = [32, 128], strides = [1, 1]} : vector<32x51200xf32> to vector<32x128xf32>
    %concatenate3A_686 = tpu.concatenate %slice3A_682, %slice3A_683, %slice3A_684, %slice3A_685 in 0 : vector<32x128xf32>, vector<32x128xf32>, vector<32x128xf32>, vector<32x128xf32> -> vector<128x128xf32>
    %transpose3A_687 = tpu.transpose %concatenate3A_686, [1, 0] : vector<128x128xf32> -> vector<128x128xf32>
    %swap3A_688 = arith.constant 9728 : index
    %swap3A_689 = arith.constant 0 : index
    %swap3A_690 = vector.load %arg2[%swap3A_688, %swap3A_689] : memref<12800x128xf32, #tpu.memory_space<vmem>>, vector<128x128xf32>
    tpu.vector_store %arg2[%swap3A_688, %swap3A_689], %transpose3A_687 {strides = array<i32>} : memref<12800x128xf32, #tpu.memory_space<vmem>>, vector<128x128xf32>,
    %slice3A_691 = vector.extract_strided_slice %get3A_1 {offsets = [0, 39424], sizes = [32, 128], strides = [1, 1]} : vector<32x51200xf32> to vector<32x128xf32>
    %slice3A_692 = vector.extract_strided_slice %get3A_1 {offsets = [0, 39552], sizes = [32, 128], strides = [1, 1]} : vector<32x51200xf32> to vector<32x128xf32>
    %slice3A_693 = vector.extract_strided_slice %get3A_1 {offsets = [0, 39680], sizes = [32, 128], strides = [1, 1]} : vector<32x51200xf32> to vector<32x128xf32>
    %slice3A_694 = vector.extract_strided_slice %get3A_1 {offsets = [0, 39808], sizes = [32, 128], strides = [1, 1]} : vector<32x51200xf32> to vector<32x128xf32>
    %concatenate3A_695 = tpu.concatenate %slice3A_691, %slice3A_692, %slice3A_693, %slice3A_694 in 0 : vector<32x128xf32>, vector<32x128xf32>, vector<32x128xf32>, vector<32x128xf32> -> vector<128x128xf32>
    %transpose3A_696 = tpu.transpose %concatenate3A_695, [1, 0] : vector<128x128xf32> -> vector<128x128xf32>
    %swap3A_697 = arith.constant 9856 : index
    %swap3A_698 = arith.constant 0 : index
    %swap3A_699 = vector.load %arg2[%swap3A_697, %swap3A_698] : memref<12800x128xf32, #tpu.memory_space<vmem>>, vector<128x128xf32>
    tpu.vector_store %arg2[%swap3A_697, %swap3A_698], %transpose3A_696 {strides = array<i32>} : memref<12800x128xf32, #tpu.memory_space<vmem>>, vector<128x128xf32>,
    %slice3A_700 = vector.extract_strided_slice %get3A_1 {offsets = [0, 39936], sizes = [32, 128], strides = [1, 1]} : vector<32x51200xf32> to vector<32x128xf32>
    %slice3A_701 = vector.extract_strided_slice %get3A_1 {offsets = [0, 40064], sizes = [32, 128], strides = [1, 1]} : vector<32x51200xf32> to vector<32x128xf32>
    %slice3A_702 = vector.extract_strided_slice %get3A_1 {offsets = [0, 40192], sizes = [32, 128], strides = [1, 1]} : vector<32x51200xf32> to vector<32x128xf32>
    %slice3A_703 = vector.extract_strided_slice %get3A_1 {offsets = [0, 40320], sizes = [32, 128], strides = [1, 1]} : vector<32x51200xf32> to vector<32x128xf32>
    %concatenate3A_704 = tpu.concatenate %slice3A_700, %slice3A_701, %slice3A_702, %slice3A_703 in 0 : vector<32x128xf32>, vector<32x128xf32>, vector<32x128xf32>, vector<32x128xf32> -> vector<128x128xf32>
    %transpose3A_705 = tpu.transpose %concatenate3A_704, [1, 0] : vector<128x128xf32> -> vector<128x128xf32>
    %swap3A_706 = arith.constant 9984 : index
    %swap3A_707 = arith.constant 0 : index
    %swap3A_708 = vector.load %arg2[%swap3A_706, %swap3A_707] : memref<12800x128xf32, #tpu.memory_space<vmem>>, vector<128x128xf32>
    tpu.vector_store %arg2[%swap3A_706, %swap3A_707], %transpose3A_705 {strides = array<i32>} : memref<12800x128xf32, #tpu.memory_space<vmem>>, vector<128x128xf32>,
    %slice3A_709 = vector.extract_strided_slice %get3A_1 {offsets = [0, 40448], sizes = [32, 128], strides = [1, 1]} : vector<32x51200xf32> to vector<32x128xf32>
    %slice3A_710 = vector.extract_strided_slice %get3A_1 {offsets = [0, 40576], sizes = [32, 128], strides = [1, 1]} : vector<32x51200xf32> to vector<32x128xf32>
    %slice3A_711 = vector.extract_strided_slice %get3A_1 {offsets = [0, 40704], sizes = [32, 128], strides = [1, 1]} : vector<32x51200xf32> to vector<32x128xf32>
    %slice3A_712 = vector.extract_strided_slice %get3A_1 {offsets = [0, 40832], sizes = [32, 128], strides = [1, 1]} : vector<32x51200xf32> to vector<32x128xf32>
    %concatenate3A_713 = tpu.concatenate %slice3A_709, %slice3A_710, %slice3A_711, %slice3A_712 in 0 : vector<32x128xf32>, vector<32x128xf32>, vector<32x128xf32>, vector<32x128xf32> -> vector<128x128xf32>
    %transpose3A_714 = tpu.transpose %concatenate3A_713, [1, 0] : vector<128x128xf32> -> vector<128x128xf32>
    %swap3A_715 = arith.constant 10112 : index
    %swap3A_716 = arith.constant 0 : index
    %swap3A_717 = vector.load %arg2[%swap3A_715, %swap3A_716] : memref<12800x128xf32, #tpu.memory_space<vmem>>, vector<128x128xf32>
    tpu.vector_store %arg2[%swap3A_715, %swap3A_716], %transpose3A_714 {strides = array<i32>} : memref<12800x128xf32, #tpu.memory_space<vmem>>, vector<128x128xf32>,
    %slice3A_718 = vector.extract_strided_slice %get3A_1 {offsets = [0, 40960], sizes = [32, 128], strides = [1, 1]} : vector<32x51200xf32> to vector<32x128xf32>
    %slice3A_719 = vector.extract_strided_slice %get3A_1 {offsets = [0, 41088], sizes = [32, 128], strides = [1, 1]} : vector<32x51200xf32> to vector<32x128xf32>
    %slice3A_720 = vector.extract_strided_slice %get3A_1 {offsets = [0, 41216], sizes = [32, 128], strides = [1, 1]} : vector<32x51200xf32> to vector<32x128xf32>
    %slice3A_721 = vector.extract_strided_slice %get3A_1 {offsets = [0, 41344], sizes = [32, 128], strides = [1, 1]} : vector<32x51200xf32> to vector<32x128xf32>
    %concatenate3A_722 = tpu.concatenate %slice3A_718, %slice3A_719, %slice3A_720, %slice3A_721 in 0 : vector<32x128xf32>, vector<32x128xf32>, vector<32x128xf32>, vector<32x128xf32> -> vector<128x128xf32>
    %transpose3A_723 = tpu.transpose %concatenate3A_722, [1, 0] : vector<128x128xf32> -> vector<128x128xf32>
    %swap3A_724 = arith.constant 10240 : index
    %swap3A_725 = arith.constant 0 : index
    %swap3A_726 = vector.load %arg2[%swap3A_724, %swap3A_725] : memref<12800x128xf32, #tpu.memory_space<vmem>>, vector<128x128xf32>
    tpu.vector_store %arg2[%swap3A_724, %swap3A_725], %transpose3A_723 {strides = array<i32>} : memref<12800x128xf32, #tpu.memory_space<vmem>>, vector<128x128xf32>,
    %slice3A_727 = vector.extract_strided_slice %get3A_1 {offsets = [0, 41472], sizes = [32, 128], strides = [1, 1]} : vector<32x51200xf32> to vector<32x128xf32>
    %slice3A_728 = vector.extract_strided_slice %get3A_1 {offsets = [0, 41600], sizes = [32, 128], strides = [1, 1]} : vector<32x51200xf32> to vector<32x128xf32>
    %slice3A_729 = vector.extract_strided_slice %get3A_1 {offsets = [0, 41728], sizes = [32, 128], strides = [1, 1]} : vector<32x51200xf32> to vector<32x128xf32>
    %slice3A_730 = vector.extract_strided_slice %get3A_1 {offsets = [0, 41856], sizes = [32, 128], strides = [1, 1]} : vector<32x51200xf32> to vector<32x128xf32>
    %concatenate3A_731 = tpu.concatenate %slice3A_727, %slice3A_728, %slice3A_729, %slice3A_730 in 0 : vector<32x128xf32>, vector<32x128xf32>, vector<32x128xf32>, vector<32x128xf32> -> vector<128x128xf32>
    %transpose3A_732 = tpu.transpose %concatenate3A_731, [1, 0] : vector<128x128xf32> -> vector<128x128xf32>
    %swap3A_733 = arith.constant 10368 : index
    %swap3A_734 = arith.constant 0 : index
    %swap3A_735 = vector.load %arg2[%swap3A_733, %swap3A_734] : memref<12800x128xf32, #tpu.memory_space<vmem>>, vector<128x128xf32>
    tpu.vector_store %arg2[%swap3A_733, %swap3A_734], %transpose3A_732 {strides = array<i32>} : memref<12800x128xf32, #tpu.memory_space<vmem>>, vector<128x128xf32>,
    %slice3A_736 = vector.extract_strided_slice %get3A_1 {offsets = [0, 41984], sizes = [32, 128], strides = [1, 1]} : vector<32x51200xf32> to vector<32x128xf32>
    %slice3A_737 = vector.extract_strided_slice %get3A_1 {offsets = [0, 42112], sizes = [32, 128], strides = [1, 1]} : vector<32x51200xf32> to vector<32x128xf32>
    %slice3A_738 = vector.extract_strided_slice %get3A_1 {offsets = [0, 42240], sizes = [32, 128], strides = [1, 1]} : vector<32x51200xf32> to vector<32x128xf32>
    %slice3A_739 = vector.extract_strided_slice %get3A_1 {offsets = [0, 42368], sizes = [32, 128], strides = [1, 1]} : vector<32x51200xf32> to vector<32x128xf32>
    %concatenate3A_740 = tpu.concatenate %slice3A_736, %slice3A_737, %slice3A_738, %slice3A_739 in 0 : vector<32x128xf32>, vector<32x128xf32>, vector<32x128xf32>, vector<32x128xf32> -> vector<128x128xf32>
    %transpose3A_741 = tpu.transpose %concatenate3A_740, [1, 0] : vector<128x128xf32> -> vector<128x128xf32>
    %swap3A_742 = arith.constant 10496 : index
    %swap3A_743 = arith.constant 0 : index
    %swap3A_744 = vector.load %arg2[%swap3A_742, %swap3A_743] : memref<12800x128xf32, #tpu.memory_space<vmem>>, vector<128x128xf32>
    tpu.vector_store %arg2[%swap3A_742, %swap3A_743], %transpose3A_741 {strides = array<i32>} : memref<12800x128xf32, #tpu.memory_space<vmem>>, vector<128x128xf32>,
    %slice3A_745 = vector.extract_strided_slice %get3A_1 {offsets = [0, 42496], sizes = [32, 128], strides = [1, 1]} : vector<32x51200xf32> to vector<32x128xf32>
    %slice3A_746 = vector.extract_strided_slice %get3A_1 {offsets = [0, 42624], sizes = [32, 128], strides = [1, 1]} : vector<32x51200xf32> to vector<32x128xf32>
    %slice3A_747 = vector.extract_strided_slice %get3A_1 {offsets = [0, 42752], sizes = [32, 128], strides = [1, 1]} : vector<32x51200xf32> to vector<32x128xf32>
    %slice3A_748 = vector.extract_strided_slice %get3A_1 {offsets = [0, 42880], sizes = [32, 128], strides = [1, 1]} : vector<32x51200xf32> to vector<32x128xf32>
    %concatenate3A_749 = tpu.concatenate %slice3A_745, %slice3A_746, %slice3A_747, %slice3A_748 in 0 : vector<32x128xf32>, vector<32x128xf32>, vector<32x128xf32>, vector<32x128xf32> -> vector<128x128xf32>
    %transpose3A_750 = tpu.transpose %concatenate3A_749, [1, 0] : vector<128x128xf32> -> vector<128x128xf32>
    %swap3A_751 = arith.constant 10624 : index
    %swap3A_752 = arith.constant 0 : index
    %swap3A_753 = vector.load %arg2[%swap3A_751, %swap3A_752] : memref<12800x128xf32, #tpu.memory_space<vmem>>, vector<128x128xf32>
    tpu.vector_store %arg2[%swap3A_751, %swap3A_752], %transpose3A_750 {strides = array<i32>} : memref<12800x128xf32, #tpu.memory_space<vmem>>, vector<128x128xf32>,
    %slice3A_754 = vector.extract_strided_slice %get3A_1 {offsets = [0, 43008], sizes = [32, 128], strides = [1, 1]} : vector<32x51200xf32> to vector<32x128xf32>
    %slice3A_755 = vector.extract_strided_slice %get3A_1 {offsets = [0, 43136], sizes = [32, 128], strides = [1, 1]} : vector<32x51200xf32> to vector<32x128xf32>
    %slice3A_756 = vector.extract_strided_slice %get3A_1 {offsets = [0, 43264], sizes = [32, 128], strides = [1, 1]} : vector<32x51200xf32> to vector<32x128xf32>
    %slice3A_757 = vector.extract_strided_slice %get3A_1 {offsets = [0, 43392], sizes = [32, 128], strides = [1, 1]} : vector<32x51200xf32> to vector<32x128xf32>
    %concatenate3A_758 = tpu.concatenate %slice3A_754, %slice3A_755, %slice3A_756, %slice3A_757 in 0 : vector<32x128xf32>, vector<32x128xf32>, vector<32x128xf32>, vector<32x128xf32> -> vector<128x128xf32>
    %transpose3A_759 = tpu.transpose %concatenate3A_758, [1, 0] : vector<128x128xf32> -> vector<128x128xf32>
    %swap3A_760 = arith.constant 10752 : index
    %swap3A_761 = arith.constant 0 : index
    %swap3A_762 = vector.load %arg2[%swap3A_760, %swap3A_761] : memref<12800x128xf32, #tpu.memory_space<vmem>>, vector<128x128xf32>
    tpu.vector_store %arg2[%swap3A_760, %swap3A_761], %transpose3A_759 {strides = array<i32>} : memref<12800x128xf32, #tpu.memory_space<vmem>>, vector<128x128xf32>,
    %slice3A_763 = vector.extract_strided_slice %get3A_1 {offsets = [0, 43520], sizes = [32, 128], strides = [1, 1]} : vector<32x51200xf32> to vector<32x128xf32>
    %slice3A_764 = vector.extract_strided_slice %get3A_1 {offsets = [0, 43648], sizes = [32, 128], strides = [1, 1]} : vector<32x51200xf32> to vector<32x128xf32>
    %slice3A_765 = vector.extract_strided_slice %get3A_1 {offsets = [0, 43776], sizes = [32, 128], strides = [1, 1]} : vector<32x51200xf32> to vector<32x128xf32>
    %slice3A_766 = vector.extract_strided_slice %get3A_1 {offsets = [0, 43904], sizes = [32, 128], strides = [1, 1]} : vector<32x51200xf32> to vector<32x128xf32>
    %concatenate3A_767 = tpu.concatenate %slice3A_763, %slice3A_764, %slice3A_765, %slice3A_766 in 0 : vector<32x128xf32>, vector<32x128xf32>, vector<32x128xf32>, vector<32x128xf32> -> vector<128x128xf32>
    %transpose3A_768 = tpu.transpose %concatenate3A_767, [1, 0] : vector<128x128xf32> -> vector<128x128xf32>
    %swap3A_769 = arith.constant 10880 : index
    %swap3A_770 = arith.constant 0 : index
    %swap3A_771 = vector.load %arg2[%swap3A_769, %swap3A_770] : memref<12800x128xf32, #tpu.memory_space<vmem>>, vector<128x128xf32>
    tpu.vector_store %arg2[%swap3A_769, %swap3A_770], %transpose3A_768 {strides = array<i32>} : memref<12800x128xf32, #tpu.memory_space<vmem>>, vector<128x128xf32>,
    %slice3A_772 = vector.extract_strided_slice %get3A_1 {offsets = [0, 44032], sizes = [32, 128], strides = [1, 1]} : vector<32x51200xf32> to vector<32x128xf32>
    %slice3A_773 = vector.extract_strided_slice %get3A_1 {offsets = [0, 44160], sizes = [32, 128], strides = [1, 1]} : vector<32x51200xf32> to vector<32x128xf32>
    %slice3A_774 = vector.extract_strided_slice %get3A_1 {offsets = [0, 44288], sizes = [32, 128], strides = [1, 1]} : vector<32x51200xf32> to vector<32x128xf32>
    %slice3A_775 = vector.extract_strided_slice %get3A_1 {offsets = [0, 44416], sizes = [32, 128], strides = [1, 1]} : vector<32x51200xf32> to vector<32x128xf32>
    %concatenate3A_776 = tpu.concatenate %slice3A_772, %slice3A_773, %slice3A_774, %slice3A_775 in 0 : vector<32x128xf32>, vector<32x128xf32>, vector<32x128xf32>, vector<32x128xf32> -> vector<128x128xf32>
    %transpose3A_777 = tpu.transpose %concatenate3A_776, [1, 0] : vector<128x128xf32> -> vector<128x128xf32>
    %swap3A_778 = arith.constant 11008 : index
    %swap3A_779 = arith.constant 0 : index
    %swap3A_780 = vector.load %arg2[%swap3A_778, %swap3A_779] : memref<12800x128xf32, #tpu.memory_space<vmem>>, vector<128x128xf32>
    tpu.vector_store %arg2[%swap3A_778, %swap3A_779], %transpose3A_777 {strides = array<i32>} : memref<12800x128xf32, #tpu.memory_space<vmem>>, vector<128x128xf32>,
    %slice3A_781 = vector.extract_strided_slice %get3A_1 {offsets = [0, 44544], sizes = [32, 128], strides = [1, 1]} : vector<32x51200xf32> to vector<32x128xf32>
    %slice3A_782 = vector.extract_strided_slice %get3A_1 {offsets = [0, 44672], sizes = [32, 128], strides = [1, 1]} : vector<32x51200xf32> to vector<32x128xf32>
    %slice3A_783 = vector.extract_strided_slice %get3A_1 {offsets = [0, 44800], sizes = [32, 128], strides = [1, 1]} : vector<32x51200xf32> to vector<32x128xf32>
    %slice3A_784 = vector.extract_strided_slice %get3A_1 {offsets = [0, 44928], sizes = [32, 128], strides = [1, 1]} : vector<32x51200xf32> to vector<32x128xf32>
    %concatenate3A_785 = tpu.concatenate %slice3A_781, %slice3A_782, %slice3A_783, %slice3A_784 in 0 : vector<32x128xf32>, vector<32x128xf32>, vector<32x128xf32>, vector<32x128xf32> -> vector<128x128xf32>
    %transpose3A_786 = tpu.transpose %concatenate3A_785, [1, 0] : vector<128x128xf32> -> vector<128x128xf32>
    %swap3A_787 = arith.constant 11136 : index
    %swap3A_788 = arith.constant 0 : index
    %swap3A_789 = vector.load %arg2[%swap3A_787, %swap3A_788] : memref<12800x128xf32, #tpu.memory_space<vmem>>, vector<128x128xf32>
    tpu.vector_store %arg2[%swap3A_787, %swap3A_788], %transpose3A_786 {strides = array<i32>} : memref<12800x128xf32, #tpu.memory_space<vmem>>, vector<128x128xf32>,
    %slice3A_790 = vector.extract_strided_slice %get3A_1 {offsets = [0, 45056], sizes = [32, 128], strides = [1, 1]} : vector<32x51200xf32> to vector<32x128xf32>
    %slice3A_791 = vector.extract_strided_slice %get3A_1 {offsets = [0, 45184], sizes = [32, 128], strides = [1, 1]} : vector<32x51200xf32> to vector<32x128xf32>
    %slice3A_792 = vector.extract_strided_slice %get3A_1 {offsets = [0, 45312], sizes = [32, 128], strides = [1, 1]} : vector<32x51200xf32> to vector<32x128xf32>
    %slice3A_793 = vector.extract_strided_slice %get3A_1 {offsets = [0, 45440], sizes = [32, 128], strides = [1, 1]} : vector<32x51200xf32> to vector<32x128xf32>
    %concatenate3A_794 = tpu.concatenate %slice3A_790, %slice3A_791, %slice3A_792, %slice3A_793 in 0 : vector<32x128xf32>, vector<32x128xf32>, vector<32x128xf32>, vector<32x128xf32> -> vector<128x128xf32>
    %transpose3A_795 = tpu.transpose %concatenate3A_794, [1, 0] : vector<128x128xf32> -> vector<128x128xf32>
    %swap3A_796 = arith.constant 11264 : index
    %swap3A_797 = arith.constant 0 : index
    %swap3A_798 = vector.load %arg2[%swap3A_796, %swap3A_797] : memref<12800x128xf32, #tpu.memory_space<vmem>>, vector<128x128xf32>
    tpu.vector_store %arg2[%swap3A_796, %swap3A_797], %transpose3A_795 {strides = array<i32>} : memref<12800x128xf32, #tpu.memory_space<vmem>>, vector<128x128xf32>,
    %slice3A_799 = vector.extract_strided_slice %get3A_1 {offsets = [0, 45568], sizes = [32, 128], strides = [1, 1]} : vector<32x51200xf32> to vector<32x128xf32>
    %slice3A_800 = vector.extract_strided_slice %get3A_1 {offsets = [0, 45696], sizes = [32, 128], strides = [1, 1]} : vector<32x51200xf32> to vector<32x128xf32>
    %slice3A_801 = vector.extract_strided_slice %get3A_1 {offsets = [0, 45824], sizes = [32, 128], strides = [1, 1]} : vector<32x51200xf32> to vector<32x128xf32>
    %slice3A_802 = vector.extract_strided_slice %get3A_1 {offsets = [0, 45952], sizes = [32, 128], strides = [1, 1]} : vector<32x51200xf32> to vector<32x128xf32>
    %concatenate3A_803 = tpu.concatenate %slice3A_799, %slice3A_800, %slice3A_801, %slice3A_802 in 0 : vector<32x128xf32>, vector<32x128xf32>, vector<32x128xf32>, vector<32x128xf32> -> vector<128x128xf32>
    %transpose3A_804 = tpu.transpose %concatenate3A_803, [1, 0] : vector<128x128xf32> -> vector<128x128xf32>
    %swap3A_805 = arith.constant 11392 : index
    %swap3A_806 = arith.constant 0 : index
    %swap3A_807 = vector.load %arg2[%swap3A_805, %swap3A_806] : memref<12800x128xf32, #tpu.memory_space<vmem>>, vector<128x128xf32>
    tpu.vector_store %arg2[%swap3A_805, %swap3A_806], %transpose3A_804 {strides = array<i32>} : memref<12800x128xf32, #tpu.memory_space<vmem>>, vector<128x128xf32>,
    %slice3A_808 = vector.extract_strided_slice %get3A_1 {offsets = [0, 46080], sizes = [32, 128], strides = [1, 1]} : vector<32x51200xf32> to vector<32x128xf32>
    %slice3A_809 = vector.extract_strided_slice %get3A_1 {offsets = [0, 46208], sizes = [32, 128], strides = [1, 1]} : vector<32x51200xf32> to vector<32x128xf32>
    %slice3A_810 = vector.extract_strided_slice %get3A_1 {offsets = [0, 46336], sizes = [32, 128], strides = [1, 1]} : vector<32x51200xf32> to vector<32x128xf32>
    %slice3A_811 = vector.extract_strided_slice %get3A_1 {offsets = [0, 46464], sizes = [32, 128], strides = [1, 1]} : vector<32x51200xf32> to vector<32x128xf32>
    %concatenate3A_812 = tpu.concatenate %slice3A_808, %slice3A_809, %slice3A_810, %slice3A_811 in 0 : vector<32x128xf32>, vector<32x128xf32>, vector<32x128xf32>, vector<32x128xf32> -> vector<128x128xf32>
    %transpose3A_813 = tpu.transpose %concatenate3A_812, [1, 0] : vector<128x128xf32> -> vector<128x128xf32>
    %swap3A_814 = arith.constant 11520 : index
    %swap3A_815 = arith.constant 0 : index
    %swap3A_816 = vector.load %arg2[%swap3A_814, %swap3A_815] : memref<12800x128xf32, #tpu.memory_space<vmem>>, vector<128x128xf32>
    tpu.vector_store %arg2[%swap3A_814, %swap3A_815], %transpose3A_813 {strides = array<i32>} : memref<12800x128xf32, #tpu.memory_space<vmem>>, vector<128x128xf32>,
    %slice3A_817 = vector.extract_strided_slice %get3A_1 {offsets = [0, 46592], sizes = [32, 128], strides = [1, 1]} : vector<32x51200xf32> to vector<32x128xf32>
    %slice3A_818 = vector.extract_strided_slice %get3A_1 {offsets = [0, 46720], sizes = [32, 128], strides = [1, 1]} : vector<32x51200xf32> to vector<32x128xf32>
    %slice3A_819 = vector.extract_strided_slice %get3A_1 {offsets = [0, 46848], sizes = [32, 128], strides = [1, 1]} : vector<32x51200xf32> to vector<32x128xf32>
    %slice3A_820 = vector.extract_strided_slice %get3A_1 {offsets = [0, 46976], sizes = [32, 128], strides = [1, 1]} : vector<32x51200xf32> to vector<32x128xf32>
    %concatenate3A_821 = tpu.concatenate %slice3A_817, %slice3A_818, %slice3A_819, %slice3A_820 in 0 : vector<32x128xf32>, vector<32x128xf32>, vector<32x128xf32>, vector<32x128xf32> -> vector<128x128xf32>
    %transpose3A_822 = tpu.transpose %concatenate3A_821, [1, 0] : vector<128x128xf32> -> vector<128x128xf32>
    %swap3A_823 = arith.constant 11648 : index
    %swap3A_824 = arith.constant 0 : index
    %swap3A_825 = vector.load %arg2[%swap3A_823, %swap3A_824] : memref<12800x128xf32, #tpu.memory_space<vmem>>, vector<128x128xf32>
    tpu.vector_store %arg2[%swap3A_823, %swap3A_824], %transpose3A_822 {strides = array<i32>} : memref<12800x128xf32, #tpu.memory_space<vmem>>, vector<128x128xf32>,
    %slice3A_826 = vector.extract_strided_slice %get3A_1 {offsets = [0, 47104], sizes = [32, 128], strides = [1, 1]} : vector<32x51200xf32> to vector<32x128xf32>
    %slice3A_827 = vector.extract_strided_slice %get3A_1 {offsets = [0, 47232], sizes = [32, 128], strides = [1, 1]} : vector<32x51200xf32> to vector<32x128xf32>
    %slice3A_828 = vector.extract_strided_slice %get3A_1 {offsets = [0, 47360], sizes = [32, 128], strides = [1, 1]} : vector<32x51200xf32> to vector<32x128xf32>
    %slice3A_829 = vector.extract_strided_slice %get3A_1 {offsets = [0, 47488], sizes = [32, 128], strides = [1, 1]} : vector<32x51200xf32> to vector<32x128xf32>
    %concatenate3A_830 = tpu.concatenate %slice3A_826, %slice3A_827, %slice3A_828, %slice3A_829 in 0 : vector<32x128xf32>, vector<32x128xf32>, vector<32x128xf32>, vector<32x128xf32> -> vector<128x128xf32>
    %transpose3A_831 = tpu.transpose %concatenate3A_830, [1, 0] : vector<128x128xf32> -> vector<128x128xf32>
    %swap3A_832 = arith.constant 11776 : index
    %swap3A_833 = arith.constant 0 : index
    %swap3A_834 = vector.load %arg2[%swap3A_832, %swap3A_833] : memref<12800x128xf32, #tpu.memory_space<vmem>>, vector<128x128xf32>
    tpu.vector_store %arg2[%swap3A_832, %swap3A_833], %transpose3A_831 {strides = array<i32>} : memref<12800x128xf32, #tpu.memory_space<vmem>>, vector<128x128xf32>,
    %slice3A_835 = vector.extract_strided_slice %get3A_1 {offsets = [0, 47616], sizes = [32, 128], strides = [1, 1]} : vector<32x51200xf32> to vector<32x128xf32>
    %slice3A_836 = vector.extract_strided_slice %get3A_1 {offsets = [0, 47744], sizes = [32, 128], strides = [1, 1]} : vector<32x51200xf32> to vector<32x128xf32>
    %slice3A_837 = vector.extract_strided_slice %get3A_1 {offsets = [0, 47872], sizes = [32, 128], strides = [1, 1]} : vector<32x51200xf32> to vector<32x128xf32>
    %slice3A_838 = vector.extract_strided_slice %get3A_1 {offsets = [0, 48000], sizes = [32, 128], strides = [1, 1]} : vector<32x51200xf32> to vector<32x128xf32>
    %concatenate3A_839 = tpu.concatenate %slice3A_835, %slice3A_836, %slice3A_837, %slice3A_838 in 0 : vector<32x128xf32>, vector<32x128xf32>, vector<32x128xf32>, vector<32x128xf32> -> vector<128x128xf32>
    %transpose3A_840 = tpu.transpose %concatenate3A_839, [1, 0] : vector<128x128xf32> -> vector<128x128xf32>
    %swap3A_841 = arith.constant 11904 : index
    %swap3A_842 = arith.constant 0 : index
    %swap3A_843 = vector.load %arg2[%swap3A_841, %swap3A_842] : memref<12800x128xf32, #tpu.memory_space<vmem>>, vector<128x128xf32>
    tpu.vector_store %arg2[%swap3A_841, %swap3A_842], %transpose3A_840 {strides = array<i32>} : memref<12800x128xf32, #tpu.memory_space<vmem>>, vector<128x128xf32>,
    %slice3A_844 = vector.extract_strided_slice %get3A_1 {offsets = [0, 48128], sizes = [32, 128], strides = [1, 1]} : vector<32x51200xf32> to vector<32x128xf32>
    %slice3A_845 = vector.extract_strided_slice %get3A_1 {offsets = [0, 48256], sizes = [32, 128], strides = [1, 1]} : vector<32x51200xf32> to vector<32x128xf32>
    %slice3A_846 = vector.extract_strided_slice %get3A_1 {offsets = [0, 48384], sizes = [32, 128], strides = [1, 1]} : vector<32x51200xf32> to vector<32x128xf32>
    %slice3A_847 = vector.extract_strided_slice %get3A_1 {offsets = [0, 48512], sizes = [32, 128], strides = [1, 1]} : vector<32x51200xf32> to vector<32x128xf32>
    %concatenate3A_848 = tpu.concatenate %slice3A_844, %slice3A_845, %slice3A_846, %slice3A_847 in 0 : vector<32x128xf32>, vector<32x128xf32>, vector<32x128xf32>, vector<32x128xf32> -> vector<128x128xf32>
    %transpose3A_849 = tpu.transpose %concatenate3A_848, [1, 0] : vector<128x128xf32> -> vector<128x128xf32>
    %swap3A_850 = arith.constant 12032 : index
    %swap3A_851 = arith.constant 0 : index
    %swap3A_852 = vector.load %arg2[%swap3A_850, %swap3A_851] : memref<12800x128xf32, #tpu.memory_space<vmem>>, vector<128x128xf32>
    tpu.vector_store %arg2[%swap3A_850, %swap3A_851], %transpose3A_849 {strides = array<i32>} : memref<12800x128xf32, #tpu.memory_space<vmem>>, vector<128x128xf32>,
    %slice3A_853 = vector.extract_strided_slice %get3A_1 {offsets = [0, 48640], sizes = [32, 128], strides = [1, 1]} : vector<32x51200xf32> to vector<32x128xf32>
    %slice3A_854 = vector.extract_strided_slice %get3A_1 {offsets = [0, 48768], sizes = [32, 128], strides = [1, 1]} : vector<32x51200xf32> to vector<32x128xf32>
    %slice3A_855 = vector.extract_strided_slice %get3A_1 {offsets = [0, 48896], sizes = [32, 128], strides = [1, 1]} : vector<32x51200xf32> to vector<32x128xf32>
    %slice3A_856 = vector.extract_strided_slice %get3A_1 {offsets = [0, 49024], sizes = [32, 128], strides = [1, 1]} : vector<32x51200xf32> to vector<32x128xf32>
    %concatenate3A_857 = tpu.concatenate %slice3A_853, %slice3A_854, %slice3A_855, %slice3A_856 in 0 : vector<32x128xf32>, vector<32x128xf32>, vector<32x128xf32>, vector<32x128xf32> -> vector<128x128xf32>
    %transpose3A_858 = tpu.transpose %concatenate3A_857, [1, 0] : vector<128x128xf32> -> vector<128x128xf32>
    %swap3A_859 = arith.constant 12160 : index
    %swap3A_860 = arith.constant 0 : index
    %swap3A_861 = vector.load %arg2[%swap3A_859, %swap3A_860] : memref<12800x128xf32, #tpu.memory_space<vmem>>, vector<128x128xf32>
    tpu.vector_store %arg2[%swap3A_859, %swap3A_860], %transpose3A_858 {strides = array<i32>} : memref<12800x128xf32, #tpu.memory_space<vmem>>, vector<128x128xf32>,
    %slice3A_862 = vector.extract_strided_slice %get3A_1 {offsets = [0, 49152], sizes = [32, 128], strides = [1, 1]} : vector<32x51200xf32> to vector<32x128xf32>
    %slice3A_863 = vector.extract_strided_slice %get3A_1 {offsets = [0, 49280], sizes = [32, 128], strides = [1, 1]} : vector<32x51200xf32> to vector<32x128xf32>
    %slice3A_864 = vector.extract_strided_slice %get3A_1 {offsets = [0, 49408], sizes = [32, 128], strides = [1, 1]} : vector<32x51200xf32> to vector<32x128xf32>
    %slice3A_865 = vector.extract_strided_slice %get3A_1 {offsets = [0, 49536], sizes = [32, 128], strides = [1, 1]} : vector<32x51200xf32> to vector<32x128xf32>
    %concatenate3A_866 = tpu.concatenate %slice3A_862, %slice3A_863, %slice3A_864, %slice3A_865 in 0 : vector<32x128xf32>, vector<32x128xf32>, vector<32x128xf32>, vector<32x128xf32> -> vector<128x128xf32>
    %transpose3A_867 = tpu.transpose %concatenate3A_866, [1, 0] : vector<128x128xf32> -> vector<128x128xf32>
    %swap3A_868 = arith.constant 12288 : index
    %swap3A_869 = arith.constant 0 : index
    %swap3A_870 = vector.load %arg2[%swap3A_868, %swap3A_869] : memref<12800x128xf32, #tpu.memory_space<vmem>>, vector<128x128xf32>
    tpu.vector_store %arg2[%swap3A_868, %swap3A_869], %transpose3A_867 {strides = array<i32>} : memref<12800x128xf32, #tpu.memory_space<vmem>>, vector<128x128xf32>,
    %slice3A_871 = vector.extract_strided_slice %get3A_1 {offsets = [0, 49664], sizes = [32, 128], strides = [1, 1]} : vector<32x51200xf32> to vector<32x128xf32>
    %slice3A_872 = vector.extract_strided_slice %get3A_1 {offsets = [0, 49792], sizes = [32, 128], strides = [1, 1]} : vector<32x51200xf32> to vector<32x128xf32>
    %slice3A_873 = vector.extract_strided_slice %get3A_1 {offsets = [0, 49920], sizes = [32, 128], strides = [1, 1]} : vector<32x51200xf32> to vector<32x128xf32>
    %slice3A_874 = vector.extract_strided_slice %get3A_1 {offsets = [0, 50048], sizes = [32, 128], strides = [1, 1]} : vector<32x51200xf32> to vector<32x128xf32>
    %concatenate3A_875 = tpu.concatenate %slice3A_871, %slice3A_872, %slice3A_873, %slice3A_874 in 0 : vector<32x128xf32>, vector<32x128xf32>, vector<32x128xf32>, vector<32x128xf32> -> vector<128x128xf32>
    %transpose3A_876 = tpu.transpose %concatenate3A_875, [1, 0] : vector<128x128xf32> -> vector<128x128xf32>
    %swap3A_877 = arith.constant 12416 : index
    %swap3A_878 = arith.constant 0 : index
    %swap3A_879 = vector.load %arg2[%swap3A_877, %swap3A_878] : memref<12800x128xf32, #tpu.memory_space<vmem>>, vector<128x128xf32>
    tpu.vector_store %arg2[%swap3A_877, %swap3A_878], %transpose3A_876 {strides = array<i32>} : memref<12800x128xf32, #tpu.memory_space<vmem>>, vector<128x128xf32>,
    %slice3A_880 = vector.extract_strided_slice %get3A_1 {offsets = [0, 50176], sizes = [32, 128], strides = [1, 1]} : vector<32x51200xf32> to vector<32x128xf32>
    %slice3A_881 = vector.extract_strided_slice %get3A_1 {offsets = [0, 50304], sizes = [32, 128], strides = [1, 1]} : vector<32x51200xf32> to vector<32x128xf32>
    %slice3A_882 = vector.extract_strided_slice %get3A_1 {offsets = [0, 50432], sizes = [32, 128], strides = [1, 1]} : vector<32x51200xf32> to vector<32x128xf32>
    %slice3A_883 = vector.extract_strided_slice %get3A_1 {offsets = [0, 50560], sizes = [32, 128], strides = [1, 1]} : vector<32x51200xf32> to vector<32x128xf32>
    %concatenate3A_884 = tpu.concatenate %slice3A_880, %slice3A_881, %slice3A_882, %slice3A_883 in 0 : vector<32x128xf32>, vector<32x128xf32>, vector<32x128xf32>, vector<32x128xf32> -> vector<128x128xf32>
    %transpose3A_885 = tpu.transpose %concatenate3A_884, [1, 0] : vector<128x128xf32> -> vector<128x128xf32>
    %swap3A_886 = arith.constant 12544 : index
    %swap3A_887 = arith.constant 0 : index
    %swap3A_888 = vector.load %arg2[%swap3A_886, %swap3A_887] : memref<12800x128xf32, #tpu.memory_space<vmem>>, vector<128x128xf32>
    tpu.vector_store %arg2[%swap3A_886, %swap3A_887], %transpose3A_885 {strides = array<i32>} : memref<12800x128xf32, #tpu.memory_space<vmem>>, vector<128x128xf32>,
    %slice3A_889 = vector.extract_strided_slice %get3A_1 {offsets = [0, 50688], sizes = [32, 128], strides = [1, 1]} : vector<32x51200xf32> to vector<32x128xf32>
    %slice3A_890 = vector.extract_strided_slice %get3A_1 {offsets = [0, 50816], sizes = [32, 128], strides = [1, 1]} : vector<32x51200xf32> to vector<32x128xf32>
    %slice3A_891 = vector.extract_strided_slice %get3A_1 {offsets = [0, 50944], sizes = [32, 128], strides = [1, 1]} : vector<32x51200xf32> to vector<32x128xf32>
    %slice3A_892 = vector.extract_strided_slice %get3A_1 {offsets = [0, 51072], sizes = [32, 128], strides = [1, 1]} : vector<32x51200xf32> to vector<32x128xf32>
    %concatenate3A_893 = tpu.concatenate %slice3A_889, %slice3A_890, %slice3A_891, %slice3A_892 in 0 : vector<32x128xf32>, vector<32x128xf32>, vector<32x128xf32>, vector<32x128xf32> -> vector<128x128xf32>
    %transpose3A_894 = tpu.transpose %concatenate3A_893, [1, 0] : vector<128x128xf32> -> vector<128x128xf32>
    %swap3A_895 = arith.constant 12672 : index
    %swap3A_896 = arith.constant 0 : index
    %swap3A_897 = vector.load %arg2[%swap3A_895, %swap3A_896] : memref<12800x128xf32, #tpu.memory_space<vmem>>, vector<128x128xf32>
    tpu.vector_store %arg2[%swap3A_895, %swap3A_896], %transpose3A_894 {strides = array<i32>} : memref<12800x128xf32, #tpu.memory_space<vmem>>, vector<128x128xf32>,
    return
  }
  func.func @transform_0(%arg0: i32) -> (i32, i32) {
    %c0_i32 = arith.constant 0 : i32
    %c0_i32_0 = arith.constant 0 : i32
    return %c0_i32, %arg0 : i32, i32
  }
  func.func @transform_1(%arg0: i32) -> (i32, i32) {
    %c0_i32 = arith.constant 0 : i32
    %c0_i32_0 = arith.constant 0 : i32
    return %arg0, %c0_i32 : i32, i32
  }
}

module attributes {stable_mosaic.version = 14 : i64} {
  func.func @_transpose_body(%arg0: i32, %arg1: memref<6400x128xf32, #tpu.memory_space<vmem>>, %arg2: memref<6400x128xf32, #tpu.memory_space<vmem>>) attributes {dimension_semantics = [#tpu.dimension_semantics<arbitrary>], iteration_bounds = array<i64: 32>, scalar_prefetch = 0 : i64, scratch_operands = 0 : i64, tpu.core_type = #tpu.core_type<tc>, window_params = [{transform_indices = @transform_0, window_bounds = array<i64: 6400, 128>}, {transform_indices = @transform_1, window_bounds = array<i64: 6400, 128>}]} {
    %get3A = arith.constant 0 : index
    %get3A_0 = arith.constant 0 : index
    %get3A_1 = vector.load %arg1[%get3A, %get3A_0] : memref<6400x128xf32, #tpu.memory_space<vmem>>, vector<6400x128xf32>
    %reshape3A = vector.shape_cast %get3A_1 : vector<6400x128xf32> to vector<128x50x128xf32>
    %slice3A = vector.extract_strided_slice %reshape3A {offsets = [0, 0, 0], sizes = [128, 1, 128], strides = [1, 1, 1]} : vector<128x50x128xf32> to vector<128x1x128xf32>
    %squeeze3A = vector.shape_cast %slice3A : vector<128x1x128xf32> to vector<128x128xf32>
    %transpose3A = tpu.transpose %squeeze3A, [1, 0] : vector<128x128xf32> -> vector<128x128xf32>
    %swap3A = arith.constant 0 : index
    %swap3A_2 = arith.constant 0 : index
    %swap3A_3 = vector.load %arg2[%swap3A, %swap3A_2] : memref<6400x128xf32, #tpu.memory_space<vmem>>, vector<128x128xf32>
    tpu.vector_store %arg2[%swap3A, %swap3A_2], %transpose3A {strides = array<i32>} : memref<6400x128xf32, #tpu.memory_space<vmem>>, vector<128x128xf32>,
    %slice3A_4 = vector.extract_strided_slice %reshape3A {offsets = [0, 1, 0], sizes = [128, 1, 128], strides = [1, 1, 1]} : vector<128x50x128xf32> to vector<128x1x128xf32>
    %squeeze3A_5 = vector.shape_cast %slice3A_4 : vector<128x1x128xf32> to vector<128x128xf32>
    %transpose3A_6 = tpu.transpose %squeeze3A_5, [1, 0] : vector<128x128xf32> -> vector<128x128xf32>
    %swap3A_7 = arith.constant 128 : index
    %swap3A_8 = arith.constant 0 : index
    %swap3A_9 = vector.load %arg2[%swap3A_7, %swap3A_8] : memref<6400x128xf32, #tpu.memory_space<vmem>>, vector<128x128xf32>
    tpu.vector_store %arg2[%swap3A_7, %swap3A_8], %transpose3A_6 {strides = array<i32>} : memref<6400x128xf32, #tpu.memory_space<vmem>>, vector<128x128xf32>,
    %slice3A_10 = vector.extract_strided_slice %reshape3A {offsets = [0, 2, 0], sizes = [128, 1, 128], strides = [1, 1, 1]} : vector<128x50x128xf32> to vector<128x1x128xf32>
    %squeeze3A_11 = vector.shape_cast %slice3A_10 : vector<128x1x128xf32> to vector<128x128xf32>
    %transpose3A_12 = tpu.transpose %squeeze3A_11, [1, 0] : vector<128x128xf32> -> vector<128x128xf32>
    %swap3A_13 = arith.constant 256 : index
    %swap3A_14 = arith.constant 0 : index
    %swap3A_15 = vector.load %arg2[%swap3A_13, %swap3A_14] : memref<6400x128xf32, #tpu.memory_space<vmem>>, vector<128x128xf32>
    tpu.vector_store %arg2[%swap3A_13, %swap3A_14], %transpose3A_12 {strides = array<i32>} : memref<6400x128xf32, #tpu.memory_space<vmem>>, vector<128x128xf32>,
    %slice3A_16 = vector.extract_strided_slice %reshape3A {offsets = [0, 3, 0], sizes = [128, 1, 128], strides = [1, 1, 1]} : vector<128x50x128xf32> to vector<128x1x128xf32>
    %squeeze3A_17 = vector.shape_cast %slice3A_16 : vector<128x1x128xf32> to vector<128x128xf32>
    %transpose3A_18 = tpu.transpose %squeeze3A_17, [1, 0] : vector<128x128xf32> -> vector<128x128xf32>
    %swap3A_19 = arith.constant 384 : index
    %swap3A_20 = arith.constant 0 : index
    %swap3A_21 = vector.load %arg2[%swap3A_19, %swap3A_20] : memref<6400x128xf32, #tpu.memory_space<vmem>>, vector<128x128xf32>
    tpu.vector_store %arg2[%swap3A_19, %swap3A_20], %transpose3A_18 {strides = array<i32>} : memref<6400x128xf32, #tpu.memory_space<vmem>>, vector<128x128xf32>,
    %slice3A_22 = vector.extract_strided_slice %reshape3A {offsets = [0, 4, 0], sizes = [128, 1, 128], strides = [1, 1, 1]} : vector<128x50x128xf32> to vector<128x1x128xf32>
    %squeeze3A_23 = vector.shape_cast %slice3A_22 : vector<128x1x128xf32> to vector<128x128xf32>
    %transpose3A_24 = tpu.transpose %squeeze3A_23, [1, 0] : vector<128x128xf32> -> vector<128x128xf32>
    %swap3A_25 = arith.constant 512 : index
    %swap3A_26 = arith.constant 0 : index
    %swap3A_27 = vector.load %arg2[%swap3A_25, %swap3A_26] : memref<6400x128xf32, #tpu.memory_space<vmem>>, vector<128x128xf32>
    tpu.vector_store %arg2[%swap3A_25, %swap3A_26], %transpose3A_24 {strides = array<i32>} : memref<6400x128xf32, #tpu.memory_space<vmem>>, vector<128x128xf32>,
    %slice3A_28 = vector.extract_strided_slice %reshape3A {offsets = [0, 5, 0], sizes = [128, 1, 128], strides = [1, 1, 1]} : vector<128x50x128xf32> to vector<128x1x128xf32>
    %squeeze3A_29 = vector.shape_cast %slice3A_28 : vector<128x1x128xf32> to vector<128x128xf32>
    %transpose3A_30 = tpu.transpose %squeeze3A_29, [1, 0] : vector<128x128xf32> -> vector<128x128xf32>
    %swap3A_31 = arith.constant 640 : index
    %swap3A_32 = arith.constant 0 : index
    %swap3A_33 = vector.load %arg2[%swap3A_31, %swap3A_32] : memref<6400x128xf32, #tpu.memory_space<vmem>>, vector<128x128xf32>
    tpu.vector_store %arg2[%swap3A_31, %swap3A_32], %transpose3A_30 {strides = array<i32>} : memref<6400x128xf32, #tpu.memory_space<vmem>>, vector<128x128xf32>,
    %slice3A_34 = vector.extract_strided_slice %reshape3A {offsets = [0, 6, 0], sizes = [128, 1, 128], strides = [1, 1, 1]} : vector<128x50x128xf32> to vector<128x1x128xf32>
    %squeeze3A_35 = vector.shape_cast %slice3A_34 : vector<128x1x128xf32> to vector<128x128xf32>
    %transpose3A_36 = tpu.transpose %squeeze3A_35, [1, 0] : vector<128x128xf32> -> vector<128x128xf32>
    %swap3A_37 = arith.constant 768 : index
    %swap3A_38 = arith.constant 0 : index
    %swap3A_39 = vector.load %arg2[%swap3A_37, %swap3A_38] : memref<6400x128xf32, #tpu.memory_space<vmem>>, vector<128x128xf32>
    tpu.vector_store %arg2[%swap3A_37, %swap3A_38], %transpose3A_36 {strides = array<i32>} : memref<6400x128xf32, #tpu.memory_space<vmem>>, vector<128x128xf32>,
    %slice3A_40 = vector.extract_strided_slice %reshape3A {offsets = [0, 7, 0], sizes = [128, 1, 128], strides = [1, 1, 1]} : vector<128x50x128xf32> to vector<128x1x128xf32>
    %squeeze3A_41 = vector.shape_cast %slice3A_40 : vector<128x1x128xf32> to vector<128x128xf32>
    %transpose3A_42 = tpu.transpose %squeeze3A_41, [1, 0] : vector<128x128xf32> -> vector<128x128xf32>
    %swap3A_43 = arith.constant 896 : index
    %swap3A_44 = arith.constant 0 : index
    %swap3A_45 = vector.load %arg2[%swap3A_43, %swap3A_44] : memref<6400x128xf32, #tpu.memory_space<vmem>>, vector<128x128xf32>
    tpu.vector_store %arg2[%swap3A_43, %swap3A_44], %transpose3A_42 {strides = array<i32>} : memref<6400x128xf32, #tpu.memory_space<vmem>>, vector<128x128xf32>,
    %slice3A_46 = vector.extract_strided_slice %reshape3A {offsets = [0, 8, 0], sizes = [128, 1, 128], strides = [1, 1, 1]} : vector<128x50x128xf32> to vector<128x1x128xf32>
    %squeeze3A_47 = vector.shape_cast %slice3A_46 : vector<128x1x128xf32> to vector<128x128xf32>
    %transpose3A_48 = tpu.transpose %squeeze3A_47, [1, 0] : vector<128x128xf32> -> vector<128x128xf32>
    %swap3A_49 = arith.constant 1024 : index
    %swap3A_50 = arith.constant 0 : index
    %swap3A_51 = vector.load %arg2[%swap3A_49, %swap3A_50] : memref<6400x128xf32, #tpu.memory_space<vmem>>, vector<128x128xf32>
    tpu.vector_store %arg2[%swap3A_49, %swap3A_50], %transpose3A_48 {strides = array<i32>} : memref<6400x128xf32, #tpu.memory_space<vmem>>, vector<128x128xf32>,
    %slice3A_52 = vector.extract_strided_slice %reshape3A {offsets = [0, 9, 0], sizes = [128, 1, 128], strides = [1, 1, 1]} : vector<128x50x128xf32> to vector<128x1x128xf32>
    %squeeze3A_53 = vector.shape_cast %slice3A_52 : vector<128x1x128xf32> to vector<128x128xf32>
    %transpose3A_54 = tpu.transpose %squeeze3A_53, [1, 0] : vector<128x128xf32> -> vector<128x128xf32>
    %swap3A_55 = arith.constant 1152 : index
    %swap3A_56 = arith.constant 0 : index
    %swap3A_57 = vector.load %arg2[%swap3A_55, %swap3A_56] : memref<6400x128xf32, #tpu.memory_space<vmem>>, vector<128x128xf32>
    tpu.vector_store %arg2[%swap3A_55, %swap3A_56], %transpose3A_54 {strides = array<i32>} : memref<6400x128xf32, #tpu.memory_space<vmem>>, vector<128x128xf32>,
    %slice3A_58 = vector.extract_strided_slice %reshape3A {offsets = [0, 10, 0], sizes = [128, 1, 128], strides = [1, 1, 1]} : vector<128x50x128xf32> to vector<128x1x128xf32>
    %squeeze3A_59 = vector.shape_cast %slice3A_58 : vector<128x1x128xf32> to vector<128x128xf32>
    %transpose3A_60 = tpu.transpose %squeeze3A_59, [1, 0] : vector<128x128xf32> -> vector<128x128xf32>
    %swap3A_61 = arith.constant 1280 : index
    %swap3A_62 = arith.constant 0 : index
    %swap3A_63 = vector.load %arg2[%swap3A_61, %swap3A_62] : memref<6400x128xf32, #tpu.memory_space<vmem>>, vector<128x128xf32>
    tpu.vector_store %arg2[%swap3A_61, %swap3A_62], %transpose3A_60 {strides = array<i32>} : memref<6400x128xf32, #tpu.memory_space<vmem>>, vector<128x128xf32>,
    %slice3A_64 = vector.extract_strided_slice %reshape3A {offsets = [0, 11, 0], sizes = [128, 1, 128], strides = [1, 1, 1]} : vector<128x50x128xf32> to vector<128x1x128xf32>
    %squeeze3A_65 = vector.shape_cast %slice3A_64 : vector<128x1x128xf32> to vector<128x128xf32>
    %transpose3A_66 = tpu.transpose %squeeze3A_65, [1, 0] : vector<128x128xf32> -> vector<128x128xf32>
    %swap3A_67 = arith.constant 1408 : index
    %swap3A_68 = arith.constant 0 : index
    %swap3A_69 = vector.load %arg2[%swap3A_67, %swap3A_68] : memref<6400x128xf32, #tpu.memory_space<vmem>>, vector<128x128xf32>
    tpu.vector_store %arg2[%swap3A_67, %swap3A_68], %transpose3A_66 {strides = array<i32>} : memref<6400x128xf32, #tpu.memory_space<vmem>>, vector<128x128xf32>,
    %slice3A_70 = vector.extract_strided_slice %reshape3A {offsets = [0, 12, 0], sizes = [128, 1, 128], strides = [1, 1, 1]} : vector<128x50x128xf32> to vector<128x1x128xf32>
    %squeeze3A_71 = vector.shape_cast %slice3A_70 : vector<128x1x128xf32> to vector<128x128xf32>
    %transpose3A_72 = tpu.transpose %squeeze3A_71, [1, 0] : vector<128x128xf32> -> vector<128x128xf32>
    %swap3A_73 = arith.constant 1536 : index
    %swap3A_74 = arith.constant 0 : index
    %swap3A_75 = vector.load %arg2[%swap3A_73, %swap3A_74] : memref<6400x128xf32, #tpu.memory_space<vmem>>, vector<128x128xf32>
    tpu.vector_store %arg2[%swap3A_73, %swap3A_74], %transpose3A_72 {strides = array<i32>} : memref<6400x128xf32, #tpu.memory_space<vmem>>, vector<128x128xf32>,
    %slice3A_76 = vector.extract_strided_slice %reshape3A {offsets = [0, 13, 0], sizes = [128, 1, 128], strides = [1, 1, 1]} : vector<128x50x128xf32> to vector<128x1x128xf32>
    %squeeze3A_77 = vector.shape_cast %slice3A_76 : vector<128x1x128xf32> to vector<128x128xf32>
    %transpose3A_78 = tpu.transpose %squeeze3A_77, [1, 0] : vector<128x128xf32> -> vector<128x128xf32>
    %swap3A_79 = arith.constant 1664 : index
    %swap3A_80 = arith.constant 0 : index
    %swap3A_81 = vector.load %arg2[%swap3A_79, %swap3A_80] : memref<6400x128xf32, #tpu.memory_space<vmem>>, vector<128x128xf32>
    tpu.vector_store %arg2[%swap3A_79, %swap3A_80], %transpose3A_78 {strides = array<i32>} : memref<6400x128xf32, #tpu.memory_space<vmem>>, vector<128x128xf32>,
    %slice3A_82 = vector.extract_strided_slice %reshape3A {offsets = [0, 14, 0], sizes = [128, 1, 128], strides = [1, 1, 1]} : vector<128x50x128xf32> to vector<128x1x128xf32>
    %squeeze3A_83 = vector.shape_cast %slice3A_82 : vector<128x1x128xf32> to vector<128x128xf32>
    %transpose3A_84 = tpu.transpose %squeeze3A_83, [1, 0] : vector<128x128xf32> -> vector<128x128xf32>
    %swap3A_85 = arith.constant 1792 : index
    %swap3A_86 = arith.constant 0 : index
    %swap3A_87 = vector.load %arg2[%swap3A_85, %swap3A_86] : memref<6400x128xf32, #tpu.memory_space<vmem>>, vector<128x128xf32>
    tpu.vector_store %arg2[%swap3A_85, %swap3A_86], %transpose3A_84 {strides = array<i32>} : memref<6400x128xf32, #tpu.memory_space<vmem>>, vector<128x128xf32>,
    %slice3A_88 = vector.extract_strided_slice %reshape3A {offsets = [0, 15, 0], sizes = [128, 1, 128], strides = [1, 1, 1]} : vector<128x50x128xf32> to vector<128x1x128xf32>
    %squeeze3A_89 = vector.shape_cast %slice3A_88 : vector<128x1x128xf32> to vector<128x128xf32>
    %transpose3A_90 = tpu.transpose %squeeze3A_89, [1, 0] : vector<128x128xf32> -> vector<128x128xf32>
    %swap3A_91 = arith.constant 1920 : index
    %swap3A_92 = arith.constant 0 : index
    %swap3A_93 = vector.load %arg2[%swap3A_91, %swap3A_92] : memref<6400x128xf32, #tpu.memory_space<vmem>>, vector<128x128xf32>
    tpu.vector_store %arg2[%swap3A_91, %swap3A_92], %transpose3A_90 {strides = array<i32>} : memref<6400x128xf32, #tpu.memory_space<vmem>>, vector<128x128xf32>,
    %slice3A_94 = vector.extract_strided_slice %reshape3A {offsets = [0, 16, 0], sizes = [128, 1, 128], strides = [1, 1, 1]} : vector<128x50x128xf32> to vector<128x1x128xf32>
    %squeeze3A_95 = vector.shape_cast %slice3A_94 : vector<128x1x128xf32> to vector<128x128xf32>
    %transpose3A_96 = tpu.transpose %squeeze3A_95, [1, 0] : vector<128x128xf32> -> vector<128x128xf32>
    %swap3A_97 = arith.constant 2048 : index
    %swap3A_98 = arith.constant 0 : index
    %swap3A_99 = vector.load %arg2[%swap3A_97, %swap3A_98] : memref<6400x128xf32, #tpu.memory_space<vmem>>, vector<128x128xf32>
    tpu.vector_store %arg2[%swap3A_97, %swap3A_98], %transpose3A_96 {strides = array<i32>} : memref<6400x128xf32, #tpu.memory_space<vmem>>, vector<128x128xf32>,
    %slice3A_100 = vector.extract_strided_slice %reshape3A {offsets = [0, 17, 0], sizes = [128, 1, 128], strides = [1, 1, 1]} : vector<128x50x128xf32> to vector<128x1x128xf32>
    %squeeze3A_101 = vector.shape_cast %slice3A_100 : vector<128x1x128xf32> to vector<128x128xf32>
    %transpose3A_102 = tpu.transpose %squeeze3A_101, [1, 0] : vector<128x128xf32> -> vector<128x128xf32>
    %swap3A_103 = arith.constant 2176 : index
    %swap3A_104 = arith.constant 0 : index
    %swap3A_105 = vector.load %arg2[%swap3A_103, %swap3A_104] : memref<6400x128xf32, #tpu.memory_space<vmem>>, vector<128x128xf32>
    tpu.vector_store %arg2[%swap3A_103, %swap3A_104], %transpose3A_102 {strides = array<i32>} : memref<6400x128xf32, #tpu.memory_space<vmem>>, vector<128x128xf32>,
    %slice3A_106 = vector.extract_strided_slice %reshape3A {offsets = [0, 18, 0], sizes = [128, 1, 128], strides = [1, 1, 1]} : vector<128x50x128xf32> to vector<128x1x128xf32>
    %squeeze3A_107 = vector.shape_cast %slice3A_106 : vector<128x1x128xf32> to vector<128x128xf32>
    %transpose3A_108 = tpu.transpose %squeeze3A_107, [1, 0] : vector<128x128xf32> -> vector<128x128xf32>
    %swap3A_109 = arith.constant 2304 : index
    %swap3A_110 = arith.constant 0 : index
    %swap3A_111 = vector.load %arg2[%swap3A_109, %swap3A_110] : memref<6400x128xf32, #tpu.memory_space<vmem>>, vector<128x128xf32>
    tpu.vector_store %arg2[%swap3A_109, %swap3A_110], %transpose3A_108 {strides = array<i32>} : memref<6400x128xf32, #tpu.memory_space<vmem>>, vector<128x128xf32>,
    %slice3A_112 = vector.extract_strided_slice %reshape3A {offsets = [0, 19, 0], sizes = [128, 1, 128], strides = [1, 1, 1]} : vector<128x50x128xf32> to vector<128x1x128xf32>
    %squeeze3A_113 = vector.shape_cast %slice3A_112 : vector<128x1x128xf32> to vector<128x128xf32>
    %transpose3A_114 = tpu.transpose %squeeze3A_113, [1, 0] : vector<128x128xf32> -> vector<128x128xf32>
    %swap3A_115 = arith.constant 2432 : index
    %swap3A_116 = arith.constant 0 : index
    %swap3A_117 = vector.load %arg2[%swap3A_115, %swap3A_116] : memref<6400x128xf32, #tpu.memory_space<vmem>>, vector<128x128xf32>
    tpu.vector_store %arg2[%swap3A_115, %swap3A_116], %transpose3A_114 {strides = array<i32>} : memref<6400x128xf32, #tpu.memory_space<vmem>>, vector<128x128xf32>,
    %slice3A_118 = vector.extract_strided_slice %reshape3A {offsets = [0, 20, 0], sizes = [128, 1, 128], strides = [1, 1, 1]} : vector<128x50x128xf32> to vector<128x1x128xf32>
    %squeeze3A_119 = vector.shape_cast %slice3A_118 : vector<128x1x128xf32> to vector<128x128xf32>
    %transpose3A_120 = tpu.transpose %squeeze3A_119, [1, 0] : vector<128x128xf32> -> vector<128x128xf32>
    %swap3A_121 = arith.constant 2560 : index
    %swap3A_122 = arith.constant 0 : index
    %swap3A_123 = vector.load %arg2[%swap3A_121, %swap3A_122] : memref<6400x128xf32, #tpu.memory_space<vmem>>, vector<128x128xf32>
    tpu.vector_store %arg2[%swap3A_121, %swap3A_122], %transpose3A_120 {strides = array<i32>} : memref<6400x128xf32, #tpu.memory_space<vmem>>, vector<128x128xf32>,
    %slice3A_124 = vector.extract_strided_slice %reshape3A {offsets = [0, 21, 0], sizes = [128, 1, 128], strides = [1, 1, 1]} : vector<128x50x128xf32> to vector<128x1x128xf32>
    %squeeze3A_125 = vector.shape_cast %slice3A_124 : vector<128x1x128xf32> to vector<128x128xf32>
    %transpose3A_126 = tpu.transpose %squeeze3A_125, [1, 0] : vector<128x128xf32> -> vector<128x128xf32>
    %swap3A_127 = arith.constant 2688 : index
    %swap3A_128 = arith.constant 0 : index
    %swap3A_129 = vector.load %arg2[%swap3A_127, %swap3A_128] : memref<6400x128xf32, #tpu.memory_space<vmem>>, vector<128x128xf32>
    tpu.vector_store %arg2[%swap3A_127, %swap3A_128], %transpose3A_126 {strides = array<i32>} : memref<6400x128xf32, #tpu.memory_space<vmem>>, vector<128x128xf32>,
    %slice3A_130 = vector.extract_strided_slice %reshape3A {offsets = [0, 22, 0], sizes = [128, 1, 128], strides = [1, 1, 1]} : vector<128x50x128xf32> to vector<128x1x128xf32>
    %squeeze3A_131 = vector.shape_cast %slice3A_130 : vector<128x1x128xf32> to vector<128x128xf32>
    %transpose3A_132 = tpu.transpose %squeeze3A_131, [1, 0] : vector<128x128xf32> -> vector<128x128xf32>
    %swap3A_133 = arith.constant 2816 : index
    %swap3A_134 = arith.constant 0 : index
    %swap3A_135 = vector.load %arg2[%swap3A_133, %swap3A_134] : memref<6400x128xf32, #tpu.memory_space<vmem>>, vector<128x128xf32>
    tpu.vector_store %arg2[%swap3A_133, %swap3A_134], %transpose3A_132 {strides = array<i32>} : memref<6400x128xf32, #tpu.memory_space<vmem>>, vector<128x128xf32>,
    %slice3A_136 = vector.extract_strided_slice %reshape3A {offsets = [0, 23, 0], sizes = [128, 1, 128], strides = [1, 1, 1]} : vector<128x50x128xf32> to vector<128x1x128xf32>
    %squeeze3A_137 = vector.shape_cast %slice3A_136 : vector<128x1x128xf32> to vector<128x128xf32>
    %transpose3A_138 = tpu.transpose %squeeze3A_137, [1, 0] : vector<128x128xf32> -> vector<128x128xf32>
    %swap3A_139 = arith.constant 2944 : index
    %swap3A_140 = arith.constant 0 : index
    %swap3A_141 = vector.load %arg2[%swap3A_139, %swap3A_140] : memref<6400x128xf32, #tpu.memory_space<vmem>>, vector<128x128xf32>
    tpu.vector_store %arg2[%swap3A_139, %swap3A_140], %transpose3A_138 {strides = array<i32>} : memref<6400x128xf32, #tpu.memory_space<vmem>>, vector<128x128xf32>,
    %slice3A_142 = vector.extract_strided_slice %reshape3A {offsets = [0, 24, 0], sizes = [128, 1, 128], strides = [1, 1, 1]} : vector<128x50x128xf32> to vector<128x1x128xf32>
    %squeeze3A_143 = vector.shape_cast %slice3A_142 : vector<128x1x128xf32> to vector<128x128xf32>
    %transpose3A_144 = tpu.transpose %squeeze3A_143, [1, 0] : vector<128x128xf32> -> vector<128x128xf32>
    %swap3A_145 = arith.constant 3072 : index
    %swap3A_146 = arith.constant 0 : index
    %swap3A_147 = vector.load %arg2[%swap3A_145, %swap3A_146] : memref<6400x128xf32, #tpu.memory_space<vmem>>, vector<128x128xf32>
    tpu.vector_store %arg2[%swap3A_145, %swap3A_146], %transpose3A_144 {strides = array<i32>} : memref<6400x128xf32, #tpu.memory_space<vmem>>, vector<128x128xf32>,
    %slice3A_148 = vector.extract_strided_slice %reshape3A {offsets = [0, 25, 0], sizes = [128, 1, 128], strides = [1, 1, 1]} : vector<128x50x128xf32> to vector<128x1x128xf32>
    %squeeze3A_149 = vector.shape_cast %slice3A_148 : vector<128x1x128xf32> to vector<128x128xf32>
    %transpose3A_150 = tpu.transpose %squeeze3A_149, [1, 0] : vector<128x128xf32> -> vector<128x128xf32>
    %swap3A_151 = arith.constant 3200 : index
    %swap3A_152 = arith.constant 0 : index
    %swap3A_153 = vector.load %arg2[%swap3A_151, %swap3A_152] : memref<6400x128xf32, #tpu.memory_space<vmem>>, vector<128x128xf32>
    tpu.vector_store %arg2[%swap3A_151, %swap3A_152], %transpose3A_150 {strides = array<i32>} : memref<6400x128xf32, #tpu.memory_space<vmem>>, vector<128x128xf32>,
    %slice3A_154 = vector.extract_strided_slice %reshape3A {offsets = [0, 26, 0], sizes = [128, 1, 128], strides = [1, 1, 1]} : vector<128x50x128xf32> to vector<128x1x128xf32>
    %squeeze3A_155 = vector.shape_cast %slice3A_154 : vector<128x1x128xf32> to vector<128x128xf32>
    %transpose3A_156 = tpu.transpose %squeeze3A_155, [1, 0] : vector<128x128xf32> -> vector<128x128xf32>
    %swap3A_157 = arith.constant 3328 : index
    %swap3A_158 = arith.constant 0 : index
    %swap3A_159 = vector.load %arg2[%swap3A_157, %swap3A_158] : memref<6400x128xf32, #tpu.memory_space<vmem>>, vector<128x128xf32>
    tpu.vector_store %arg2[%swap3A_157, %swap3A_158], %transpose3A_156 {strides = array<i32>} : memref<6400x128xf32, #tpu.memory_space<vmem>>, vector<128x128xf32>,
    %slice3A_160 = vector.extract_strided_slice %reshape3A {offsets = [0, 27, 0], sizes = [128, 1, 128], strides = [1, 1, 1]} : vector<128x50x128xf32> to vector<128x1x128xf32>
    %squeeze3A_161 = vector.shape_cast %slice3A_160 : vector<128x1x128xf32> to vector<128x128xf32>
    %transpose3A_162 = tpu.transpose %squeeze3A_161, [1, 0] : vector<128x128xf32> -> vector<128x128xf32>
    %swap3A_163 = arith.constant 3456 : index
    %swap3A_164 = arith.constant 0 : index
    %swap3A_165 = vector.load %arg2[%swap3A_163, %swap3A_164] : memref<6400x128xf32, #tpu.memory_space<vmem>>, vector<128x128xf32>
    tpu.vector_store %arg2[%swap3A_163, %swap3A_164], %transpose3A_162 {strides = array<i32>} : memref<6400x128xf32, #tpu.memory_space<vmem>>, vector<128x128xf32>,
    %slice3A_166 = vector.extract_strided_slice %reshape3A {offsets = [0, 28, 0], sizes = [128, 1, 128], strides = [1, 1, 1]} : vector<128x50x128xf32> to vector<128x1x128xf32>
    %squeeze3A_167 = vector.shape_cast %slice3A_166 : vector<128x1x128xf32> to vector<128x128xf32>
    %transpose3A_168 = tpu.transpose %squeeze3A_167, [1, 0] : vector<128x128xf32> -> vector<128x128xf32>
    %swap3A_169 = arith.constant 3584 : index
    %swap3A_170 = arith.constant 0 : index
    %swap3A_171 = vector.load %arg2[%swap3A_169, %swap3A_170] : memref<6400x128xf32, #tpu.memory_space<vmem>>, vector<128x128xf32>
    tpu.vector_store %arg2[%swap3A_169, %swap3A_170], %transpose3A_168 {strides = array<i32>} : memref<6400x128xf32, #tpu.memory_space<vmem>>, vector<128x128xf32>,
    %slice3A_172 = vector.extract_strided_slice %reshape3A {offsets = [0, 29, 0], sizes = [128, 1, 128], strides = [1, 1, 1]} : vector<128x50x128xf32> to vector<128x1x128xf32>
    %squeeze3A_173 = vector.shape_cast %slice3A_172 : vector<128x1x128xf32> to vector<128x128xf32>
    %transpose3A_174 = tpu.transpose %squeeze3A_173, [1, 0] : vector<128x128xf32> -> vector<128x128xf32>
    %swap3A_175 = arith.constant 3712 : index
    %swap3A_176 = arith.constant 0 : index
    %swap3A_177 = vector.load %arg2[%swap3A_175, %swap3A_176] : memref<6400x128xf32, #tpu.memory_space<vmem>>, vector<128x128xf32>
    tpu.vector_store %arg2[%swap3A_175, %swap3A_176], %transpose3A_174 {strides = array<i32>} : memref<6400x128xf32, #tpu.memory_space<vmem>>, vector<128x128xf32>,
    %slice3A_178 = vector.extract_strided_slice %reshape3A {offsets = [0, 30, 0], sizes = [128, 1, 128], strides = [1, 1, 1]} : vector<128x50x128xf32> to vector<128x1x128xf32>
    %squeeze3A_179 = vector.shape_cast %slice3A_178 : vector<128x1x128xf32> to vector<128x128xf32>
    %transpose3A_180 = tpu.transpose %squeeze3A_179, [1, 0] : vector<128x128xf32> -> vector<128x128xf32>
    %swap3A_181 = arith.constant 3840 : index
    %swap3A_182 = arith.constant 0 : index
    %swap3A_183 = vector.load %arg2[%swap3A_181, %swap3A_182] : memref<6400x128xf32, #tpu.memory_space<vmem>>, vector<128x128xf32>
    tpu.vector_store %arg2[%swap3A_181, %swap3A_182], %transpose3A_180 {strides = array<i32>} : memref<6400x128xf32, #tpu.memory_space<vmem>>, vector<128x128xf32>,
    %slice3A_184 = vector.extract_strided_slice %reshape3A {offsets = [0, 31, 0], sizes = [128, 1, 128], strides = [1, 1, 1]} : vector<128x50x128xf32> to vector<128x1x128xf32>
    %squeeze3A_185 = vector.shape_cast %slice3A_184 : vector<128x1x128xf32> to vector<128x128xf32>
    %transpose3A_186 = tpu.transpose %squeeze3A_185, [1, 0] : vector<128x128xf32> -> vector<128x128xf32>
    %swap3A_187 = arith.constant 3968 : index
    %swap3A_188 = arith.constant 0 : index
    %swap3A_189 = vector.load %arg2[%swap3A_187, %swap3A_188] : memref<6400x128xf32, #tpu.memory_space<vmem>>, vector<128x128xf32>
    tpu.vector_store %arg2[%swap3A_187, %swap3A_188], %transpose3A_186 {strides = array<i32>} : memref<6400x128xf32, #tpu.memory_space<vmem>>, vector<128x128xf32>,
    %slice3A_190 = vector.extract_strided_slice %reshape3A {offsets = [0, 32, 0], sizes = [128, 1, 128], strides = [1, 1, 1]} : vector<128x50x128xf32> to vector<128x1x128xf32>
    %squeeze3A_191 = vector.shape_cast %slice3A_190 : vector<128x1x128xf32> to vector<128x128xf32>
    %transpose3A_192 = tpu.transpose %squeeze3A_191, [1, 0] : vector<128x128xf32> -> vector<128x128xf32>
    %swap3A_193 = arith.constant 4096 : index
    %swap3A_194 = arith.constant 0 : index
    %swap3A_195 = vector.load %arg2[%swap3A_193, %swap3A_194] : memref<6400x128xf32, #tpu.memory_space<vmem>>, vector<128x128xf32>
    tpu.vector_store %arg2[%swap3A_193, %swap3A_194], %transpose3A_192 {strides = array<i32>} : memref<6400x128xf32, #tpu.memory_space<vmem>>, vector<128x128xf32>,
    %slice3A_196 = vector.extract_strided_slice %reshape3A {offsets = [0, 33, 0], sizes = [128, 1, 128], strides = [1, 1, 1]} : vector<128x50x128xf32> to vector<128x1x128xf32>
    %squeeze3A_197 = vector.shape_cast %slice3A_196 : vector<128x1x128xf32> to vector<128x128xf32>
    %transpose3A_198 = tpu.transpose %squeeze3A_197, [1, 0] : vector<128x128xf32> -> vector<128x128xf32>
    %swap3A_199 = arith.constant 4224 : index
    %swap3A_200 = arith.constant 0 : index
    %swap3A_201 = vector.load %arg2[%swap3A_199, %swap3A_200] : memref<6400x128xf32, #tpu.memory_space<vmem>>, vector<128x128xf32>
    tpu.vector_store %arg2[%swap3A_199, %swap3A_200], %transpose3A_198 {strides = array<i32>} : memref<6400x128xf32, #tpu.memory_space<vmem>>, vector<128x128xf32>,
    %slice3A_202 = vector.extract_strided_slice %reshape3A {offsets = [0, 34, 0], sizes = [128, 1, 128], strides = [1, 1, 1]} : vector<128x50x128xf32> to vector<128x1x128xf32>
    %squeeze3A_203 = vector.shape_cast %slice3A_202 : vector<128x1x128xf32> to vector<128x128xf32>
    %transpose3A_204 = tpu.transpose %squeeze3A_203, [1, 0] : vector<128x128xf32> -> vector<128x128xf32>
    %swap3A_205 = arith.constant 4352 : index
    %swap3A_206 = arith.constant 0 : index
    %swap3A_207 = vector.load %arg2[%swap3A_205, %swap3A_206] : memref<6400x128xf32, #tpu.memory_space<vmem>>, vector<128x128xf32>
    tpu.vector_store %arg2[%swap3A_205, %swap3A_206], %transpose3A_204 {strides = array<i32>} : memref<6400x128xf32, #tpu.memory_space<vmem>>, vector<128x128xf32>,
    %slice3A_208 = vector.extract_strided_slice %reshape3A {offsets = [0, 35, 0], sizes = [128, 1, 128], strides = [1, 1, 1]} : vector<128x50x128xf32> to vector<128x1x128xf32>
    %squeeze3A_209 = vector.shape_cast %slice3A_208 : vector<128x1x128xf32> to vector<128x128xf32>
    %transpose3A_210 = tpu.transpose %squeeze3A_209, [1, 0] : vector<128x128xf32> -> vector<128x128xf32>
    %swap3A_211 = arith.constant 4480 : index
    %swap3A_212 = arith.constant 0 : index
    %swap3A_213 = vector.load %arg2[%swap3A_211, %swap3A_212] : memref<6400x128xf32, #tpu.memory_space<vmem>>, vector<128x128xf32>
    tpu.vector_store %arg2[%swap3A_211, %swap3A_212], %transpose3A_210 {strides = array<i32>} : memref<6400x128xf32, #tpu.memory_space<vmem>>, vector<128x128xf32>,
    %slice3A_214 = vector.extract_strided_slice %reshape3A {offsets = [0, 36, 0], sizes = [128, 1, 128], strides = [1, 1, 1]} : vector<128x50x128xf32> to vector<128x1x128xf32>
    %squeeze3A_215 = vector.shape_cast %slice3A_214 : vector<128x1x128xf32> to vector<128x128xf32>
    %transpose3A_216 = tpu.transpose %squeeze3A_215, [1, 0] : vector<128x128xf32> -> vector<128x128xf32>
    %swap3A_217 = arith.constant 4608 : index
    %swap3A_218 = arith.constant 0 : index
    %swap3A_219 = vector.load %arg2[%swap3A_217, %swap3A_218] : memref<6400x128xf32, #tpu.memory_space<vmem>>, vector<128x128xf32>
    tpu.vector_store %arg2[%swap3A_217, %swap3A_218], %transpose3A_216 {strides = array<i32>} : memref<6400x128xf32, #tpu.memory_space<vmem>>, vector<128x128xf32>,
    %slice3A_220 = vector.extract_strided_slice %reshape3A {offsets = [0, 37, 0], sizes = [128, 1, 128], strides = [1, 1, 1]} : vector<128x50x128xf32> to vector<128x1x128xf32>
    %squeeze3A_221 = vector.shape_cast %slice3A_220 : vector<128x1x128xf32> to vector<128x128xf32>
    %transpose3A_222 = tpu.transpose %squeeze3A_221, [1, 0] : vector<128x128xf32> -> vector<128x128xf32>
    %swap3A_223 = arith.constant 4736 : index
    %swap3A_224 = arith.constant 0 : index
    %swap3A_225 = vector.load %arg2[%swap3A_223, %swap3A_224] : memref<6400x128xf32, #tpu.memory_space<vmem>>, vector<128x128xf32>
    tpu.vector_store %arg2[%swap3A_223, %swap3A_224], %transpose3A_222 {strides = array<i32>} : memref<6400x128xf32, #tpu.memory_space<vmem>>, vector<128x128xf32>,
    %slice3A_226 = vector.extract_strided_slice %reshape3A {offsets = [0, 38, 0], sizes = [128, 1, 128], strides = [1, 1, 1]} : vector<128x50x128xf32> to vector<128x1x128xf32>
    %squeeze3A_227 = vector.shape_cast %slice3A_226 : vector<128x1x128xf32> to vector<128x128xf32>
    %transpose3A_228 = tpu.transpose %squeeze3A_227, [1, 0] : vector<128x128xf32> -> vector<128x128xf32>
    %swap3A_229 = arith.constant 4864 : index
    %swap3A_230 = arith.constant 0 : index
    %swap3A_231 = vector.load %arg2[%swap3A_229, %swap3A_230] : memref<6400x128xf32, #tpu.memory_space<vmem>>, vector<128x128xf32>
    tpu.vector_store %arg2[%swap3A_229, %swap3A_230], %transpose3A_228 {strides = array<i32>} : memref<6400x128xf32, #tpu.memory_space<vmem>>, vector<128x128xf32>,
    %slice3A_232 = vector.extract_strided_slice %reshape3A {offsets = [0, 39, 0], sizes = [128, 1, 128], strides = [1, 1, 1]} : vector<128x50x128xf32> to vector<128x1x128xf32>
    %squeeze3A_233 = vector.shape_cast %slice3A_232 : vector<128x1x128xf32> to vector<128x128xf32>
    %transpose3A_234 = tpu.transpose %squeeze3A_233, [1, 0] : vector<128x128xf32> -> vector<128x128xf32>
    %swap3A_235 = arith.constant 4992 : index
    %swap3A_236 = arith.constant 0 : index
    %swap3A_237 = vector.load %arg2[%swap3A_235, %swap3A_236] : memref<6400x128xf32, #tpu.memory_space<vmem>>, vector<128x128xf32>
    tpu.vector_store %arg2[%swap3A_235, %swap3A_236], %transpose3A_234 {strides = array<i32>} : memref<6400x128xf32, #tpu.memory_space<vmem>>, vector<128x128xf32>,
    %slice3A_238 = vector.extract_strided_slice %reshape3A {offsets = [0, 40, 0], sizes = [128, 1, 128], strides = [1, 1, 1]} : vector<128x50x128xf32> to vector<128x1x128xf32>
    %squeeze3A_239 = vector.shape_cast %slice3A_238 : vector<128x1x128xf32> to vector<128x128xf32>
    %transpose3A_240 = tpu.transpose %squeeze3A_239, [1, 0] : vector<128x128xf32> -> vector<128x128xf32>
    %swap3A_241 = arith.constant 5120 : index
    %swap3A_242 = arith.constant 0 : index
    %swap3A_243 = vector.load %arg2[%swap3A_241, %swap3A_242] : memref<6400x128xf32, #tpu.memory_space<vmem>>, vector<128x128xf32>
    tpu.vector_store %arg2[%swap3A_241, %swap3A_242], %transpose3A_240 {strides = array<i32>} : memref<6400x128xf32, #tpu.memory_space<vmem>>, vector<128x128xf32>,
    %slice3A_244 = vector.extract_strided_slice %reshape3A {offsets = [0, 41, 0], sizes = [128, 1, 128], strides = [1, 1, 1]} : vector<128x50x128xf32> to vector<128x1x128xf32>
    %squeeze3A_245 = vector.shape_cast %slice3A_244 : vector<128x1x128xf32> to vector<128x128xf32>
    %transpose3A_246 = tpu.transpose %squeeze3A_245, [1, 0] : vector<128x128xf32> -> vector<128x128xf32>
    %swap3A_247 = arith.constant 5248 : index
    %swap3A_248 = arith.constant 0 : index
    %swap3A_249 = vector.load %arg2[%swap3A_247, %swap3A_248] : memref<6400x128xf32, #tpu.memory_space<vmem>>, vector<128x128xf32>
    tpu.vector_store %arg2[%swap3A_247, %swap3A_248], %transpose3A_246 {strides = array<i32>} : memref<6400x128xf32, #tpu.memory_space<vmem>>, vector<128x128xf32>,
    %slice3A_250 = vector.extract_strided_slice %reshape3A {offsets = [0, 42, 0], sizes = [128, 1, 128], strides = [1, 1, 1]} : vector<128x50x128xf32> to vector<128x1x128xf32>
    %squeeze3A_251 = vector.shape_cast %slice3A_250 : vector<128x1x128xf32> to vector<128x128xf32>
    %transpose3A_252 = tpu.transpose %squeeze3A_251, [1, 0] : vector<128x128xf32> -> vector<128x128xf32>
    %swap3A_253 = arith.constant 5376 : index
    %swap3A_254 = arith.constant 0 : index
    %swap3A_255 = vector.load %arg2[%swap3A_253, %swap3A_254] : memref<6400x128xf32, #tpu.memory_space<vmem>>, vector<128x128xf32>
    tpu.vector_store %arg2[%swap3A_253, %swap3A_254], %transpose3A_252 {strides = array<i32>} : memref<6400x128xf32, #tpu.memory_space<vmem>>, vector<128x128xf32>,
    %slice3A_256 = vector.extract_strided_slice %reshape3A {offsets = [0, 43, 0], sizes = [128, 1, 128], strides = [1, 1, 1]} : vector<128x50x128xf32> to vector<128x1x128xf32>
    %squeeze3A_257 = vector.shape_cast %slice3A_256 : vector<128x1x128xf32> to vector<128x128xf32>
    %transpose3A_258 = tpu.transpose %squeeze3A_257, [1, 0] : vector<128x128xf32> -> vector<128x128xf32>
    %swap3A_259 = arith.constant 5504 : index
    %swap3A_260 = arith.constant 0 : index
    %swap3A_261 = vector.load %arg2[%swap3A_259, %swap3A_260] : memref<6400x128xf32, #tpu.memory_space<vmem>>, vector<128x128xf32>
    tpu.vector_store %arg2[%swap3A_259, %swap3A_260], %transpose3A_258 {strides = array<i32>} : memref<6400x128xf32, #tpu.memory_space<vmem>>, vector<128x128xf32>,
    %slice3A_262 = vector.extract_strided_slice %reshape3A {offsets = [0, 44, 0], sizes = [128, 1, 128], strides = [1, 1, 1]} : vector<128x50x128xf32> to vector<128x1x128xf32>
    %squeeze3A_263 = vector.shape_cast %slice3A_262 : vector<128x1x128xf32> to vector<128x128xf32>
    %transpose3A_264 = tpu.transpose %squeeze3A_263, [1, 0] : vector<128x128xf32> -> vector<128x128xf32>
    %swap3A_265 = arith.constant 5632 : index
    %swap3A_266 = arith.constant 0 : index
    %swap3A_267 = vector.load %arg2[%swap3A_265, %swap3A_266] : memref<6400x128xf32, #tpu.memory_space<vmem>>, vector<128x128xf32>
    tpu.vector_store %arg2[%swap3A_265, %swap3A_266], %transpose3A_264 {strides = array<i32>} : memref<6400x128xf32, #tpu.memory_space<vmem>>, vector<128x128xf32>,
    %slice3A_268 = vector.extract_strided_slice %reshape3A {offsets = [0, 45, 0], sizes = [128, 1, 128], strides = [1, 1, 1]} : vector<128x50x128xf32> to vector<128x1x128xf32>
    %squeeze3A_269 = vector.shape_cast %slice3A_268 : vector<128x1x128xf32> to vector<128x128xf32>
    %transpose3A_270 = tpu.transpose %squeeze3A_269, [1, 0] : vector<128x128xf32> -> vector<128x128xf32>
    %swap3A_271 = arith.constant 5760 : index
    %swap3A_272 = arith.constant 0 : index
    %swap3A_273 = vector.load %arg2[%swap3A_271, %swap3A_272] : memref<6400x128xf32, #tpu.memory_space<vmem>>, vector<128x128xf32>
    tpu.vector_store %arg2[%swap3A_271, %swap3A_272], %transpose3A_270 {strides = array<i32>} : memref<6400x128xf32, #tpu.memory_space<vmem>>, vector<128x128xf32>,
    %slice3A_274 = vector.extract_strided_slice %reshape3A {offsets = [0, 46, 0], sizes = [128, 1, 128], strides = [1, 1, 1]} : vector<128x50x128xf32> to vector<128x1x128xf32>
    %squeeze3A_275 = vector.shape_cast %slice3A_274 : vector<128x1x128xf32> to vector<128x128xf32>
    %transpose3A_276 = tpu.transpose %squeeze3A_275, [1, 0] : vector<128x128xf32> -> vector<128x128xf32>
    %swap3A_277 = arith.constant 5888 : index
    %swap3A_278 = arith.constant 0 : index
    %swap3A_279 = vector.load %arg2[%swap3A_277, %swap3A_278] : memref<6400x128xf32, #tpu.memory_space<vmem>>, vector<128x128xf32>
    tpu.vector_store %arg2[%swap3A_277, %swap3A_278], %transpose3A_276 {strides = array<i32>} : memref<6400x128xf32, #tpu.memory_space<vmem>>, vector<128x128xf32>,
    %slice3A_280 = vector.extract_strided_slice %reshape3A {offsets = [0, 47, 0], sizes = [128, 1, 128], strides = [1, 1, 1]} : vector<128x50x128xf32> to vector<128x1x128xf32>
    %squeeze3A_281 = vector.shape_cast %slice3A_280 : vector<128x1x128xf32> to vector<128x128xf32>
    %transpose3A_282 = tpu.transpose %squeeze3A_281, [1, 0] : vector<128x128xf32> -> vector<128x128xf32>
    %swap3A_283 = arith.constant 6016 : index
    %swap3A_284 = arith.constant 0 : index
    %swap3A_285 = vector.load %arg2[%swap3A_283, %swap3A_284] : memref<6400x128xf32, #tpu.memory_space<vmem>>, vector<128x128xf32>
    tpu.vector_store %arg2[%swap3A_283, %swap3A_284], %transpose3A_282 {strides = array<i32>} : memref<6400x128xf32, #tpu.memory_space<vmem>>, vector<128x128xf32>,
    %slice3A_286 = vector.extract_strided_slice %reshape3A {offsets = [0, 48, 0], sizes = [128, 1, 128], strides = [1, 1, 1]} : vector<128x50x128xf32> to vector<128x1x128xf32>
    %squeeze3A_287 = vector.shape_cast %slice3A_286 : vector<128x1x128xf32> to vector<128x128xf32>
    %transpose3A_288 = tpu.transpose %squeeze3A_287, [1, 0] : vector<128x128xf32> -> vector<128x128xf32>
    %swap3A_289 = arith.constant 6144 : index
    %swap3A_290 = arith.constant 0 : index
    %swap3A_291 = vector.load %arg2[%swap3A_289, %swap3A_290] : memref<6400x128xf32, #tpu.memory_space<vmem>>, vector<128x128xf32>
    tpu.vector_store %arg2[%swap3A_289, %swap3A_290], %transpose3A_288 {strides = array<i32>} : memref<6400x128xf32, #tpu.memory_space<vmem>>, vector<128x128xf32>,
    %slice3A_292 = vector.extract_strided_slice %reshape3A {offsets = [0, 49, 0], sizes = [128, 1, 128], strides = [1, 1, 1]} : vector<128x50x128xf32> to vector<128x1x128xf32>
    %squeeze3A_293 = vector.shape_cast %slice3A_292 : vector<128x1x128xf32> to vector<128x128xf32>
    %transpose3A_294 = tpu.transpose %squeeze3A_293, [1, 0] : vector<128x128xf32> -> vector<128x128xf32>
    %swap3A_295 = arith.constant 6272 : index
    %swap3A_296 = arith.constant 0 : index
    %swap3A_297 = vector.load %arg2[%swap3A_295, %swap3A_296] : memref<6400x128xf32, #tpu.memory_space<vmem>>, vector<128x128xf32>
    tpu.vector_store %arg2[%swap3A_295, %swap3A_296], %transpose3A_294 {strides = array<i32>} : memref<6400x128xf32, #tpu.memory_space<vmem>>, vector<128x128xf32>,
    return
  }
  func.func @transform_0(%arg0: i32) -> (i32, i32) {
    %c0_i32 = arith.constant 0 : i32
    %c0_i32_0 = arith.constant 0 : i32
    return %arg0, %c0_i32 : i32, i32
  }
  func.func @transform_1(%arg0: i32) -> (i32, i32) {
    %c0_i32 = arith.constant 0 : i32
    %c0_i32_0 = arith.constant 0 : i32
    return %c0_i32, %arg0 : i32, i32
  }
}

</mosaic_0001>

<sc_bundles>
// kernel: kernel.6.cloned.1.call-start
scs
__scs_entry_jumppad:
0x0: {  	(pc) =	sbr.rel $0x88, $3  }
0x1: {  	(tag) =	ssettag $0x0;
	lr =	simm.s32 $0x1  }
0x2: {  	[smem:$0x3F9F] =	sst lr;
	_ =	strace $0xD0000000  }
0x3: {  	_ = 	snop  }
0x4: {  	_ = 	snop  }
0x5: {  	_ = 	snop  }
0x6: {  	_ = 	snop  }
0x7: {  	_ = 	snop  }
__scs_overlays_trampoline_lowered:
0x8: {  	[smem:$0x3FAE] =	sst s0  }
0x9: {  	[smem:$0x3FAF] =	sst s1  }
0xa: {  	[smem:$0x3FB0] =	sst s2  }
0xb: {  	[smem:$0x3FB1] =	sst s3  }
0xc: {  	[smem:$0x3FB2] =	sst s4  }
0xd: {  	[smem:$0x3FB3] =	sst s5  }
0xe: {  	[smem:$0x3FB4] =	sst s6  }
0xf: {  	[smem:$0x3FB5] =	sst s7  }
0x10: {  	[smem:$0x3FB6] =	sst s8  }
0x11: {  	[smem:$0x3FB7] =	sst s9;
	s0 =	simm.s32 @!p0 $0x0  }
0x12: {  	s1 =	sld [smem:$0x3F9D];
	s0 =	simm.s32 @p0 $0x1  }
0x13: {  	[smem:$0x3FB8] =	sst s0;
	s0 =	simm.s32 @!p1 $0x0  }
0x14: {  	s2 =	sld [smem:$0x3F9C];
	s0 =	simm.s32 @p1 $0x1  }
0x15: {  	[smem:$0x3FB9] =	sst s0;
	s0 =	simm.s32 @!p2 $0x0  }
0x16: {  	s3 =	sld [smem:$0x3FDB];
	s0 =	simm.s32 @p2 $0x1  }
0x17: {  	s4 =	simm.s32 $0x1BF5;
	[smem:$0x3FBB] =	sst s0  }
0x18: {  	s0 =	sld [smem:$0x3F9E];
	_ =	swait.ge [sflag:s4], $0x0  }
0x19: {  	s7 =	sld [smem:$0x3F9F]  }
0x1a: {  	s8 =	sadd.s32 $0xFFFFE003, lr  }
0x1b: {  	s9 =	sadd.s32 $0xFFFFFEF7, lr;
	s5 =	simm.s32 $0xFFFFFFFF;
	p2 =	slt.u32 s8, $0xFFFFF086  }
0x1c: {  	p1 =	slt.u32 s9, $0xF7A;
	s5 =	simm.s32 @!p2 $0x0  }
0x1d: {  	s5 =	simm.s32 @p1 $0x1;
	p0 =	seq.s32 s7, s2  }
0x1e: {  	s7 =	smul.u32 @!p0 $0xF7A, s2;
	p2 =	seq.s32 @!p0 s5, $0x0  }
0x1f: {  	s9 =	smul.u32 $0xF7A, s1;
	s8 =	simm.s32 @!p0 $0x1BF5;
	p2 =	por !p2, p0  }
0x20: {  	[sflag:s8] =	ssyncset.s32 @!p0 $0xFFFFF086;
	s6 =	sadd.s32 @!p0 s3, s7;
	s7 =	simm.s32 @!p0 $0x108  }
0x21: {  	s3 =	sadd.s32 s3, s9;
	s6 =	sadd.s32 @!p0 $0x88, s6;
	s7 =	simm.s32 @p2 $0x1082  }
0x22: {  	[simem:s7], [sflag:s8] =	dma.local @!p0 [hbm:s6], $0xF7A  }
0x23: {  	s9 =	sor.u32 $0xD0000000, s2;
	s6 =	simm.s32 $0x108;
	_ =	swait.ge @!p0 [sflag:s8], $0x0  }
0x24: {  	s3 =	sadd.s32 $0x88, s3;
	s6 =	simm.s32 @!p1 $0x1082;
	[sflag:s4] =	ssyncset.s32 $0xFFFFF086  }
0x25: {  	[simem:s6], [sflag:s4] =	dma.local [hbm:s3], $0xF7A  }
0x26: {  	[smem:$0x3F9F] =	sst s1;
	(tag) =	ssettag s2;
	_ =	strace s9  }
0x27: {  	s1 =	sld [smem:$0x3FAF]  }
0x28: {  	s2 =	sld [smem:$0x3FB0]  }
0x29: {  	s4 =	sld [smem:$0x3FB2]  }
0x2a: {  	p0 =	seq.s32 s5, $0x0;
	s5 =	sld [smem:$0x3FB3]  }
0x2b: {  	s6 =	sld [smem:$0x3FB4]  }
0x2c: {  	s7 =	sld [smem:$0x3FB5]  }
0x2d: {  	s3 =	simm.s32 $0x108;
	s8 =	sld [smem:$0x3FB6]  }
0x2e: {  	s3 =	simm.s32 @!p0 $0x1082;
	s9 =	sld [smem:$0x3FB7]  }
0x2f: {  	lr =	sadd.s32 s0, s3;
	s0 =	sld [smem:$0x3FAE]  }
0x30: {  	s3 =	sld [smem:$0x3FB1]  }
0x31: {  	[smem:$0x3FBA] =	sst s10  }
0x32: {  	s10 =	sld [smem:$0x3FB8];
	_ =	sdelay $0x3  }
0x33: {  	p0 =	seq.s32 s10, $0x1;
	s10 =	sld [smem:$0x3FBA];
	_ =	sdelay $0x3  }
0x34: {  	[smem:$0x3FBA] =	sst s10  }
0x35: {  	s10 =	sld [smem:$0x3FB9];
	_ =	sdelay $0x3  }
0x36: {  	p1 =	seq.s32 s10, $0x1;
	s10 =	sld [smem:$0x3FBA];
	_ =	sdelay $0x3  }
0x37: {  	[smem:$0x3FBA] =	sst s10  }
0x38: {  	s10 =	sld [smem:$0x3FBB]  }
0x39: {  	_ = 	snop;
	(pc) =	sbr.ind lr, $3  }
0x3a: {  	_ = 	snop  }
0x3b: {  	_ = 	snop  }
0x3c: {  	p2 =	seq.s32 s10, $0x1;
	s10 =	sld [smem:$0x3FBA]  }
0x3d: {  	_ =	shalt  }
0x3e: {  	_ =	shalt  }
0x3f: {  	_ =	shalt  }
0x40: {  	_ =	shalt  }
0x41: {  	_ =	shalt  }
0x42: {  	_ =	shalt  }
0x43: {  	_ =	shalt  }
0x44: {  	_ =	shalt  }
0x45: {  	_ =	shalt  }
0x46: {  	_ =	shalt  }
0x47: {  	_ =	shalt  }
0x48: {  	_ =	shalt  }
0x49: {  	_ =	shalt  }
0x4a: {  	_ =	shalt  }
0x4b: {  	_ =	shalt  }
0x4c: {  	_ =	shalt  }
0x4d: {  	_ =	shalt  }
0x4e: {  	_ =	shalt  }
0x4f: {  	_ =	shalt  }
0x50: {  	_ =	shalt  }
0x51: {  	_ =	shalt  }
0x52: {  	_ =	shalt  }
0x53: {  	_ =	shalt  }
0x54: {  	_ =	shalt  }
0x55: {  	_ =	shalt  }
0x56: {  	_ =	shalt  }
0x57: {  	_ =	shalt  }
0x58: {  	_ =	shalt  }
0x59: {  	_ =	shalt  }
0x5a: {  	_ =	shalt  }
0x5b: {  	_ =	shalt  }
0x5c: {  	_ =	shalt  }
0x5d: {  	_ =	shalt  }
0x5e: {  	_ =	shalt  }
0x5f: {  	_ =	shalt  }
0x60: {  	_ =	shalt  }
0x61: {  	_ =	shalt  }
0x62: {  	_ =	shalt  }
0x63: {  	_ =	shalt  }
0x64: {  	_ =	shalt  }
0x65: {  	_ =	shalt  }
0x66: {  	_ =	shalt  }
0x67: {  	_ =	shalt  }
0x68: {  	_ =	shalt  }
0x69: {  	_ =	shalt  }
0x6a: {  	_ =	shalt  }
0x6b: {  	_ =	shalt  }
0x6c: {  	_ =	shalt  }
0x6d: {  	_ =	shalt  }
0x6e: {  	_ =	shalt  }
0x6f: {  	_ =	shalt  }
0x70: {  	_ =	shalt  }
0x71: {  	_ =	shalt  }
0x72: {  	_ =	shalt  }
0x73: {  	_ =	shalt  }
0x74: {  	_ =	shalt  }
0x75: {  	_ =	shalt  }
0x76: {  	_ =	shalt  }
0x77: {  	_ =	shalt  }
0x78: {  	_ =	shalt  }
0x79: {  	_ =	shalt  }
0x7a: {  	_ =	shalt  }
0x7b: {  	_ =	shalt  }
0x7c: {  	_ =	shalt  }
0x7d: {  	_ =	shalt  }
0x7e: {  	_ =	shalt  }
0x7f: {  	_ =	shalt  }
0x80: {  	_ =	shalt  }
0x81: {  	_ =	shalt  }
0x82: {  	_ =	shalt  }
0x83: {  	_ =	shalt  }
0x84: {  	_ =	shalt  }
0x85: {  	_ =	shalt  }
0x86: {  	_ =	shalt  }
0x87: {  	_ =	shalt  }
.Lfunc_end0:
.L_simem_size_0:
called_computation_lowered:
.L_overlay_start_0:
0x88: {  	s2 =	sld [smem:$0x3FD9]  }
0x89: {  	s3 =	sld [smem:$0x3FFE];
	_ =	sdelay $0x1  }
0x8a: {  	s1 =	srdreg.scid  }
0x8b: {  	s0 =	sand.u32 $0x1, s1  }
0x8c: {  	s17 =	sshll.u32 s0, $0xA;
	s2 =	sadd.s32 s3, s2  }
0x8d: {  	s2 =	sadd.s32 s2, s17  }
0x8e: {  	[smem:$0x3FC6] =	sst s2  }
0x8f: {  	_ = 	snop  }
0x90: {  	s2 =	sld [smem:$0x3FD0];
	(tm) =	ssettm $0x1  }
0x91: {  	s18 =	sld [smem:$0x3FFB];
	_ =	sdelay $0x3  }
0x92: {  	_ =	strace s18  }
0x93: {  	s3 =	sld [smem:$0x3FFC];
	_ =	sdelay $0x3  }
0x94: {  	_ =	strace s3  }
0x95: {  	s3 =	sld [smem:$0x3FFD];
	_ =	sdelay $0x3  }
0x96: {  	_ =	strace s3  }
0x97: {  	_ =	strace $0x8FFFFFFF  }
0x98: {  	s19 =	sld [smem:$0x3FDB];
	_ =	sdelay $0x1  }
0x99: {  	s4 =	simm.s32 $_scs_section_size  }
0x9a: {  	s5 =	simm.s32 $_size__tile_overlayer_lowered;
	s6 =	simm.s32 $_tile_overlayer_lowered  }
0x9b: {  	s22 =	simm.s32 $0x1BFF;
	s21 =	sshll.u32 s6, $0x1;
	s3 =	sadd.s32 s4, s19  }
0x9c: {  	s7 =	simm.s32 $0x0;
	s20 =	sshll.u32 s5, $0x1;
	s5 =	sadd.s32 s21, s3  }
0x9d: {  	[timem:s7], [sflag:s22] =	dma.local [hbm:s5], s20  }
0x9e: {  	_ =	swait.ge [sflag:s22], s20  }
0x9f: {  	s4 =	ssub.s32 $0x0, s20;
	[sflag:s22] =	ssyncset.done $0x0  }
0xa0: {  	[sflag:s22] =	ssyncadd.s32 s4;
	_ =	sdelay $0x1  }
0xa1: {  	s23 =	simm.s32 $0x1B8B  }
0xa2: {  	_ =	swait.ge [sflag:s23], $0x1  }
0xa3: {  	[sflag:s23] =	ssyncset.done $0x0  }
0xa4: {  	s25 =	simm.s32 $0x1B8E;
	s24 =	sld [smem:$0x3FFE];
	[sflag:s23] =	ssyncadd.s32 $0xFFFFFFFF  }
0xa5: {  	s26 =	simm.s32 $execute0_lowered;
	[smem:$0x3FD2] =	sst s25  }
0xa6: {  	s5 =	sshll.u32 s26, $0x1;
	_ =	strace $0x80000046;
	[dreg:$0x1] =	wrdreg $0xFFFFFFFF  }
0xa7: {  	s28 =	simm.s32 $_size_execute0_lowered;
	s3 =	sadd.s32 s3, s5;
	[dreg:$0x0] =	wrdreg $0x0  }
0xa8: {  	s5 =	sshll.u32 s28, $0x1;
	[dreg:$0x2] =	wrdreg s3  }
0xa9: {  	[dreg:$0x3] =	wrdreg s5  }
0xaa: {  	[dreg:$0x4] =	wrdreg $0xC0  }
0xab: {  	_ =	task [dreg:s7], $0x5FFFF  }
0xac: {  	[dreg:$0x1] =	wrdreg $0xFFFFFFFF  }
0xad: {  	[dreg:$0x0] =	wrdreg $0x60  }
0xae: {  	[dreg:$0x2] =	wrdreg s24  }
0xaf: {  	[dreg:$0x3] =	wrdreg s2  }
0xb0: {  	[dreg:$0x4] =	wrdreg $0x9  }
0xb1: {  	_ =	task.clear_ibuf [dreg:s7], $0x5FFFF;
	_ =	strace $0x90000046  }
0xb2: {  	s29 =	simm.s32 $0x9;
	_ =	strace $0x80000048  }
0xb3: {  	_ =	swait.ge [sflag:s29], $0x1  }
0xb4: {  	[sflag:s29] =	ssyncadd.s32 $0xFFFFFFFF  }
0xb5: {  	_ =	strace $0x90000048  }
0xb6: {  	_ =	sfence  }
0xb7: {  	s30 =	sld [smem:$0x0];
	_ =	sdelay $0x2  }
0xb8: {  	s31 =	sshll.u32 s1, $0xD;
	s1 =	sshrl.u32 s1, $0x2  }
0xb9: {  	s3 =	sand.u32 $0x4000, s31;
	s1 =	sadd.s32 s1, s30  }
0xba: {  	s0 =	sor.u32 s3, s0;
	s1 =	sshll.u32 s1, $0x11  }
0xbb: {  	s0 =	sor.u32 s1, s0  }
0xbc: {  	s0 =	sadd.s32 $0x8F2B, s0  }
0xbd: {  	[sflag:s0] =	ssyncadd.remote.s32 $0x1  }
0xbe: {  	_ =	sfence.sel $0xFFFF  }
0xbf: {  	[dreg:$0x0] =	wrdreg $0xFFFFFFFF;
	(pc) =	sbr.abs _section_cstart, $3  }
0xc0: {  	[dreg:$0x1] =	wrdreg $0xFFFFFFFF  }
0xc1: {  	_ =	task.clear_ibuf [dreg:s7], $0x2FFFF;
	_ =	strace $0x9FFFFFFF  }
0xc2: {  	(tm) =	ssettm $0x7FFFFFFF  }
0xc3: {  	_ =	shalt  }
tec
execute0_lowered:
.L_overlay_start_1:
0x0: {  	(tag) =	ssettag $0x1  }
0x1: {  	s5 =	rddreg [dreg:$0x0]  }
0x2: {  	s0 =	srdreg.scid;
	s2 =	rddreg [dreg:$0x1]  }
0x3: {  	s1 =	stileid.u32;
	s3 =	simm.s32 $0x0;
	s16 =	simm.s32 $0xC80  }
0x4: {  	s17 =	simm.s32 $0x2;
	s18 =	simm.s32 $0xD480;
	s19 =	simm.s32 $0x3  }
0x5: {  	s20 =	simm.s32 $0x4;
	s21 =	simm.s32 $0x5;
	s22 =	simm.s32 $0x6  }
0x6: {  	s6 =	sand.u32 $0x1, s0;
	s0 =	rddreg [dreg:$0x2];
	s11 =	smul.u32 $0x19000, s1  }
0x7: {  	s23 =	simm.s32 $0x0;
	[smem:$0x7FF] =	sst s3;
	s15 =	smul.u32 $0x6400, s1  }
0x8: {  	s12 =	sadd.s32 $0x3D1400, s5;
	s4 =	sshll.u32 s6, $0x4;
	s25 =	smul.u32 $0x190000, s6  }
0x9: {  	s7 =	ssub.s32 $0x2, s6;
	s14 =	smul.u32 $0x64000, s6;
	s4 =	sor.u32 s1, s4  }
0xa: {  	_ =	strace $0x80000047;
	s9 =	sshrl.u32 s7, $0x1;
	s8 =	smul.u32 $0x6400, s4  }
0xb: {  	s10 =	smul.u32 $0x19000, s4;
	s4 =	sadd.s32 $0x400, s5;
	s7 =	ssub.s32 s7, s9  }
0xc: {  	s9 =	sadd.s32 s25, s12;
	s30 =	sadd.s32 s15, s14;
	s15 =	simm.s32 $0x1  }
0xd: {  	s5 =	smax.u32 s7, $0x1;
	s11 =	sadd.s32 s11, s9;
	s14 =	sadd.s32 $0x12C0, s30  }
0xe: {  	s26 =	sshrl.u32 s8, $0x3;
	s13 =	sadd.s32 $0x640, s8;
	s8 =	sadd.s32 s12, s10  }
0xf: {  	s10 =	sadd.s32 $0x3200, s11;
	s11 =	sadd.s32 $0xC80, s30;
	s31 =	sshll.u32 s14, $0x2  }
0x10: {  	s14 =	sshrl.u32 s14, $0x3;
	s6 =	sadd.s32 s2, s26;
	s28 =	sshrl.u32 s13, $0x3  }
0x11: {  	s29 =	sshll.u32 s13, $0x2;
	s13 =	sadd.s32 s14, s2;
	s14 =	simm.s32 $0x640  }
0x12: {  	s7 =	sadd.s32 s2, s28;
	s9 =	sadd.s32 s12, s29;
	s12 =	sadd.s32 s31, s12  }
.LBB2_1:
0x13: {  	[tilespmem:s3], [sflag:$0x1] =	stream.linear.gather [hbm4b:s6+s3], $0x640, $0x38;
	[tilespmem:$0x19C80] =	vst v63  }
0x14: {  	_ = 	snop  }
0x15: {  	[tilespmem:s14], [sflag:$0x2] =	stream.linear.gather [hbm4b:s7+s3], $0x640, $0x38;
	[tilespmem:$0x19C80] =	vst v63  }
0x16: {  	_ =	swait.ge [sflag:s15], $0x640  }
0x17: {  	[sflag:s15] =	ssyncset.done $0x0  }
0x18: {  	[sflag:s15] =	ssyncadd.s32 $0xFFFFF9C0  }
0x19: {  	[tilespmem:s16], [sflag:$0x3] =	stream.indirect.gather [hbm4b:s4+s14], $0x20, s3, s14, $0xb8;
	[tilespmem:$0x19C80] =	vst v63  }
0x1a: {  	_ =	swait.ge [sflag:s17], $0x640  }
0x1b: {  	[sflag:s17] =	ssyncset.done $0x0  }
0x1c: {  	[sflag:s17] =	ssyncadd.s32 $0xFFFFF9C0  }
0x1d: {  	[tilespmem:s18], [sflag:$0x4] =	stream.indirect.gather [hbm4b:s4+s14], $0x20, s14, s14, $0xb8;
	[tilespmem:$0x19C80] =	vst v63  }
0x1e: {  	_ =	swait.ge [sflag:s19], $0xC800  }
0x1f: {  	[sflag:s19] =	ssyncset.done $0x0  }
0x20: {  	[sflag:s19] =	ssyncadd.s32 $0xFFFF3800  }
0x21: {  	[hbm4b:s8+s3] =	stream.linear.scatter [tilespmem:s16], [sflag:$0x5], $0xC800, $0x38;
	[tilespmem:$0x19C80] =	vst v63  }
0x22: {  	_ =	swait.ge [sflag:s20], $0xC800  }
0x23: {  	[sflag:s20] =	ssyncset.done $0x0  }
0x24: {  	s24 =	sshrl.u32 s11, $0x3;
	[sflag:s20] =	ssyncadd.s32 $0xFFFF3800  }
0x25: {  	[hbm4b:s9+s3] =	stream.linear.scatter [tilespmem:s18], [sflag:$0x6], $0xC800, $0x38;
	[tilespmem:$0x19C80] =	vst v63  }
0x26: {  	s24 =	sadd.s32 s2, s24  }
0x27: {  	[tilespmem:s3], [sflag:$0x1] =	stream.linear.gather [hbm4b:s24+s3], $0x640, $0x38;
	[tilespmem:$0x19C80] =	vst v63  }
0x28: {  	_ = 	snop  }
0x29: {  	[tilespmem:s14], [sflag:$0x2] =	stream.linear.gather [hbm4b:s13+s3], $0x640, $0x38;
	[tilespmem:$0x19C80] =	vst v63  }
0x2a: {  	_ =	swait.ge [sflag:s15], $0x640  }
0x2b: {  	[sflag:s15] =	ssyncset.done $0x0  }
0x2c: {  	[sflag:s15] =	ssyncadd.s32 $0xFFFFF9C0  }
0x2d: {  	_ =	swait.ge [sflag:s21], $0xC800  }
0x2e: {  	[sflag:s21] =	ssyncset.done $0x0  }
0x2f: {  	[sflag:s21] =	ssyncadd.s32 $0xFFFF3800  }
0x30: {  	[tilespmem:s16], [sflag:$0x3] =	stream.indirect.gather [hbm4b:s4+s14], $0x20, s3, s14, $0xb8;
	[tilespmem:$0x19C80] =	vst v63  }
0x31: {  	_ =	swait.ge [sflag:s17], $0x640  }
0x32: {  	[sflag:s17] =	ssyncset.done $0x0  }
0x33: {  	[sflag:s17] =	ssyncadd.s32 $0xFFFFF9C0  }
0x34: {  	_ =	swait.ge [sflag:s22], $0xC800  }
0x35: {  	[sflag:s22] =	ssyncset.done $0x0  }
0x36: {  	[sflag:s22] =	ssyncadd.s32 $0xFFFF3800  }
0x37: {  	[tilespmem:s18], [sflag:$0x4] =	stream.indirect.gather [hbm4b:s4+s14], $0x20, s14, s14, $0xb8;
	[tilespmem:$0x19C80] =	vst v63  }
0x38: {  	_ =	swait.ge [sflag:s19], $0xC800  }
0x39: {  	[sflag:s19] =	ssyncset.done $0x0  }
0x3a: {  	s29 =	sadd.s32 $0xC80, s11;
	s31 =	sadd.s32 $0x0, s10;
	[sflag:s19] =	ssyncadd.s32 $0xFFFF3800  }
0x3b: {  	[hbm4b:s31+s3] =	stream.linear.scatter [tilespmem:s16], [sflag:$0x5], $0xC800, $0x38;
	[tilespmem:$0x19C80] =	vst v63  }
0x3c: {  	s28 =	simm.s32 $0x6400;
	s26 =	sadd.s32 $0x190, s13;
	_ =	swait.ge [sflag:s20], $0xC800  }
0x3d: {  	s30 =	sadd.s32 $0x0, s12;
	s25 =	sshrl.u32 s29, $0x3;
	[sflag:s20] =	ssyncset.done $0x0  }
0x3e: {  	s29 =	sadd.s32 $0xC80, s29;
	s24 =	simm.s32 $0x3200;
	[sflag:s20] =	ssyncadd.s32 $0xFFFF3800  }
.LBB2_2:
0x3f: {  	[hbm4b:s30+s3] =	stream.linear.scatter [tilespmem:s18], [sflag:$0x6], $0xC800, $0x38;
	[tilespmem:$0x19C80] =	vst v63  }
0x40: {  	p0 =	sne.s32 s28, $0x12C00;
	s30 =	sadd.s32 s2, s25;
	s25 =	sshrl.u32 s29, $0x3  }
0x41: {  	[tilespmem:s3], [sflag:$0x1] =	stream.linear.gather [hbm4b:s30+s3], $0x640, $0x38;
	[tilespmem:$0x19C80] =	vst v63  }
0x42: {  	s30 =	smov.u32 s24;
	s24 =	smov.u32 s28;
	s28 =	sadd.s32 $0x3200, s28  }
0x43: {  	[tilespmem:s14], [sflag:$0x2] =	stream.linear.gather [hbm4b:s26+s3], $0x640, $0x38;
	[tilespmem:$0x19C80] =	vst v63  }
0x44: {  	_ =	swait.ge [sflag:s15], $0x640  }
0x45: {  	[sflag:s15] =	ssyncset.done $0x0  }
0x46: {  	[sflag:s15] =	ssyncadd.s32 $0xFFFFF9C0  }
0x47: {  	_ =	swait.ge [sflag:s21], $0xC800  }
0x48: {  	[sflag:s21] =	ssyncset.done $0x0  }
0x49: {  	[sflag:s21] =	ssyncadd.s32 $0xFFFF3800  }
0x4a: {  	[tilespmem:s16], [sflag:$0x3] =	stream.indirect.gather [hbm4b:s4+s14], $0x20, s3, s14, $0xb8;
	[tilespmem:$0x19C80] =	vst v63  }
0x4b: {  	_ =	swait.ge [sflag:s17], $0x640  }
0x4c: {  	[sflag:s17] =	ssyncset.done $0x0  }
0x4d: {  	[sflag:s17] =	ssyncadd.s32 $0xFFFFF9C0  }
0x4e: {  	_ =	swait.ge [sflag:s22], $0xC800  }
0x4f: {  	[sflag:s22] =	ssyncset.done $0x0  }
0x50: {  	[sflag:s22] =	ssyncadd.s32 $0xFFFF3800  }
0x51: {  	[tilespmem:s18], [sflag:$0x4] =	stream.indirect.gather [hbm4b:s4+s14], $0x20, s14, s14, $0xb8;
	[tilespmem:$0x19C80] =	vst v63  }
0x52: {  	_ =	swait.ge [sflag:s19], $0xC800  }
0x53: {  	[sflag:s19] =	ssyncset.done $0x0  }
.Ltmp0:
0x54: {  	s31 =	sadd.s32 s30, s10;
	[sflag:s19] =	ssyncadd.s32 $0xFFFF3800;
	(pc) =	sbr.rel @p0 .LBB2_2-.Ltmp0, $4  }
0x55: {  	[hbm4b:s31+s3] =	stream.linear.scatter [tilespmem:s16], [sflag:$0x5], $0xC800, $0x38;
	[tilespmem:$0x19C80] =	vst v63  }
0x56: {  	_ =	swait.ge [sflag:s20], $0xC800  }
0x57: {  	s26 =	sadd.s32 $0x190, s26;
	[sflag:s20] =	ssyncset.done $0x0  }
0x58: {  	s29 =	sadd.s32 $0xC80, s29;
	s30 =	sadd.s32 s30, s12;
	[sflag:s20] =	ssyncadd.s32 $0xFFFF3800  }
0x59: {  	[hbm4b:s30+s3] =	stream.linear.scatter [tilespmem:s18], [sflag:$0x6], $0xC800, $0x38;
	[tilespmem:$0x19C80] =	vst v63  }
0x5a: {  	s25 =	sadd.s32 s2, s25  }
0x5b: {  	[tilespmem:s3], [sflag:$0x1] =	stream.linear.gather [hbm4b:s25+s3], $0x640, $0x38;
	[tilespmem:$0x19C80] =	vst v63  }
0x5c: {  	_ = 	snop  }
0x5d: {  	[tilespmem:s14], [sflag:$0x2] =	stream.linear.gather [hbm4b:s26+s3], $0x640, $0x38;
	[tilespmem:$0x19C80] =	vst v63  }
0x5e: {  	_ =	swait.ge [sflag:s15], $0x640  }
0x5f: {  	[sflag:s15] =	ssyncset.done $0x0  }
0x60: {  	[sflag:s15] =	ssyncadd.s32 $0xFFFFF9C0  }
0x61: {  	_ =	swait.ge [sflag:s21], $0xC800  }
0x62: {  	[sflag:s21] =	ssyncset.done $0x0  }
0x63: {  	[sflag:s21] =	ssyncadd.s32 $0xFFFF3800  }
0x64: {  	[tilespmem:s16], [sflag:$0x3] =	stream.indirect.gather [hbm4b:s4+s14], $0x20, s3, s14, $0xb8;
	[tilespmem:$0x19C80] =	vst v63  }
0x65: {  	_ =	swait.ge [sflag:s17], $0x640  }
0x66: {  	[sflag:s17] =	ssyncset.done $0x0  }
0x67: {  	[sflag:s17] =	ssyncadd.s32 $0xFFFFF9C0  }
0x68: {  	_ =	swait.ge [sflag:s22], $0xC800  }
0x69: {  	[sflag:s22] =	ssyncset.done $0x0  }
0x6a: {  	[sflag:s22] =	ssyncadd.s32 $0xFFFF3800  }
0x6b: {  	[tilespmem:s18], [sflag:$0x4] =	stream.indirect.gather [hbm4b:s4+s14], $0x20, s14, s14, $0xb8;
	[tilespmem:$0x19C80] =	vst v63  }
0x6c: {  	_ =	swait.ge [sflag:s19], $0xC800  }
0x6d: {  	[sflag:s19] =	ssyncset.done $0x0  }
0x6e: {  	s30 =	sadd.s32 s24, s10;
	[sflag:s19] =	ssyncadd.s32 $0xFFFF3800  }
0x6f: {  	[hbm4b:s30+s3] =	stream.linear.scatter [tilespmem:s16], [sflag:$0x5], $0xC800, $0x38;
	[tilespmem:$0x19C80] =	vst v63  }
0x70: {  	_ =	swait.ge [sflag:s20], $0xC800  }
0x71: {  	[sflag:s20] =	ssyncset.done $0x0  }
0x72: {  	s31 =	sadd.s32 s24, s12;
	s23 =	sadd.s32 $0x1, s23;
	[sflag:s20] =	ssyncadd.s32 $0xFFFF3800  }
0x73: {  	[hbm4b:s31+s3] =	stream.linear.scatter [tilespmem:s18], [sflag:$0x6], $0xC800, $0x38;
	[tilespmem:$0x19C80] =	vst v63  }
0x74: {  	p0 =	sne.s32 s23, s5;
	_ =	swait.ge [sflag:s21], $0xC800  }
.Ltmp1:
0x75: {  	[sflag:s21] =	ssyncset.done $0x0;
	(pc) =	sbr.rel @p0 .LBB2_1-.Ltmp1, $4  }
0x76: {  	[sflag:s21] =	ssyncadd.s32 $0xFFFF3800  }
0x77: {  	_ =	swait.ge [sflag:s22], $0xC800  }
0x78: {  	[sflag:s22] =	ssyncset.done $0x0  }
0x79: {  	[sflag:s22] =	ssyncadd.s32 $0xFFFF3800  }
0x7a: {  	_ =	sfence.sel $0x180000  }
0x7b: {  	[bflag:$0x0] =	sbarrier.arrive $0xFFFF  }
0x7c: {  	p0 =	sne.s32 s1, $0x0;
	_ =	strace $0x90000047  }
0x7d: {  	s0 =	sadd.s32 @!p0 $0x100000, s0;
	[bflag:$0x2] =	sbarrier.arrive $0xFFFF  }
0x7e: {  	[sflag:s0] =	ssyncadd.tile.s32 @!p0 $0x1;
	_ =	shalt  }
.Lfunc_end2:
_tile_overlayer_lowered:
.L_overlay_start_2:
0x7f: {  	(tag) =	ssettag $0x2  }
0x80: {  	s0 =	rddreg [dreg:$0x0];
	s2 =	stileid.u32  }
0x81: {  	s1 =	rddreg [dreg:$0x1];
	p0 =	sne.s32 s2, $0x0  }
0x82: {  	s3 =	rddreg [dreg:$0x2];
	[bflag:$0x3] =	sbarrier.arrive $0xFFFF;
	s2 =	simm.s32 @!p0 $0x1C07  }
0x83: {  	[timem:s3], [sflag:s2] =	dma.local @!p0 [hbm:s0], s1  }
0x84: {  	s0 =	simm.s32 @!p0 $0x7  }
0x85: {  	_ =	swait.ge @!p0 [sflag:s0], s1  }
0x86: {  	s1 =	ssub.s32 @!p0 $0x0, s1;
	[sflag:s0] =	ssyncset.done @!p0 $0x0  }
0x87: {  	[sflag:s0] =	ssyncadd.s32 @!p0 s1  }
0x88: {  	[bflag:$0x3] =	sbarrier.arrive $0xFFFF  }
0x89: {  	_ =	shalt  }

</sc_bundles>
